<compile_context>
chip_gen: v7x
topology: tpu7x:2x2x1
jax: 0.10.2.dev20260603
libtpu: 0.0.44.dev20260713+nightly
codegen_flags: <defaults>
</compile_context>

<pallas_src>
import functools

import jax
import jax.numpy as jnp
from jax import lax
from jax.experimental import pallas as pl
from jax.experimental.pallas import tpu as pltpu
from jax.experimental.pallas import tpu_sc as plsc

NUM_CLASSES = 1000
BATCH = 16384

NC = 2
NS = 16
L = 16
NW = NC * NS

ROWS_PER_W = BATCH // NW
HALF = ROWS_PER_W // 2
ZROWS = ROWS_PER_W // NS

_ZCOLS = tuple(range(0, NUM_CLASSES - L, L)) + (NUM_CLASSES - L,)


def _one_hot_body(x_hbm, out_hbm, idx_v, zbuf, ident, drain_v,
                  shared_z, sem_fill, sem_a, sem_b, sem_one):
    cid = lax.axis_index("c")
    sid = lax.axis_index("s")
    wid = sid * NC + cid
    rbase = wid * ROWS_PER_W

    pltpu.sync_copy(x_hbm.at[pl.ds(rbase, ROWS_PER_W)], idx_v)

    zeros16 = jnp.zeros((L,), jnp.float32)
    lane = lax.iota(jnp.int32, L)

    def _zero_row(r, carry):
        for c in _ZCOLS:
            zbuf[r, pl.ds(c, L)] = zeros16
        return carry

    lax.fori_loop(0, ZROWS, _zero_row, 0)
    for o in range(L):
        ident[o, :] = jnp.where(lane == o, 1.0, 0.0).astype(jnp.float32)

    fill_cp = pltpu.async_copy(
        zbuf, shared_z.at[pl.ds(sid * ZROWS, ZROWS)], sem_fill)
    fill_cp.wait()
    plsc.subcore_barrier()

    bulk_a = pltpu.async_copy(
        shared_z.at[pl.ds(0, HALF)],
        out_hbm.at[pl.ds(rbase, HALF)], sem_a)
    bulk_b = pltpu.async_copy(
        shared_z.at[pl.ds(HALF, HALF)],
        out_hbm.at[pl.ds(rbase + HALF, HALF)], sem_b)

    def _ones(base):
        def _one(q, carry):
            v = idx_v[pl.ds(base + q * L, L)]
            for j in range(L):
                c = v[j]
                s = pl.multiple_of(
                    jnp.minimum((c >> 3) << 3, NUM_CLASSES - L), 8)
                pltpu.async_copy(
                    ident.at[c - s],
                    out_hbm.at[rbase + base + q * L + j, pl.ds(s, L)],
                    sem_one)
            return carry
        lax.fori_loop(0, HALF // L, _one, 0)

    bulk_a.wait()
    _ones(0)
    bulk_b.wait()
    _ones(HALF)

    pltpu.make_async_copy(
        x_hbm.at[pl.ds(0, ROWS_PER_W * L)], drain_v, sem_one).wait()


_one_hot_sc = functools.partial(
    pl.kernel,
    out_type=jax.ShapeDtypeStruct((BATCH, NUM_CLASSES), jnp.float32),
    mesh=plsc.VectorSubcoreMesh(core_axis_name="c", subcore_axis_name="s"),
    compiler_params=pltpu.CompilerParams(
        needs_layout_passes=False, use_tc_tiling_on_sc=False),
    scratch_types=[
        pltpu.VMEM((ROWS_PER_W,), jnp.int32),
        pltpu.VMEM((ZROWS, NUM_CLASSES), jnp.float32),
        pltpu.VMEM((L, L), jnp.float32),
        pltpu.VMEM((ROWS_PER_W * L,), jnp.int32),
        pltpu.VMEM_SHARED((ROWS_PER_W, NUM_CLASSES), jnp.float32),
        pltpu.SemaphoreType.DMA,
        pltpu.SemaphoreType.DMA,
        pltpu.SemaphoreType.DMA,
        pltpu.SemaphoreType.DMA,
    ],
)(_one_hot_body)


def kernel(x):
    return _one_hot_sc(jnp.reshape(x, (BATCH,)))

# --- scband reference (transcript-rebuilt; emitter-appended) ---
"""Pipeline reference for scband-one-hot-16647293239857 (READ-ONLY COPY).

The authoritative reference and input builder live on the scoring server;
editing this copy changes nothing except your own understanding.
"""

import jax, jax.numpy as jnp
import numpy as np

NUM_CLASSES = 1000
BATCH = 16384


def setup_inputs(seed: int = 0) -> dict:
    key = jax.random.key(seed)
    x = jax.random.randint(key, (BATCH, 1), 0, NUM_CLASSES, dtype=jnp.int32)
    return {"x": x}


def reference(x):
    # OneHot.forward with space = Discrete(NUM_CLASSES):
    #   F.one_hot(x.squeeze(1).long(), space.n)
    # torch returns int64; we emit float32 so the op is representative of the
    # downstream usage (one-hot feeding dense layers) and differentiable-shaped.
    idx = jnp.squeeze(x, axis=1)
    return jax.nn.one_hot(idx, NUM_CLASSES, dtype=jnp.float32)

if __name__ == "__main__":
    import jax
    _d = setup_inputs()
    print(jax.jit(kernel)(*tuple(_d.values())))

</pallas_src>

<mosaic_0001>
#map = affine_map<(d0, d1) -> (0)>
#map1 = affine_map<(d0, d1) -> (0, 0)>
module attributes {stable_mosaic.version = 14 : i64} {
  func.func @_one_hot_body(%arg0: i32, %arg1: i32, %arg2: memref<16384xi32, #tpu.memory_space<hbm>>, %arg3: memref<16384x1000xf32, #tpu.memory_space<hbm>>, %arg4: memref<512xi32, #tpu.memory_space<vmem>>, %arg5: memref<32x1000xf32, #tpu.memory_space<vmem>>, %arg6: memref<16x16xf32, #tpu.memory_space<vmem>>, %arg7: memref<8192xi32, #tpu.memory_space<vmem>>, %arg8: memref<512x1000xf32, #tpu.memory_space<vmem_shared>>, %arg9: memref<!tpu.dma_semaphore, #tpu.memory_space<semaphore_mem>>, %arg10: memref<!tpu.dma_semaphore, #tpu.memory_space<semaphore_mem>>, %arg11: memref<!tpu.dma_semaphore, #tpu.memory_space<semaphore_mem>>, %arg12: memref<!tpu.dma_semaphore, #tpu.memory_space<semaphore_mem>>) attributes {dimension_semantics = [#tpu.dimension_semantics<core_parallel>, #tpu.dimension_semantics<subcore_parallel>], iteration_bounds = array<i64: 2, 16>, scalar_prefetch = 0 : i64, scratch_operands = 9 : i64, tpu.core_type = #tpu.core_type<sc_vector_subcore>, window_params = [{transform_indices = #map}, {transform_indices = #map1}]} {
    %mul3A = arith.constant 2 : i32
    %mul3A_0 = arith.muli %arg1, %mul3A : i32
    %add3A = arith.addi %mul3A_0, %arg0 : i32
    %mul3A_1 = arith.constant 512 : i32
    %mul3A_2 = arith.muli %add3A, %mul3A_1 : i32
    "tpu.region"() ({
      %run_scoped3A = tpu.sem_alloc : memref<!tpu.dma_semaphore, #tpu.memory_space<semaphore_mem>>
      %dma_start3A_243 = tpu.memref_slice %arg2[%mul3A_2] : memref<16384xi32, #tpu.memory_space<hbm>> -> memref<512xi32, #tpu.memory_space<hbm>>
      %dma_start3A_244 = tpu.memref_slice %arg2[%mul3A_2] : memref<16384xi32, #tpu.memory_space<hbm>> -> memref<512xi32, #tpu.memory_space<hbm>>
      tpu.enqueue_dma source(%dma_start3A_244 : memref<512xi32, #tpu.memory_space<hbm>>) target(%arg4 : memref<512xi32, #tpu.memory_space<vmem>>) target_semaphore(%run_scoped3A : memref<!tpu.dma_semaphore, #tpu.memory_space<semaphore_mem>>)
      %dma_wait3A_245 = tpu.memref_slice %arg2[%mul3A_2] : memref<16384xi32, #tpu.memory_space<hbm>> -> memref<512xi32, #tpu.memory_space<hbm>>
      %dma_wait3A_246 = tpu.memref_slice %arg2[%mul3A_2] : memref<16384xi32, #tpu.memory_space<hbm>> -> memref<512xi32, #tpu.memory_space<hbm>>
      tpu.wait_dma2 semaphore(%run_scoped3A : memref<!tpu.dma_semaphore, #tpu.memory_space<semaphore_mem>>) src(%dma_wait3A_246 : memref<512xi32, #tpu.memory_space<hbm>>) dst(%arg4 : memref<512xi32, #tpu.memory_space<vmem>>)
      tpu.yield
    }) : () -> ()
    %broadcast_in_dim3A = arith.constant 0.000000e+00 : f32
    %broadcast_in_dim3A_3 = vector.broadcast %broadcast_in_dim3A : f32 to vector<16xf32>
    %iota3A = tpu.iota {dimensions = array<i32: 0>} : vector<16xi32>
    %scan3A = arith.constant 0 : i32
    %scan3A_4 = arith.constant 0 : i32
    %scan3A_5 = arith.constant 32 : i32
    %scan3A_6 = arith.addi %scan3A_4, %scan3A_5 : i32
    %scan3A_7 = arith.constant 1 : i32
    scf.for %scan3A_243 = %scan3A_4 to %scan3A_6 step %scan3A_7  : i32 {
      %swap3A_244 = arith.index_cast %scan3A_243 : i32 to index
      %swap3A_245 = arith.constant 0 : index
      %swap3A_246 = tpu.vector_load %arg5[%swap3A_244, %swap3A_245] {strides = array<i32>} : memref<32x1000xf32, #tpu.memory_space<vmem>>, vector<16xf32>,
      tpu.vector_store %arg5[%swap3A_244, %swap3A_245], %broadcast_in_dim3A_3 {strides = array<i32>} : memref<32x1000xf32, #tpu.memory_space<vmem>>, vector<16xf32>,
      %swap3A_247 = arith.index_cast %scan3A_243 : i32 to index
      %swap3A_248 = arith.constant 16 : index
      %swap3A_249 = tpu.vector_load %arg5[%swap3A_247, %swap3A_248] {strides = array<i32>} : memref<32x1000xf32, #tpu.memory_space<vmem>>, vector<16xf32>,
      tpu.vector_store %arg5[%swap3A_247, %swap3A_248], %broadcast_in_dim3A_3 {strides = array<i32>} : memref<32x1000xf32, #tpu.memory_space<vmem>>, vector<16xf32>,
      %swap3A_250 = arith.index_cast %scan3A_243 : i32 to index
      %swap3A_251 = arith.constant 32 : index
      %swap3A_252 = tpu.vector_load %arg5[%swap3A_250, %swap3A_251] {strides = array<i32>} : memref<32x1000xf32, #tpu.memory_space<vmem>>, vector<16xf32>,
      tpu.vector_store %arg5[%swap3A_250, %swap3A_251], %broadcast_in_dim3A_3 {strides = array<i32>} : memref<32x1000xf32, #tpu.memory_space<vmem>>, vector<16xf32>,
      %swap3A_253 = arith.index_cast %scan3A_243 : i32 to index
      %swap3A_254 = arith.constant 48 : index
      %swap3A_255 = tpu.vector_load %arg5[%swap3A_253, %swap3A_254] {strides = array<i32>} : memref<32x1000xf32, #tpu.memory_space<vmem>>, vector<16xf32>,
      tpu.vector_store %arg5[%swap3A_253, %swap3A_254], %broadcast_in_dim3A_3 {strides = array<i32>} : memref<32x1000xf32, #tpu.memory_space<vmem>>, vector<16xf32>,
      %swap3A_256 = arith.index_cast %scan3A_243 : i32 to index
      %swap3A_257 = arith.constant 64 : index
      %swap3A_258 = tpu.vector_load %arg5[%swap3A_256, %swap3A_257] {strides = array<i32>} : memref<32x1000xf32, #tpu.memory_space<vmem>>, vector<16xf32>,
      tpu.vector_store %arg5[%swap3A_256, %swap3A_257], %broadcast_in_dim3A_3 {strides = array<i32>} : memref<32x1000xf32, #tpu.memory_space<vmem>>, vector<16xf32>,
      %swap3A_259 = arith.index_cast %scan3A_243 : i32 to index
      %swap3A_260 = arith.constant 80 : index
      %swap3A_261 = tpu.vector_load %arg5[%swap3A_259, %swap3A_260] {strides = array<i32>} : memref<32x1000xf32, #tpu.memory_space<vmem>>, vector<16xf32>,
      tpu.vector_store %arg5[%swap3A_259, %swap3A_260], %broadcast_in_dim3A_3 {strides = array<i32>} : memref<32x1000xf32, #tpu.memory_space<vmem>>, vector<16xf32>,
      %swap3A_262 = arith.index_cast %scan3A_243 : i32 to index
      %swap3A_263 = arith.constant 96 : index
      %swap3A_264 = tpu.vector_load %arg5[%swap3A_262, %swap3A_263] {strides = array<i32>} : memref<32x1000xf32, #tpu.memory_space<vmem>>, vector<16xf32>,
      tpu.vector_store %arg5[%swap3A_262, %swap3A_263], %broadcast_in_dim3A_3 {strides = array<i32>} : memref<32x1000xf32, #tpu.memory_space<vmem>>, vector<16xf32>,
      %swap3A_265 = arith.index_cast %scan3A_243 : i32 to index
      %swap3A_266 = arith.constant 112 : index
      %swap3A_267 = tpu.vector_load %arg5[%swap3A_265, %swap3A_266] {strides = array<i32>} : memref<32x1000xf32, #tpu.memory_space<vmem>>, vector<16xf32>,
      tpu.vector_store %arg5[%swap3A_265, %swap3A_266], %broadcast_in_dim3A_3 {strides = array<i32>} : memref<32x1000xf32, #tpu.memory_space<vmem>>, vector<16xf32>,
      %swap3A_268 = arith.index_cast %scan3A_243 : i32 to index
      %swap3A_269 = arith.constant 128 : index
      %swap3A_270 = tpu.vector_load %arg5[%swap3A_268, %swap3A_269] {strides = array<i32>} : memref<32x1000xf32, #tpu.memory_space<vmem>>, vector<16xf32>,
      tpu.vector_store %arg5[%swap3A_268, %swap3A_269], %broadcast_in_dim3A_3 {strides = array<i32>} : memref<32x1000xf32, #tpu.memory_space<vmem>>, vector<16xf32>,
      %swap3A_271 = arith.index_cast %scan3A_243 : i32 to index
      %swap3A_272 = arith.constant 144 : index
      %swap3A_273 = tpu.vector_load %arg5[%swap3A_271, %swap3A_272] {strides = array<i32>} : memref<32x1000xf32, #tpu.memory_space<vmem>>, vector<16xf32>,
      tpu.vector_store %arg5[%swap3A_271, %swap3A_272], %broadcast_in_dim3A_3 {strides = array<i32>} : memref<32x1000xf32, #tpu.memory_space<vmem>>, vector<16xf32>,
      %swap3A_274 = arith.index_cast %scan3A_243 : i32 to index
      %swap3A_275 = arith.constant 160 : index
      %swap3A_276 = tpu.vector_load %arg5[%swap3A_274, %swap3A_275] {strides = array<i32>} : memref<32x1000xf32, #tpu.memory_space<vmem>>, vector<16xf32>,
      tpu.vector_store %arg5[%swap3A_274, %swap3A_275], %broadcast_in_dim3A_3 {strides = array<i32>} : memref<32x1000xf32, #tpu.memory_space<vmem>>, vector<16xf32>,
      %swap3A_277 = arith.index_cast %scan3A_243 : i32 to index
      %swap3A_278 = arith.constant 176 : index
      %swap3A_279 = tpu.vector_load %arg5[%swap3A_277, %swap3A_278] {strides = array<i32>} : memref<32x1000xf32, #tpu.memory_space<vmem>>, vector<16xf32>,
      tpu.vector_store %arg5[%swap3A_277, %swap3A_278], %broadcast_in_dim3A_3 {strides = array<i32>} : memref<32x1000xf32, #tpu.memory_space<vmem>>, vector<16xf32>,
      %swap3A_280 = arith.index_cast %scan3A_243 : i32 to index
      %swap3A_281 = arith.constant 192 : index
      %swap3A_282 = tpu.vector_load %arg5[%swap3A_280, %swap3A_281] {strides = array<i32>} : memref<32x1000xf32, #tpu.memory_space<vmem>>, vector<16xf32>,
      tpu.vector_store %arg5[%swap3A_280, %swap3A_281], %broadcast_in_dim3A_3 {strides = array<i32>} : memref<32x1000xf32, #tpu.memory_space<vmem>>, vector<16xf32>,
      %swap3A_283 = arith.index_cast %scan3A_243 : i32 to index
      %swap3A_284 = arith.constant 208 : index
      %swap3A_285 = tpu.vector_load %arg5[%swap3A_283, %swap3A_284] {strides = array<i32>} : memref<32x1000xf32, #tpu.memory_space<vmem>>, vector<16xf32>,
      tpu.vector_store %arg5[%swap3A_283, %swap3A_284], %broadcast_in_dim3A_3 {strides = array<i32>} : memref<32x1000xf32, #tpu.memory_space<vmem>>, vector<16xf32>,
      %swap3A_286 = arith.index_cast %scan3A_243 : i32 to index
      %swap3A_287 = arith.constant 224 : index
      %swap3A_288 = tpu.vector_load %arg5[%swap3A_286, %swap3A_287] {strides = array<i32>} : memref<32x1000xf32, #tpu.memory_space<vmem>>, vector<16xf32>,
      tpu.vector_store %arg5[%swap3A_286, %swap3A_287], %broadcast_in_dim3A_3 {strides = array<i32>} : memref<32x1000xf32, #tpu.memory_space<vmem>>, vector<16xf32>,
      %swap3A_289 = arith.index_cast %scan3A_243 : i32 to index
      %swap3A_290 = arith.constant 240 : index
      %swap3A_291 = tpu.vector_load %arg5[%swap3A_289, %swap3A_290] {strides = array<i32>} : memref<32x1000xf32, #tpu.memory_space<vmem>>, vector<16xf32>,
      tpu.vector_store %arg5[%swap3A_289, %swap3A_290], %broadcast_in_dim3A_3 {strides = array<i32>} : memref<32x1000xf32, #tpu.memory_space<vmem>>, vector<16xf32>,
      %swap3A_292 = arith.index_cast %scan3A_243 : i32 to index
      %swap3A_293 = arith.constant 256 : index
      %swap3A_294 = tpu.vector_load %arg5[%swap3A_292, %swap3A_293] {strides = array<i32>} : memref<32x1000xf32, #tpu.memory_space<vmem>>, vector<16xf32>,
      tpu.vector_store %arg5[%swap3A_292, %swap3A_293], %broadcast_in_dim3A_3 {strides = array<i32>} : memref<32x1000xf32, #tpu.memory_space<vmem>>, vector<16xf32>,
      %swap3A_295 = arith.index_cast %scan3A_243 : i32 to index
      %swap3A_296 = arith.constant 272 : index
      %swap3A_297 = tpu.vector_load %arg5[%swap3A_295, %swap3A_296] {strides = array<i32>} : memref<32x1000xf32, #tpu.memory_space<vmem>>, vector<16xf32>,
      tpu.vector_store %arg5[%swap3A_295, %swap3A_296], %broadcast_in_dim3A_3 {strides = array<i32>} : memref<32x1000xf32, #tpu.memory_space<vmem>>, vector<16xf32>,
      %swap3A_298 = arith.index_cast %scan3A_243 : i32 to index
      %swap3A_299 = arith.constant 288 : index
      %swap3A_300 = tpu.vector_load %arg5[%swap3A_298, %swap3A_299] {strides = array<i32>} : memref<32x1000xf32, #tpu.memory_space<vmem>>, vector<16xf32>,
      tpu.vector_store %arg5[%swap3A_298, %swap3A_299], %broadcast_in_dim3A_3 {strides = array<i32>} : memref<32x1000xf32, #tpu.memory_space<vmem>>, vector<16xf32>,
      %swap3A_301 = arith.index_cast %scan3A_243 : i32 to index
      %swap3A_302 = arith.constant 304 : index
      %swap3A_303 = tpu.vector_load %arg5[%swap3A_301, %swap3A_302] {strides = array<i32>} : memref<32x1000xf32, #tpu.memory_space<vmem>>, vector<16xf32>,
      tpu.vector_store %arg5[%swap3A_301, %swap3A_302], %broadcast_in_dim3A_3 {strides = array<i32>} : memref<32x1000xf32, #tpu.memory_space<vmem>>, vector<16xf32>,
      %swap3A_304 = arith.index_cast %scan3A_243 : i32 to index
      %swap3A_305 = arith.constant 320 : index
      %swap3A_306 = tpu.vector_load %arg5[%swap3A_304, %swap3A_305] {strides = array<i32>} : memref<32x1000xf32, #tpu.memory_space<vmem>>, vector<16xf32>,
      tpu.vector_store %arg5[%swap3A_304, %swap3A_305], %broadcast_in_dim3A_3 {strides = array<i32>} : memref<32x1000xf32, #tpu.memory_space<vmem>>, vector<16xf32>,
      %swap3A_307 = arith.index_cast %scan3A_243 : i32 to index
      %swap3A_308 = arith.constant 336 : index
      %swap3A_309 = tpu.vector_load %arg5[%swap3A_307, %swap3A_308] {strides = array<i32>} : memref<32x1000xf32, #tpu.memory_space<vmem>>, vector<16xf32>,
      tpu.vector_store %arg5[%swap3A_307, %swap3A_308], %broadcast_in_dim3A_3 {strides = array<i32>} : memref<32x1000xf32, #tpu.memory_space<vmem>>, vector<16xf32>,
      %swap3A_310 = arith.index_cast %scan3A_243 : i32 to index
      %swap3A_311 = arith.constant 352 : index
      %swap3A_312 = tpu.vector_load %arg5[%swap3A_310, %swap3A_311] {strides = array<i32>} : memref<32x1000xf32, #tpu.memory_space<vmem>>, vector<16xf32>,
      tpu.vector_store %arg5[%swap3A_310, %swap3A_311], %broadcast_in_dim3A_3 {strides = array<i32>} : memref<32x1000xf32, #tpu.memory_space<vmem>>, vector<16xf32>,
      %swap3A_313 = arith.index_cast %scan3A_243 : i32 to index
      %swap3A_314 = arith.constant 368 : index
      %swap3A_315 = tpu.vector_load %arg5[%swap3A_313, %swap3A_314] {strides = array<i32>} : memref<32x1000xf32, #tpu.memory_space<vmem>>, vector<16xf32>,
      tpu.vector_store %arg5[%swap3A_313, %swap3A_314], %broadcast_in_dim3A_3 {strides = array<i32>} : memref<32x1000xf32, #tpu.memory_space<vmem>>, vector<16xf32>,
      %swap3A_316 = arith.index_cast %scan3A_243 : i32 to index
      %swap3A_317 = arith.constant 384 : index
      %swap3A_318 = tpu.vector_load %arg5[%swap3A_316, %swap3A_317] {strides = array<i32>} : memref<32x1000xf32, #tpu.memory_space<vmem>>, vector<16xf32>,
      tpu.vector_store %arg5[%swap3A_316, %swap3A_317], %broadcast_in_dim3A_3 {strides = array<i32>} : memref<32x1000xf32, #tpu.memory_space<vmem>>, vector<16xf32>,
      %swap3A_319 = arith.index_cast %scan3A_243 : i32 to index
      %swap3A_320 = arith.constant 400 : index
      %swap3A_321 = tpu.vector_load %arg5[%swap3A_319, %swap3A_320] {strides = array<i32>} : memref<32x1000xf32, #tpu.memory_space<vmem>>, vector<16xf32>,
      tpu.vector_store %arg5[%swap3A_319, %swap3A_320], %broadcast_in_dim3A_3 {strides = array<i32>} : memref<32x1000xf32, #tpu.memory_space<vmem>>, vector<16xf32>,
      %swap3A_322 = arith.index_cast %scan3A_243 : i32 to index
      %swap3A_323 = arith.constant 416 : index
      %swap3A_324 = tpu.vector_load %arg5[%swap3A_322, %swap3A_323] {strides = array<i32>} : memref<32x1000xf32, #tpu.memory_space<vmem>>, vector<16xf32>,
      tpu.vector_store %arg5[%swap3A_322, %swap3A_323], %broadcast_in_dim3A_3 {strides = array<i32>} : memref<32x1000xf32, #tpu.memory_space<vmem>>, vector<16xf32>,
      %swap3A_325 = arith.index_cast %scan3A_243 : i32 to index
      %swap3A_326 = arith.constant 432 : index
      %swap3A_327 = tpu.vector_load %arg5[%swap3A_325, %swap3A_326] {strides = array<i32>} : memref<32x1000xf32, #tpu.memory_space<vmem>>, vector<16xf32>,
      tpu.vector_store %arg5[%swap3A_325, %swap3A_326], %broadcast_in_dim3A_3 {strides = array<i32>} : memref<32x1000xf32, #tpu.memory_space<vmem>>, vector<16xf32>,
      %swap3A_328 = arith.index_cast %scan3A_243 : i32 to index
      %swap3A_329 = arith.constant 448 : index
      %swap3A_330 = tpu.vector_load %arg5[%swap3A_328, %swap3A_329] {strides = array<i32>} : memref<32x1000xf32, #tpu.memory_space<vmem>>, vector<16xf32>,
      tpu.vector_store %arg5[%swap3A_328, %swap3A_329], %broadcast_in_dim3A_3 {strides = array<i32>} : memref<32x1000xf32, #tpu.memory_space<vmem>>, vector<16xf32>,
      %swap3A_331 = arith.index_cast %scan3A_243 : i32 to index
      %swap3A_332 = arith.constant 464 : index
      %swap3A_333 = tpu.vector_load %arg5[%swap3A_331, %swap3A_332] {strides = array<i32>} : memref<32x1000xf32, #tpu.memory_space<vmem>>, vector<16xf32>,
      tpu.vector_store %arg5[%swap3A_331, %swap3A_332], %broadcast_in_dim3A_3 {strides = array<i32>} : memref<32x1000xf32, #tpu.memory_space<vmem>>, vector<16xf32>,
      %swap3A_334 = arith.index_cast %scan3A_243 : i32 to index
      %swap3A_335 = arith.constant 480 : index
      %swap3A_336 = tpu.vector_load %arg5[%swap3A_334, %swap3A_335] {strides = array<i32>} : memref<32x1000xf32, #tpu.memory_space<vmem>>, vector<16xf32>,
      tpu.vector_store %arg5[%swap3A_334, %swap3A_335], %broadcast_in_dim3A_3 {strides = array<i32>} : memref<32x1000xf32, #tpu.memory_space<vmem>>, vector<16xf32>,
      %swap3A_337 = arith.index_cast %scan3A_243 : i32 to index
      %swap3A_338 = arith.constant 496 : index
      %swap3A_339 = tpu.vector_load %arg5[%swap3A_337, %swap3A_338] {strides = array<i32>} : memref<32x1000xf32, #tpu.memory_space<vmem>>, vector<16xf32>,
      tpu.vector_store %arg5[%swap3A_337, %swap3A_338], %broadcast_in_dim3A_3 {strides = array<i32>} : memref<32x1000xf32, #tpu.memory_space<vmem>>, vector<16xf32>,
      %swap3A_340 = arith.index_cast %scan3A_243 : i32 to index
      %swap3A_341 = arith.constant 512 : index
      %swap3A_342 = tpu.vector_load %arg5[%swap3A_340, %swap3A_341] {strides = array<i32>} : memref<32x1000xf32, #tpu.memory_space<vmem>>, vector<16xf32>,
      tpu.vector_store %arg5[%swap3A_340, %swap3A_341], %broadcast_in_dim3A_3 {strides = array<i32>} : memref<32x1000xf32, #tpu.memory_space<vmem>>, vector<16xf32>,
      %swap3A_343 = arith.index_cast %scan3A_243 : i32 to index
      %swap3A_344 = arith.constant 528 : index
      %swap3A_345 = tpu.vector_load %arg5[%swap3A_343, %swap3A_344] {strides = array<i32>} : memref<32x1000xf32, #tpu.memory_space<vmem>>, vector<16xf32>,
      tpu.vector_store %arg5[%swap3A_343, %swap3A_344], %broadcast_in_dim3A_3 {strides = array<i32>} : memref<32x1000xf32, #tpu.memory_space<vmem>>, vector<16xf32>,
      %swap3A_346 = arith.index_cast %scan3A_243 : i32 to index
      %swap3A_347 = arith.constant 544 : index
      %swap3A_348 = tpu.vector_load %arg5[%swap3A_346, %swap3A_347] {strides = array<i32>} : memref<32x1000xf32, #tpu.memory_space<vmem>>, vector<16xf32>,
      tpu.vector_store %arg5[%swap3A_346, %swap3A_347], %broadcast_in_dim3A_3 {strides = array<i32>} : memref<32x1000xf32, #tpu.memory_space<vmem>>, vector<16xf32>,
      %swap3A_349 = arith.index_cast %scan3A_243 : i32 to index
      %swap3A_350 = arith.constant 560 : index
      %swap3A_351 = tpu.vector_load %arg5[%swap3A_349, %swap3A_350] {strides = array<i32>} : memref<32x1000xf32, #tpu.memory_space<vmem>>, vector<16xf32>,
      tpu.vector_store %arg5[%swap3A_349, %swap3A_350], %broadcast_in_dim3A_3 {strides = array<i32>} : memref<32x1000xf32, #tpu.memory_space<vmem>>, vector<16xf32>,
      %swap3A_352 = arith.index_cast %scan3A_243 : i32 to index
      %swap3A_353 = arith.constant 576 : index
      %swap3A_354 = tpu.vector_load %arg5[%swap3A_352, %swap3A_353] {strides = array<i32>} : memref<32x1000xf32, #tpu.memory_space<vmem>>, vector<16xf32>,
      tpu.vector_store %arg5[%swap3A_352, %swap3A_353], %broadcast_in_dim3A_3 {strides = array<i32>} : memref<32x1000xf32, #tpu.memory_space<vmem>>, vector<16xf32>,
      %swap3A_355 = arith.index_cast %scan3A_243 : i32 to index
      %swap3A_356 = arith.constant 592 : index
      %swap3A_357 = tpu.vector_load %arg5[%swap3A_355, %swap3A_356] {strides = array<i32>} : memref<32x1000xf32, #tpu.memory_space<vmem>>, vector<16xf32>,
      tpu.vector_store %arg5[%swap3A_355, %swap3A_356], %broadcast_in_dim3A_3 {strides = array<i32>} : memref<32x1000xf32, #tpu.memory_space<vmem>>, vector<16xf32>,
      %swap3A_358 = arith.index_cast %scan3A_243 : i32 to index
      %swap3A_359 = arith.constant 608 : index
      %swap3A_360 = tpu.vector_load %arg5[%swap3A_358, %swap3A_359] {strides = array<i32>} : memref<32x1000xf32, #tpu.memory_space<vmem>>, vector<16xf32>,
      tpu.vector_store %arg5[%swap3A_358, %swap3A_359], %broadcast_in_dim3A_3 {strides = array<i32>} : memref<32x1000xf32, #tpu.memory_space<vmem>>, vector<16xf32>,
      %swap3A_361 = arith.index_cast %scan3A_243 : i32 to index
      %swap3A_362 = arith.constant 624 : index
      %swap3A_363 = tpu.vector_load %arg5[%swap3A_361, %swap3A_362] {strides = array<i32>} : memref<32x1000xf32, #tpu.memory_space<vmem>>, vector<16xf32>,
      tpu.vector_store %arg5[%swap3A_361, %swap3A_362], %broadcast_in_dim3A_3 {strides = array<i32>} : memref<32x1000xf32, #tpu.memory_space<vmem>>, vector<16xf32>,
      %swap3A_364 = arith.index_cast %scan3A_243 : i32 to index
      %swap3A_365 = arith.constant 640 : index
      %swap3A_366 = tpu.vector_load %arg5[%swap3A_364, %swap3A_365] {strides = array<i32>} : memref<32x1000xf32, #tpu.memory_space<vmem>>, vector<16xf32>,
      tpu.vector_store %arg5[%swap3A_364, %swap3A_365], %broadcast_in_dim3A_3 {strides = array<i32>} : memref<32x1000xf32, #tpu.memory_space<vmem>>, vector<16xf32>,
      %swap3A_367 = arith.index_cast %scan3A_243 : i32 to index
      %swap3A_368 = arith.constant 656 : index
      %swap3A_369 = tpu.vector_load %arg5[%swap3A_367, %swap3A_368] {strides = array<i32>} : memref<32x1000xf32, #tpu.memory_space<vmem>>, vector<16xf32>,
      tpu.vector_store %arg5[%swap3A_367, %swap3A_368], %broadcast_in_dim3A_3 {strides = array<i32>} : memref<32x1000xf32, #tpu.memory_space<vmem>>, vector<16xf32>,
      %swap3A_370 = arith.index_cast %scan3A_243 : i32 to index
      %swap3A_371 = arith.constant 672 : index
      %swap3A_372 = tpu.vector_load %arg5[%swap3A_370, %swap3A_371] {strides = array<i32>} : memref<32x1000xf32, #tpu.memory_space<vmem>>, vector<16xf32>,
      tpu.vector_store %arg5[%swap3A_370, %swap3A_371], %broadcast_in_dim3A_3 {strides = array<i32>} : memref<32x1000xf32, #tpu.memory_space<vmem>>, vector<16xf32>,
      %swap3A_373 = arith.index_cast %scan3A_243 : i32 to index
      %swap3A_374 = arith.constant 688 : index
      %swap3A_375 = tpu.vector_load %arg5[%swap3A_373, %swap3A_374] {strides = array<i32>} : memref<32x1000xf32, #tpu.memory_space<vmem>>, vector<16xf32>,
      tpu.vector_store %arg5[%swap3A_373, %swap3A_374], %broadcast_in_dim3A_3 {strides = array<i32>} : memref<32x1000xf32, #tpu.memory_space<vmem>>, vector<16xf32>,
      %swap3A_376 = arith.index_cast %scan3A_243 : i32 to index
      %swap3A_377 = arith.constant 704 : index
      %swap3A_378 = tpu.vector_load %arg5[%swap3A_376, %swap3A_377] {strides = array<i32>} : memref<32x1000xf32, #tpu.memory_space<vmem>>, vector<16xf32>,
      tpu.vector_store %arg5[%swap3A_376, %swap3A_377], %broadcast_in_dim3A_3 {strides = array<i32>} : memref<32x1000xf32, #tpu.memory_space<vmem>>, vector<16xf32>,
      %swap3A_379 = arith.index_cast %scan3A_243 : i32 to index
      %swap3A_380 = arith.constant 720 : index
      %swap3A_381 = tpu.vector_load %arg5[%swap3A_379, %swap3A_380] {strides = array<i32>} : memref<32x1000xf32, #tpu.memory_space<vmem>>, vector<16xf32>,
      tpu.vector_store %arg5[%swap3A_379, %swap3A_380], %broadcast_in_dim3A_3 {strides = array<i32>} : memref<32x1000xf32, #tpu.memory_space<vmem>>, vector<16xf32>,
      %swap3A_382 = arith.index_cast %scan3A_243 : i32 to index
      %swap3A_383 = arith.constant 736 : index
      %swap3A_384 = tpu.vector_load %arg5[%swap3A_382, %swap3A_383] {strides = array<i32>} : memref<32x1000xf32, #tpu.memory_space<vmem>>, vector<16xf32>,
      tpu.vector_store %arg5[%swap3A_382, %swap3A_383], %broadcast_in_dim3A_3 {strides = array<i32>} : memref<32x1000xf32, #tpu.memory_space<vmem>>, vector<16xf32>,
      %swap3A_385 = arith.index_cast %scan3A_243 : i32 to index
      %swap3A_386 = arith.constant 752 : index
      %swap3A_387 = tpu.vector_load %arg5[%swap3A_385, %swap3A_386] {strides = array<i32>} : memref<32x1000xf32, #tpu.memory_space<vmem>>, vector<16xf32>,
      tpu.vector_store %arg5[%swap3A_385, %swap3A_386], %broadcast_in_dim3A_3 {strides = array<i32>} : memref<32x1000xf32, #tpu.memory_space<vmem>>, vector<16xf32>,
      %swap3A_388 = arith.index_cast %scan3A_243 : i32 to index
      %swap3A_389 = arith.constant 768 : index
      %swap3A_390 = tpu.vector_load %arg5[%swap3A_388, %swap3A_389] {strides = array<i32>} : memref<32x1000xf32, #tpu.memory_space<vmem>>, vector<16xf32>,
      tpu.vector_store %arg5[%swap3A_388, %swap3A_389], %broadcast_in_dim3A_3 {strides = array<i32>} : memref<32x1000xf32, #tpu.memory_space<vmem>>, vector<16xf32>,
      %swap3A_391 = arith.index_cast %scan3A_243 : i32 to index
      %swap3A_392 = arith.constant 784 : index
      %swap3A_393 = tpu.vector_load %arg5[%swap3A_391, %swap3A_392] {strides = array<i32>} : memref<32x1000xf32, #tpu.memory_space<vmem>>, vector<16xf32>,
      tpu.vector_store %arg5[%swap3A_391, %swap3A_392], %broadcast_in_dim3A_3 {strides = array<i32>} : memref<32x1000xf32, #tpu.memory_space<vmem>>, vector<16xf32>,
      %swap3A_394 = arith.index_cast %scan3A_243 : i32 to index
      %swap3A_395 = arith.constant 800 : index
      %swap3A_396 = tpu.vector_load %arg5[%swap3A_394, %swap3A_395] {strides = array<i32>} : memref<32x1000xf32, #tpu.memory_space<vmem>>, vector<16xf32>,
      tpu.vector_store %arg5[%swap3A_394, %swap3A_395], %broadcast_in_dim3A_3 {strides = array<i32>} : memref<32x1000xf32, #tpu.memory_space<vmem>>, vector<16xf32>,
      %swap3A_397 = arith.index_cast %scan3A_243 : i32 to index
      %swap3A_398 = arith.constant 816 : index
      %swap3A_399 = tpu.vector_load %arg5[%swap3A_397, %swap3A_398] {strides = array<i32>} : memref<32x1000xf32, #tpu.memory_space<vmem>>, vector<16xf32>,
      tpu.vector_store %arg5[%swap3A_397, %swap3A_398], %broadcast_in_dim3A_3 {strides = array<i32>} : memref<32x1000xf32, #tpu.memory_space<vmem>>, vector<16xf32>,
      %swap3A_400 = arith.index_cast %scan3A_243 : i32 to index
      %swap3A_401 = arith.constant 832 : index
      %swap3A_402 = tpu.vector_load %arg5[%swap3A_400, %swap3A_401] {strides = array<i32>} : memref<32x1000xf32, #tpu.memory_space<vmem>>, vector<16xf32>,
      tpu.vector_store %arg5[%swap3A_400, %swap3A_401], %broadcast_in_dim3A_3 {strides = array<i32>} : memref<32x1000xf32, #tpu.memory_space<vmem>>, vector<16xf32>,
      %swap3A_403 = arith.index_cast %scan3A_243 : i32 to index
      %swap3A_404 = arith.constant 848 : index
      %swap3A_405 = tpu.vector_load %arg5[%swap3A_403, %swap3A_404] {strides = array<i32>} : memref<32x1000xf32, #tpu.memory_space<vmem>>, vector<16xf32>,
      tpu.vector_store %arg5[%swap3A_403, %swap3A_404], %broadcast_in_dim3A_3 {strides = array<i32>} : memref<32x1000xf32, #tpu.memory_space<vmem>>, vector<16xf32>,
      %swap3A_406 = arith.index_cast %scan3A_243 : i32 to index
      %swap3A_407 = arith.constant 864 : index
      %swap3A_408 = tpu.vector_load %arg5[%swap3A_406, %swap3A_407] {strides = array<i32>} : memref<32x1000xf32, #tpu.memory_space<vmem>>, vector<16xf32>,
      tpu.vector_store %arg5[%swap3A_406, %swap3A_407], %broadcast_in_dim3A_3 {strides = array<i32>} : memref<32x1000xf32, #tpu.memory_space<vmem>>, vector<16xf32>,
      %swap3A_409 = arith.index_cast %scan3A_243 : i32 to index
      %swap3A_410 = arith.constant 880 : index
      %swap3A_411 = tpu.vector_load %arg5[%swap3A_409, %swap3A_410] {strides = array<i32>} : memref<32x1000xf32, #tpu.memory_space<vmem>>, vector<16xf32>,
      tpu.vector_store %arg5[%swap3A_409, %swap3A_410], %broadcast_in_dim3A_3 {strides = array<i32>} : memref<32x1000xf32, #tpu.memory_space<vmem>>, vector<16xf32>,
      %swap3A_412 = arith.index_cast %scan3A_243 : i32 to index
      %swap3A_413 = arith.constant 896 : index
      %swap3A_414 = tpu.vector_load %arg5[%swap3A_412, %swap3A_413] {strides = array<i32>} : memref<32x1000xf32, #tpu.memory_space<vmem>>, vector<16xf32>,
      tpu.vector_store %arg5[%swap3A_412, %swap3A_413], %broadcast_in_dim3A_3 {strides = array<i32>} : memref<32x1000xf32, #tpu.memory_space<vmem>>, vector<16xf32>,
      %swap3A_415 = arith.index_cast %scan3A_243 : i32 to index
      %swap3A_416 = arith.constant 912 : index
      %swap3A_417 = tpu.vector_load %arg5[%swap3A_415, %swap3A_416] {strides = array<i32>} : memref<32x1000xf32, #tpu.memory_space<vmem>>, vector<16xf32>,
      tpu.vector_store %arg5[%swap3A_415, %swap3A_416], %broadcast_in_dim3A_3 {strides = array<i32>} : memref<32x1000xf32, #tpu.memory_space<vmem>>, vector<16xf32>,
      %swap3A_418 = arith.index_cast %scan3A_243 : i32 to index
      %swap3A_419 = arith.constant 928 : index
      %swap3A_420 = tpu.vector_load %arg5[%swap3A_418, %swap3A_419] {strides = array<i32>} : memref<32x1000xf32, #tpu.memory_space<vmem>>, vector<16xf32>,
      tpu.vector_store %arg5[%swap3A_418, %swap3A_419], %broadcast_in_dim3A_3 {strides = array<i32>} : memref<32x1000xf32, #tpu.memory_space<vmem>>, vector<16xf32>,
      %swap3A_421 = arith.index_cast %scan3A_243 : i32 to index
      %swap3A_422 = arith.constant 944 : index
      %swap3A_423 = tpu.vector_load %arg5[%swap3A_421, %swap3A_422] {strides = array<i32>} : memref<32x1000xf32, #tpu.memory_space<vmem>>, vector<16xf32>,
      tpu.vector_store %arg5[%swap3A_421, %swap3A_422], %broadcast_in_dim3A_3 {strides = array<i32>} : memref<32x1000xf32, #tpu.memory_space<vmem>>, vector<16xf32>,
      %swap3A_424 = arith.index_cast %scan3A_243 : i32 to index
      %swap3A_425 = arith.constant 960 : index
      %swap3A_426 = tpu.vector_load %arg5[%swap3A_424, %swap3A_425] {strides = array<i32>} : memref<32x1000xf32, #tpu.memory_space<vmem>>, vector<16xf32>,
      tpu.vector_store %arg5[%swap3A_424, %swap3A_425], %broadcast_in_dim3A_3 {strides = array<i32>} : memref<32x1000xf32, #tpu.memory_space<vmem>>, vector<16xf32>,
      %swap3A_427 = arith.index_cast %scan3A_243 : i32 to index
      %swap3A_428 = arith.constant 976 : index
      %swap3A_429 = tpu.vector_load %arg5[%swap3A_427, %swap3A_428] {strides = array<i32>} : memref<32x1000xf32, #tpu.memory_space<vmem>>, vector<16xf32>,
      tpu.vector_store %arg5[%swap3A_427, %swap3A_428], %broadcast_in_dim3A_3 {strides = array<i32>} : memref<32x1000xf32, #tpu.memory_space<vmem>>, vector<16xf32>,
      %swap3A_430 = arith.index_cast %scan3A_243 : i32 to index
      %swap3A_431 = arith.constant 984 : index
      %swap3A_432 = tpu.vector_load %arg5[%swap3A_430, %swap3A_431] {strides = array<i32>} : memref<32x1000xf32, #tpu.memory_space<vmem>>, vector<16xf32>,
      tpu.vector_store %arg5[%swap3A_430, %swap3A_431], %broadcast_in_dim3A_3 {strides = array<i32>} : memref<32x1000xf32, #tpu.memory_space<vmem>>, vector<16xf32>,
    }
    %scan3A_8 = arith.constant 32 : i32
    %eq3A = arith.constant 0 : i32
    %eq3A_9 = vector.broadcast %eq3A : i32 to vector<16xi32>
    %eq3A_10 = arith.cmpi eq, %iota3A, %eq3A_9 : vector<16xi32>
    %jit3A = arith.constant 1.000000e+00 : f32
    %jit3A_11 = arith.constant 0.000000e+00 : f32
    %broadcast_in_dim3A_12 = vector.broadcast %jit3A : f32 to vector<16xf32>
    %broadcast_in_dim3A_13 = vector.broadcast %jit3A_11 : f32 to vector<16xf32>
    %select_n3A = arith.select %eq3A_10, %broadcast_in_dim3A_12, %broadcast_in_dim3A_13 : vector<16xi1>, vector<16xf32>
    %swap3A = arith.constant 0 : i32
    %swap3A_14 = arith.index_cast %swap3A : i32 to index
    %swap3A_15 = arith.constant 0 : index
    %swap3A_16 = tpu.vector_load %arg6[%swap3A_14, %swap3A_15] {strides = array<i32>} : memref<16x16xf32, #tpu.memory_space<vmem>>, vector<16xf32>,
    tpu.vector_store %arg6[%swap3A_14, %swap3A_15], %select_n3A {strides = array<i32>} : memref<16x16xf32, #tpu.memory_space<vmem>>, vector<16xf32>,
    %eq3A_17 = arith.constant 1 : i32
    %eq3A_18 = vector.broadcast %eq3A_17 : i32 to vector<16xi32>
    %eq3A_19 = arith.cmpi eq, %iota3A, %eq3A_18 : vector<16xi32>
    %jit3A_20 = arith.constant 1.000000e+00 : f32
    %jit3A_21 = arith.constant 0.000000e+00 : f32
    %broadcast_in_dim3A_22 = vector.broadcast %jit3A_20 : f32 to vector<16xf32>
    %broadcast_in_dim3A_23 = vector.broadcast %jit3A_21 : f32 to vector<16xf32>
    %select_n3A_24 = arith.select %eq3A_19, %broadcast_in_dim3A_22, %broadcast_in_dim3A_23 : vector<16xi1>, vector<16xf32>
    %swap3A_25 = arith.constant 1 : i32
    %swap3A_26 = arith.index_cast %swap3A_25 : i32 to index
    %swap3A_27 = arith.constant 0 : index
    %swap3A_28 = tpu.vector_load %arg6[%swap3A_26, %swap3A_27] {strides = array<i32>} : memref<16x16xf32, #tpu.memory_space<vmem>>, vector<16xf32>,
    tpu.vector_store %arg6[%swap3A_26, %swap3A_27], %select_n3A_24 {strides = array<i32>} : memref<16x16xf32, #tpu.memory_space<vmem>>, vector<16xf32>,
    %eq3A_29 = arith.constant 2 : i32
    %eq3A_30 = vector.broadcast %eq3A_29 : i32 to vector<16xi32>
    %eq3A_31 = arith.cmpi eq, %iota3A, %eq3A_30 : vector<16xi32>
    %jit3A_32 = arith.constant 1.000000e+00 : f32
    %jit3A_33 = arith.constant 0.000000e+00 : f32
    %broadcast_in_dim3A_34 = vector.broadcast %jit3A_32 : f32 to vector<16xf32>
    %broadcast_in_dim3A_35 = vector.broadcast %jit3A_33 : f32 to vector<16xf32>
    %select_n3A_36 = arith.select %eq3A_31, %broadcast_in_dim3A_34, %broadcast_in_dim3A_35 : vector<16xi1>, vector<16xf32>
    %swap3A_37 = arith.constant 2 : i32
    %swap3A_38 = arith.index_cast %swap3A_37 : i32 to index
    %swap3A_39 = arith.constant 0 : index
    %swap3A_40 = tpu.vector_load %arg6[%swap3A_38, %swap3A_39] {strides = array<i32>} : memref<16x16xf32, #tpu.memory_space<vmem>>, vector<16xf32>,
    tpu.vector_store %arg6[%swap3A_38, %swap3A_39], %select_n3A_36 {strides = array<i32>} : memref<16x16xf32, #tpu.memory_space<vmem>>, vector<16xf32>,
    %eq3A_41 = arith.constant 3 : i32
    %eq3A_42 = vector.broadcast %eq3A_41 : i32 to vector<16xi32>
    %eq3A_43 = arith.cmpi eq, %iota3A, %eq3A_42 : vector<16xi32>
    %jit3A_44 = arith.constant 1.000000e+00 : f32
    %jit3A_45 = arith.constant 0.000000e+00 : f32
    %broadcast_in_dim3A_46 = vector.broadcast %jit3A_44 : f32 to vector<16xf32>
    %broadcast_in_dim3A_47 = vector.broadcast %jit3A_45 : f32 to vector<16xf32>
    %select_n3A_48 = arith.select %eq3A_43, %broadcast_in_dim3A_46, %broadcast_in_dim3A_47 : vector<16xi1>, vector<16xf32>
    %swap3A_49 = arith.constant 3 : i32
    %swap3A_50 = arith.index_cast %swap3A_49 : i32 to index
    %swap3A_51 = arith.constant 0 : index
    %swap3A_52 = tpu.vector_load %arg6[%swap3A_50, %swap3A_51] {strides = array<i32>} : memref<16x16xf32, #tpu.memory_space<vmem>>, vector<16xf32>,
    tpu.vector_store %arg6[%swap3A_50, %swap3A_51], %select_n3A_48 {strides = array<i32>} : memref<16x16xf32, #tpu.memory_space<vmem>>, vector<16xf32>,
    %eq3A_53 = arith.constant 4 : i32
    %eq3A_54 = vector.broadcast %eq3A_53 : i32 to vector<16xi32>
    %eq3A_55 = arith.cmpi eq, %iota3A, %eq3A_54 : vector<16xi32>
    %jit3A_56 = arith.constant 1.000000e+00 : f32
    %jit3A_57 = arith.constant 0.000000e+00 : f32
    %broadcast_in_dim3A_58 = vector.broadcast %jit3A_56 : f32 to vector<16xf32>
    %broadcast_in_dim3A_59 = vector.broadcast %jit3A_57 : f32 to vector<16xf32>
    %select_n3A_60 = arith.select %eq3A_55, %broadcast_in_dim3A_58, %broadcast_in_dim3A_59 : vector<16xi1>, vector<16xf32>
    %swap3A_61 = arith.constant 4 : i32
    %swap3A_62 = arith.index_cast %swap3A_61 : i32 to index
    %swap3A_63 = arith.constant 0 : index
    %swap3A_64 = tpu.vector_load %arg6[%swap3A_62, %swap3A_63] {strides = array<i32>} : memref<16x16xf32, #tpu.memory_space<vmem>>, vector<16xf32>,
    tpu.vector_store %arg6[%swap3A_62, %swap3A_63], %select_n3A_60 {strides = array<i32>} : memref<16x16xf32, #tpu.memory_space<vmem>>, vector<16xf32>,
    %eq3A_65 = arith.constant 5 : i32
    %eq3A_66 = vector.broadcast %eq3A_65 : i32 to vector<16xi32>
    %eq3A_67 = arith.cmpi eq, %iota3A, %eq3A_66 : vector<16xi32>
    %jit3A_68 = arith.constant 1.000000e+00 : f32
    %jit3A_69 = arith.constant 0.000000e+00 : f32
    %broadcast_in_dim3A_70 = vector.broadcast %jit3A_68 : f32 to vector<16xf32>
    %broadcast_in_dim3A_71 = vector.broadcast %jit3A_69 : f32 to vector<16xf32>
    %select_n3A_72 = arith.select %eq3A_67, %broadcast_in_dim3A_70, %broadcast_in_dim3A_71 : vector<16xi1>, vector<16xf32>
    %swap3A_73 = arith.constant 5 : i32
    %swap3A_74 = arith.index_cast %swap3A_73 : i32 to index
    %swap3A_75 = arith.constant 0 : index
    %swap3A_76 = tpu.vector_load %arg6[%swap3A_74, %swap3A_75] {strides = array<i32>} : memref<16x16xf32, #tpu.memory_space<vmem>>, vector<16xf32>,
    tpu.vector_store %arg6[%swap3A_74, %swap3A_75], %select_n3A_72 {strides = array<i32>} : memref<16x16xf32, #tpu.memory_space<vmem>>, vector<16xf32>,
    %eq3A_77 = arith.constant 6 : i32
    %eq3A_78 = vector.broadcast %eq3A_77 : i32 to vector<16xi32>
    %eq3A_79 = arith.cmpi eq, %iota3A, %eq3A_78 : vector<16xi32>
    %jit3A_80 = arith.constant 1.000000e+00 : f32
    %jit3A_81 = arith.constant 0.000000e+00 : f32
    %broadcast_in_dim3A_82 = vector.broadcast %jit3A_80 : f32 to vector<16xf32>
    %broadcast_in_dim3A_83 = vector.broadcast %jit3A_81 : f32 to vector<16xf32>
    %select_n3A_84 = arith.select %eq3A_79, %broadcast_in_dim3A_82, %broadcast_in_dim3A_83 : vector<16xi1>, vector<16xf32>
    %swap3A_85 = arith.constant 6 : i32
    %swap3A_86 = arith.index_cast %swap3A_85 : i32 to index
    %swap3A_87 = arith.constant 0 : index
    %swap3A_88 = tpu.vector_load %arg6[%swap3A_86, %swap3A_87] {strides = array<i32>} : memref<16x16xf32, #tpu.memory_space<vmem>>, vector<16xf32>,
    tpu.vector_store %arg6[%swap3A_86, %swap3A_87], %select_n3A_84 {strides = array<i32>} : memref<16x16xf32, #tpu.memory_space<vmem>>, vector<16xf32>,
    %eq3A_89 = arith.constant 7 : i32
    %eq3A_90 = vector.broadcast %eq3A_89 : i32 to vector<16xi32>
    %eq3A_91 = arith.cmpi eq, %iota3A, %eq3A_90 : vector<16xi32>
    %jit3A_92 = arith.constant 1.000000e+00 : f32
    %jit3A_93 = arith.constant 0.000000e+00 : f32
    %broadcast_in_dim3A_94 = vector.broadcast %jit3A_92 : f32 to vector<16xf32>
    %broadcast_in_dim3A_95 = vector.broadcast %jit3A_93 : f32 to vector<16xf32>
    %select_n3A_96 = arith.select %eq3A_91, %broadcast_in_dim3A_94, %broadcast_in_dim3A_95 : vector<16xi1>, vector<16xf32>
    %swap3A_97 = arith.constant 7 : i32
    %swap3A_98 = arith.index_cast %swap3A_97 : i32 to index
    %swap3A_99 = arith.constant 0 : index
    %swap3A_100 = tpu.vector_load %arg6[%swap3A_98, %swap3A_99] {strides = array<i32>} : memref<16x16xf32, #tpu.memory_space<vmem>>, vector<16xf32>,
    tpu.vector_store %arg6[%swap3A_98, %swap3A_99], %select_n3A_96 {strides = array<i32>} : memref<16x16xf32, #tpu.memory_space<vmem>>, vector<16xf32>,
    %eq3A_101 = arith.constant 8 : i32
    %eq3A_102 = vector.broadcast %eq3A_101 : i32 to vector<16xi32>
    %eq3A_103 = arith.cmpi eq, %iota3A, %eq3A_102 : vector<16xi32>
    %jit3A_104 = arith.constant 1.000000e+00 : f32
    %jit3A_105 = arith.constant 0.000000e+00 : f32
    %broadcast_in_dim3A_106 = vector.broadcast %jit3A_104 : f32 to vector<16xf32>
    %broadcast_in_dim3A_107 = vector.broadcast %jit3A_105 : f32 to vector<16xf32>
    %select_n3A_108 = arith.select %eq3A_103, %broadcast_in_dim3A_106, %broadcast_in_dim3A_107 : vector<16xi1>, vector<16xf32>
    %swap3A_109 = arith.constant 8 : i32
    %swap3A_110 = arith.index_cast %swap3A_109 : i32 to index
    %swap3A_111 = arith.constant 0 : index
    %swap3A_112 = tpu.vector_load %arg6[%swap3A_110, %swap3A_111] {strides = array<i32>} : memref<16x16xf32, #tpu.memory_space<vmem>>, vector<16xf32>,
    tpu.vector_store %arg6[%swap3A_110, %swap3A_111], %select_n3A_108 {strides = array<i32>} : memref<16x16xf32, #tpu.memory_space<vmem>>, vector<16xf32>,
    %eq3A_113 = arith.constant 9 : i32
    %eq3A_114 = vector.broadcast %eq3A_113 : i32 to vector<16xi32>
    %eq3A_115 = arith.cmpi eq, %iota3A, %eq3A_114 : vector<16xi32>
    %jit3A_116 = arith.constant 1.000000e+00 : f32
    %jit3A_117 = arith.constant 0.000000e+00 : f32
    %broadcast_in_dim3A_118 = vector.broadcast %jit3A_116 : f32 to vector<16xf32>
    %broadcast_in_dim3A_119 = vector.broadcast %jit3A_117 : f32 to vector<16xf32>
    %select_n3A_120 = arith.select %eq3A_115, %broadcast_in_dim3A_118, %broadcast_in_dim3A_119 : vector<16xi1>, vector<16xf32>
    %swap3A_121 = arith.constant 9 : i32
    %swap3A_122 = arith.index_cast %swap3A_121 : i32 to index
    %swap3A_123 = arith.constant 0 : index
    %swap3A_124 = tpu.vector_load %arg6[%swap3A_122, %swap3A_123] {strides = array<i32>} : memref<16x16xf32, #tpu.memory_space<vmem>>, vector<16xf32>,
    tpu.vector_store %arg6[%swap3A_122, %swap3A_123], %select_n3A_120 {strides = array<i32>} : memref<16x16xf32, #tpu.memory_space<vmem>>, vector<16xf32>,
    %eq3A_125 = arith.constant 10 : i32
    %eq3A_126 = vector.broadcast %eq3A_125 : i32 to vector<16xi32>
    %eq3A_127 = arith.cmpi eq, %iota3A, %eq3A_126 : vector<16xi32>
    %jit3A_128 = arith.constant 1.000000e+00 : f32
    %jit3A_129 = arith.constant 0.000000e+00 : f32
    %broadcast_in_dim3A_130 = vector.broadcast %jit3A_128 : f32 to vector<16xf32>
    %broadcast_in_dim3A_131 = vector.broadcast %jit3A_129 : f32 to vector<16xf32>
    %select_n3A_132 = arith.select %eq3A_127, %broadcast_in_dim3A_130, %broadcast_in_dim3A_131 : vector<16xi1>, vector<16xf32>
    %swap3A_133 = arith.constant 10 : i32
    %swap3A_134 = arith.index_cast %swap3A_133 : i32 to index
    %swap3A_135 = arith.constant 0 : index
    %swap3A_136 = tpu.vector_load %arg6[%swap3A_134, %swap3A_135] {strides = array<i32>} : memref<16x16xf32, #tpu.memory_space<vmem>>, vector<16xf32>,
    tpu.vector_store %arg6[%swap3A_134, %swap3A_135], %select_n3A_132 {strides = array<i32>} : memref<16x16xf32, #tpu.memory_space<vmem>>, vector<16xf32>,
    %eq3A_137 = arith.constant 11 : i32
    %eq3A_138 = vector.broadcast %eq3A_137 : i32 to vector<16xi32>
    %eq3A_139 = arith.cmpi eq, %iota3A, %eq3A_138 : vector<16xi32>
    %jit3A_140 = arith.constant 1.000000e+00 : f32
    %jit3A_141 = arith.constant 0.000000e+00 : f32
    %broadcast_in_dim3A_142 = vector.broadcast %jit3A_140 : f32 to vector<16xf32>
    %broadcast_in_dim3A_143 = vector.broadcast %jit3A_141 : f32 to vector<16xf32>
    %select_n3A_144 = arith.select %eq3A_139, %broadcast_in_dim3A_142, %broadcast_in_dim3A_143 : vector<16xi1>, vector<16xf32>
    %swap3A_145 = arith.constant 11 : i32
    %swap3A_146 = arith.index_cast %swap3A_145 : i32 to index
    %swap3A_147 = arith.constant 0 : index
    %swap3A_148 = tpu.vector_load %arg6[%swap3A_146, %swap3A_147] {strides = array<i32>} : memref<16x16xf32, #tpu.memory_space<vmem>>, vector<16xf32>,
    tpu.vector_store %arg6[%swap3A_146, %swap3A_147], %select_n3A_144 {strides = array<i32>} : memref<16x16xf32, #tpu.memory_space<vmem>>, vector<16xf32>,
    %eq3A_149 = arith.constant 12 : i32
    %eq3A_150 = vector.broadcast %eq3A_149 : i32 to vector<16xi32>
    %eq3A_151 = arith.cmpi eq, %iota3A, %eq3A_150 : vector<16xi32>
    %jit3A_152 = arith.constant 1.000000e+00 : f32
    %jit3A_153 = arith.constant 0.000000e+00 : f32
    %broadcast_in_dim3A_154 = vector.broadcast %jit3A_152 : f32 to vector<16xf32>
    %broadcast_in_dim3A_155 = vector.broadcast %jit3A_153 : f32 to vector<16xf32>
    %select_n3A_156 = arith.select %eq3A_151, %broadcast_in_dim3A_154, %broadcast_in_dim3A_155 : vector<16xi1>, vector<16xf32>
    %swap3A_157 = arith.constant 12 : i32
    %swap3A_158 = arith.index_cast %swap3A_157 : i32 to index
    %swap3A_159 = arith.constant 0 : index
    %swap3A_160 = tpu.vector_load %arg6[%swap3A_158, %swap3A_159] {strides = array<i32>} : memref<16x16xf32, #tpu.memory_space<vmem>>, vector<16xf32>,
    tpu.vector_store %arg6[%swap3A_158, %swap3A_159], %select_n3A_156 {strides = array<i32>} : memref<16x16xf32, #tpu.memory_space<vmem>>, vector<16xf32>,
    %eq3A_161 = arith.constant 13 : i32
    %eq3A_162 = vector.broadcast %eq3A_161 : i32 to vector<16xi32>
    %eq3A_163 = arith.cmpi eq, %iota3A, %eq3A_162 : vector<16xi32>
    %jit3A_164 = arith.constant 1.000000e+00 : f32
    %jit3A_165 = arith.constant 0.000000e+00 : f32
    %broadcast_in_dim3A_166 = vector.broadcast %jit3A_164 : f32 to vector<16xf32>
    %broadcast_in_dim3A_167 = vector.broadcast %jit3A_165 : f32 to vector<16xf32>
    %select_n3A_168 = arith.select %eq3A_163, %broadcast_in_dim3A_166, %broadcast_in_dim3A_167 : vector<16xi1>, vector<16xf32>
    %swap3A_169 = arith.constant 13 : i32
    %swap3A_170 = arith.index_cast %swap3A_169 : i32 to index
    %swap3A_171 = arith.constant 0 : index
    %swap3A_172 = tpu.vector_load %arg6[%swap3A_170, %swap3A_171] {strides = array<i32>} : memref<16x16xf32, #tpu.memory_space<vmem>>, vector<16xf32>,
    tpu.vector_store %arg6[%swap3A_170, %swap3A_171], %select_n3A_168 {strides = array<i32>} : memref<16x16xf32, #tpu.memory_space<vmem>>, vector<16xf32>,
    %eq3A_173 = arith.constant 14 : i32
    %eq3A_174 = vector.broadcast %eq3A_173 : i32 to vector<16xi32>
    %eq3A_175 = arith.cmpi eq, %iota3A, %eq3A_174 : vector<16xi32>
    %jit3A_176 = arith.constant 1.000000e+00 : f32
    %jit3A_177 = arith.constant 0.000000e+00 : f32
    %broadcast_in_dim3A_178 = vector.broadcast %jit3A_176 : f32 to vector<16xf32>
    %broadcast_in_dim3A_179 = vector.broadcast %jit3A_177 : f32 to vector<16xf32>
    %select_n3A_180 = arith.select %eq3A_175, %broadcast_in_dim3A_178, %broadcast_in_dim3A_179 : vector<16xi1>, vector<16xf32>
    %swap3A_181 = arith.constant 14 : i32
    %swap3A_182 = arith.index_cast %swap3A_181 : i32 to index
    %swap3A_183 = arith.constant 0 : index
    %swap3A_184 = tpu.vector_load %arg6[%swap3A_182, %swap3A_183] {strides = array<i32>} : memref<16x16xf32, #tpu.memory_space<vmem>>, vector<16xf32>,
    tpu.vector_store %arg6[%swap3A_182, %swap3A_183], %select_n3A_180 {strides = array<i32>} : memref<16x16xf32, #tpu.memory_space<vmem>>, vector<16xf32>,
    %eq3A_185 = arith.constant 15 : i32
    %eq3A_186 = vector.broadcast %eq3A_185 : i32 to vector<16xi32>
    %eq3A_187 = arith.cmpi eq, %iota3A, %eq3A_186 : vector<16xi32>
    %jit3A_188 = arith.constant 1.000000e+00 : f32
    %jit3A_189 = arith.constant 0.000000e+00 : f32
    %broadcast_in_dim3A_190 = vector.broadcast %jit3A_188 : f32 to vector<16xf32>
    %broadcast_in_dim3A_191 = vector.broadcast %jit3A_189 : f32 to vector<16xf32>
    %select_n3A_192 = arith.select %eq3A_187, %broadcast_in_dim3A_190, %broadcast_in_dim3A_191 : vector<16xi1>, vector<16xf32>
    %swap3A_193 = arith.constant 15 : i32
    %swap3A_194 = arith.index_cast %swap3A_193 : i32 to index
    %swap3A_195 = arith.constant 0 : index
    %swap3A_196 = tpu.vector_load %arg6[%swap3A_194, %swap3A_195] {strides = array<i32>} : memref<16x16xf32, #tpu.memory_space<vmem>>, vector<16xf32>,
    tpu.vector_store %arg6[%swap3A_194, %swap3A_195], %select_n3A_192 {strides = array<i32>} : memref<16x16xf32, #tpu.memory_space<vmem>>, vector<16xf32>,
    %mul3A_197 = arith.constant 32 : i32
    %mul3A_198 = arith.muli %arg1, %mul3A_197 : i32
    %dma_start3A = arith.constant 0 : i32
    %dma_start3A_199 = tpu.memref_slice %arg8[%mul3A_198, %dma_start3A] : memref<512x1000xf32, #tpu.memory_space<vmem_shared>> -> memref<32x1000xf32, #tpu.memory_space<vmem_shared>>
    %dma_start3A_200 = arith.constant 0 : i32
    %dma_start3A_201 = tpu.memref_slice %arg8[%mul3A_198, %dma_start3A_200] : memref<512x1000xf32, #tpu.memory_space<vmem_shared>> -> memref<32x1000xf32, #tpu.memory_space<vmem_shared>>
    tpu.enqueue_dma source(%arg5 : memref<32x1000xf32, #tpu.memory_space<vmem>>) target(%dma_start3A_201 : memref<32x1000xf32, #tpu.memory_space<vmem_shared>>) target_semaphore(%arg9 : memref<!tpu.dma_semaphore, #tpu.memory_space<semaphore_mem>>)
    %dma_wait3A = arith.constant 0 : i32
    %dma_wait3A_202 = tpu.memref_slice %arg8[%mul3A_198, %dma_wait3A] : memref<512x1000xf32, #tpu.memory_space<vmem_shared>> -> memref<32x1000xf32, #tpu.memory_space<vmem_shared>>
    %dma_wait3A_203 = arith.constant 0 : i32
    %dma_wait3A_204 = tpu.memref_slice %arg8[%mul3A_198, %dma_wait3A_203] : memref<512x1000xf32, #tpu.memory_space<vmem_shared>> -> memref<32x1000xf32, #tpu.memory_space<vmem_shared>>
    tpu.wait_dma2 semaphore(%arg9 : memref<!tpu.dma_semaphore, #tpu.memory_space<semaphore_mem>>) src(%arg5 : memref<32x1000xf32, #tpu.memory_space<vmem>>) dst(%dma_wait3A_204 : memref<32x1000xf32, #tpu.memory_space<vmem_shared>>)
    %barrier3A = arith.constant 0 : index
    tpu.barrier barrier_id(%barrier3A)
    %dma_start3A_205 = arith.constant 0 : i32
    %dma_start3A_206 = tpu.memref_slice %arg3[%mul3A_2, %dma_start3A_205] : memref<16384x1000xf32, #tpu.memory_space<hbm>> -> memref<256x1000xf32, #tpu.memory_space<hbm>>
    %dma_start3A_207 = arith.constant 0 : i32
    %dma_start3A_208 = arith.constant 0 : i32
    %dma_start3A_209 = tpu.memref_slice %arg8[%dma_start3A_207, %dma_start3A_208] : memref<512x1000xf32, #tpu.memory_space<vmem_shared>> -> memref<256x1000xf32, #tpu.memory_space<vmem_shared>>
    tpu.enqueue_dma source(%dma_start3A_209 : memref<256x1000xf32, #tpu.memory_space<vmem_shared>>) target(%dma_start3A_206 : memref<256x1000xf32, #tpu.memory_space<hbm>>) target_semaphore(%arg10 : memref<!tpu.dma_semaphore, #tpu.memory_space<semaphore_mem>>)
    %add3A_210 = arith.constant 256 : i32
    %add3A_211 = arith.addi %mul3A_2, %add3A_210 : i32
    %dma_start3A_212 = arith.constant 0 : i32
    %dma_start3A_213 = tpu.memref_slice %arg3[%add3A_211, %dma_start3A_212] : memref<16384x1000xf32, #tpu.memory_space<hbm>> -> memref<256x1000xf32, #tpu.memory_space<hbm>>
    %dma_start3A_214 = arith.constant 256 : i32
    %dma_start3A_215 = arith.constant 0 : i32
    %dma_start3A_216 = tpu.memref_slice %arg8[%dma_start3A_214, %dma_start3A_215] : memref<512x1000xf32, #tpu.memory_space<vmem_shared>> -> memref<256x1000xf32, #tpu.memory_space<vmem_shared>>
    tpu.enqueue_dma source(%dma_start3A_216 : memref<256x1000xf32, #tpu.memory_space<vmem_shared>>) target(%dma_start3A_213 : memref<256x1000xf32, #tpu.memory_space<hbm>>) target_semaphore(%arg11 : memref<!tpu.dma_semaphore, #tpu.memory_space<semaphore_mem>>)
    %dma_wait3A_217 = arith.constant 0 : i32
    %dma_wait3A_218 = tpu.memref_slice %arg3[%mul3A_2, %dma_wait3A_217] : memref<16384x1000xf32, #tpu.memory_space<hbm>> -> memref<256x1000xf32, #tpu.memory_space<hbm>>
    %dma_wait3A_219 = arith.constant 0 : i32
    %dma_wait3A_220 = arith.constant 0 : i32
    %dma_wait3A_221 = tpu.memref_slice %arg8[%dma_wait3A_219, %dma_wait3A_220] : memref<512x1000xf32, #tpu.memory_space<vmem_shared>> -> memref<256x1000xf32, #tpu.memory_space<vmem_shared>>
    tpu.wait_dma2 semaphore(%arg10 : memref<!tpu.dma_semaphore, #tpu.memory_space<semaphore_mem>>) src(%dma_wait3A_221 : memref<256x1000xf32, #tpu.memory_space<vmem_shared>>) dst(%dma_wait3A_218 : memref<256x1000xf32, #tpu.memory_space<hbm>>)
    %scan3A_222 = arith.constant 0 : i32
    %scan3A_223 = arith.constant 0 : i32
    %scan3A_224 = arith.constant 16 : i32
    %scan3A_225 = arith.addi %scan3A_223, %scan3A_224 : i32
    %scan3A_226 = arith.constant 1 : i32
    scf.for %scan3A_243 = %scan3A_223 to %scan3A_225 step %scan3A_226  : i32 {
      %mul3A_244 = arith.constant 16 : i32
      %mul3A_245 = arith.muli %scan3A_243, %mul3A_244 : i32
      %add3A_246 = arith.constant 0 : i32
      %add3A_247 = arith.addi %add3A_246, %mul3A_245 : i32
      %get3A = arith.index_cast %add3A_247 : i32 to index
      %get3A_248 = tpu.vector_load %arg4[%get3A] {strides = array<i32>} : memref<512xi32, #tpu.memory_space<vmem>>, vector<16xi32>,
      %slice3A = vector.extract_strided_slice %get3A_248 {offsets = [0], sizes = [1], strides = [1]} : vector<16xi32> to vector<1xi32>
      %squeeze3A = vector.extract %slice3A[0] : i32 from vector<1xi32>
      %shift_right_arithmetic3A = arith.constant 3 : i32
      %shift_right_arithmetic3A_249 = arith.shrsi %squeeze3A, %shift_right_arithmetic3A : i32
      %shift_left3A = arith.constant 3 : i32
      %shift_left3A_250 = arith.shli %shift_right_arithmetic3A_249, %shift_left3A : i32
      %min3A = arith.constant 984 : i32
      %min3A_251 = arith.minsi %shift_left3A_250, %min3A : i32
      %multiple_of3A = tpu.assume_multiple %min3A_251, 8 : i32
      %sub3A = arith.subi %squeeze3A, %multiple_of3A : i32
      %add3A_252 = arith.constant 0 : i32
      %add3A_253 = arith.addi %mul3A_2, %add3A_252 : i32
      %mul3A_254 = arith.constant 16 : i32
      %mul3A_255 = arith.muli %scan3A_243, %mul3A_254 : i32
      %add3A_256 = arith.addi %add3A_253, %mul3A_255 : i32
      %add3A_257 = arith.constant 0 : i32
      %add3A_258 = arith.addi %add3A_256, %add3A_257 : i32
      %dma_start3A_259 = arith.constant 0 : i32
      %dma_start3A_260 = tpu.memref_slice %arg6[%sub3A, %dma_start3A_259] : memref<16x16xf32, #tpu.memory_space<vmem>> -> memref<1x16xf32, #tpu.memory_space<vmem>>
      %dma_start3A_261 = tpu.memref_squeeze %dma_start3A_260 : memref<1x16xf32, #tpu.memory_space<vmem>> -> memref<16xf32, #tpu.memory_space<vmem>>
      %dma_start3A_262 = tpu.memref_slice %arg3[%add3A_258, %multiple_of3A] : memref<16384x1000xf32, #tpu.memory_space<hbm>> -> memref<1x16xf32, #tpu.memory_space<hbm>>
      %dma_start3A_263 = tpu.memref_squeeze %dma_start3A_262 : memref<1x16xf32, #tpu.memory_space<hbm>> -> memref<16xf32, #tpu.memory_space<hbm>>
      %dma_start3A_264 = tpu.memref_slice %arg3[%add3A_258, %multiple_of3A] : memref<16384x1000xf32, #tpu.memory_space<hbm>> -> memref<1x16xf32, #tpu.memory_space<hbm>>
      %dma_start3A_265 = tpu.memref_squeeze %dma_start3A_264 : memref<1x16xf32, #tpu.memory_space<hbm>> -> memref<16xf32, #tpu.memory_space<hbm>>
      %dma_start3A_266 = arith.constant 0 : i32
      %dma_start3A_267 = tpu.memref_slice %arg6[%sub3A, %dma_start3A_266] : memref<16x16xf32, #tpu.memory_space<vmem>> -> memref<1x16xf32, #tpu.memory_space<vmem>>
      %dma_start3A_268 = tpu.memref_squeeze %dma_start3A_267 : memref<1x16xf32, #tpu.memory_space<vmem>> -> memref<16xf32, #tpu.memory_space<vmem>>
      tpu.enqueue_dma source(%dma_start3A_268 : memref<16xf32, #tpu.memory_space<vmem>>) target(%dma_start3A_265 : memref<16xf32, #tpu.memory_space<hbm>>) target_semaphore(%arg12 : memref<!tpu.dma_semaphore, #tpu.memory_space<semaphore_mem>>)
      %slice3A_269 = vector.extract_strided_slice %get3A_248 {offsets = [1], sizes = [1], strides = [1]} : vector<16xi32> to vector<1xi32>
      %squeeze3A_270 = vector.extract %slice3A_269[0] : i32 from vector<1xi32>
      %shift_right_arithmetic3A_271 = arith.constant 3 : i32
      %shift_right_arithmetic3A_272 = arith.shrsi %squeeze3A_270, %shift_right_arithmetic3A_271 : i32
      %shift_left3A_273 = arith.constant 3 : i32
      %shift_left3A_274 = arith.shli %shift_right_arithmetic3A_272, %shift_left3A_273 : i32
      %min3A_275 = arith.constant 984 : i32
      %min3A_276 = arith.minsi %shift_left3A_274, %min3A_275 : i32
      %multiple_of3A_277 = tpu.assume_multiple %min3A_276, 8 : i32
      %sub3A_278 = arith.subi %squeeze3A_270, %multiple_of3A_277 : i32
      %add3A_279 = arith.constant 0 : i32
      %add3A_280 = arith.addi %mul3A_2, %add3A_279 : i32
      %mul3A_281 = arith.constant 16 : i32
      %mul3A_282 = arith.muli %scan3A_243, %mul3A_281 : i32
      %add3A_283 = arith.addi %add3A_280, %mul3A_282 : i32
      %add3A_284 = arith.constant 1 : i32
      %add3A_285 = arith.addi %add3A_283, %add3A_284 : i32
      %dma_start3A_286 = arith.constant 0 : i32
      %dma_start3A_287 = tpu.memref_slice %arg6[%sub3A_278, %dma_start3A_286] : memref<16x16xf32, #tpu.memory_space<vmem>> -> memref<1x16xf32, #tpu.memory_space<vmem>>
      %dma_start3A_288 = tpu.memref_squeeze %dma_start3A_287 : memref<1x16xf32, #tpu.memory_space<vmem>> -> memref<16xf32, #tpu.memory_space<vmem>>
      %dma_start3A_289 = tpu.memref_slice %arg3[%add3A_285, %multiple_of3A_277] : memref<16384x1000xf32, #tpu.memory_space<hbm>> -> memref<1x16xf32, #tpu.memory_space<hbm>>
      %dma_start3A_290 = tpu.memref_squeeze %dma_start3A_289 : memref<1x16xf32, #tpu.memory_space<hbm>> -> memref<16xf32, #tpu.memory_space<hbm>>
      %dma_start3A_291 = tpu.memref_slice %arg3[%add3A_285, %multiple_of3A_277] : memref<16384x1000xf32, #tpu.memory_space<hbm>> -> memref<1x16xf32, #tpu.memory_space<hbm>>
      %dma_start3A_292 = tpu.memref_squeeze %dma_start3A_291 : memref<1x16xf32, #tpu.memory_space<hbm>> -> memref<16xf32, #tpu.memory_space<hbm>>
      %dma_start3A_293 = arith.constant 0 : i32
      %dma_start3A_294 = tpu.memref_slice %arg6[%sub3A_278, %dma_start3A_293] : memref<16x16xf32, #tpu.memory_space<vmem>> -> memref<1x16xf32, #tpu.memory_space<vmem>>
      %dma_start3A_295 = tpu.memref_squeeze %dma_start3A_294 : memref<1x16xf32, #tpu.memory_space<vmem>> -> memref<16xf32, #tpu.memory_space<vmem>>
      tpu.enqueue_dma source(%dma_start3A_295 : memref<16xf32, #tpu.memory_space<vmem>>) target(%dma_start3A_292 : memref<16xf32, #tpu.memory_space<hbm>>) target_semaphore(%arg12 : memref<!tpu.dma_semaphore, #tpu.memory_space<semaphore_mem>>)
      %slice3A_296 = vector.extract_strided_slice %get3A_248 {offsets = [2], sizes = [1], strides = [1]} : vector<16xi32> to vector<1xi32>
      %squeeze3A_297 = vector.extract %slice3A_296[0] : i32 from vector<1xi32>
      %shift_right_arithmetic3A_298 = arith.constant 3 : i32
      %shift_right_arithmetic3A_299 = arith.shrsi %squeeze3A_297, %shift_right_arithmetic3A_298 : i32
      %shift_left3A_300 = arith.constant 3 : i32
      %shift_left3A_301 = arith.shli %shift_right_arithmetic3A_299, %shift_left3A_300 : i32
      %min3A_302 = arith.constant 984 : i32
      %min3A_303 = arith.minsi %shift_left3A_301, %min3A_302 : i32
      %multiple_of3A_304 = tpu.assume_multiple %min3A_303, 8 : i32
      %sub3A_305 = arith.subi %squeeze3A_297, %multiple_of3A_304 : i32
      %add3A_306 = arith.constant 0 : i32
      %add3A_307 = arith.addi %mul3A_2, %add3A_306 : i32
      %mul3A_308 = arith.constant 16 : i32
      %mul3A_309 = arith.muli %scan3A_243, %mul3A_308 : i32
      %add3A_310 = arith.addi %add3A_307, %mul3A_309 : i32
      %add3A_311 = arith.constant 2 : i32
      %add3A_312 = arith.addi %add3A_310, %add3A_311 : i32
      %dma_start3A_313 = arith.constant 0 : i32
      %dma_start3A_314 = tpu.memref_slice %arg6[%sub3A_305, %dma_start3A_313] : memref<16x16xf32, #tpu.memory_space<vmem>> -> memref<1x16xf32, #tpu.memory_space<vmem>>
      %dma_start3A_315 = tpu.memref_squeeze %dma_start3A_314 : memref<1x16xf32, #tpu.memory_space<vmem>> -> memref<16xf32, #tpu.memory_space<vmem>>
      %dma_start3A_316 = tpu.memref_slice %arg3[%add3A_312, %multiple_of3A_304] : memref<16384x1000xf32, #tpu.memory_space<hbm>> -> memref<1x16xf32, #tpu.memory_space<hbm>>
      %dma_start3A_317 = tpu.memref_squeeze %dma_start3A_316 : memref<1x16xf32, #tpu.memory_space<hbm>> -> memref<16xf32, #tpu.memory_space<hbm>>
      %dma_start3A_318 = tpu.memref_slice %arg3[%add3A_312, %multiple_of3A_304] : memref<16384x1000xf32, #tpu.memory_space<hbm>> -> memref<1x16xf32, #tpu.memory_space<hbm>>
      %dma_start3A_319 = tpu.memref_squeeze %dma_start3A_318 : memref<1x16xf32, #tpu.memory_space<hbm>> -> memref<16xf32, #tpu.memory_space<hbm>>
      %dma_start3A_320 = arith.constant 0 : i32
      %dma_start3A_321 = tpu.memref_slice %arg6[%sub3A_305, %dma_start3A_320] : memref<16x16xf32, #tpu.memory_space<vmem>> -> memref<1x16xf32, #tpu.memory_space<vmem>>
      %dma_start3A_322 = tpu.memref_squeeze %dma_start3A_321 : memref<1x16xf32, #tpu.memory_space<vmem>> -> memref<16xf32, #tpu.memory_space<vmem>>
      tpu.enqueue_dma source(%dma_start3A_322 : memref<16xf32, #tpu.memory_space<vmem>>) target(%dma_start3A_319 : memref<16xf32, #tpu.memory_space<hbm>>) target_semaphore(%arg12 : memref<!tpu.dma_semaphore, #tpu.memory_space<semaphore_mem>>)
      %slice3A_323 = vector.extract_strided_slice %get3A_248 {offsets = [3], sizes = [1], strides = [1]} : vector<16xi32> to vector<1xi32>
      %squeeze3A_324 = vector.extract %slice3A_323[0] : i32 from vector<1xi32>
      %shift_right_arithmetic3A_325 = arith.constant 3 : i32
      %shift_right_arithmetic3A_326 = arith.shrsi %squeeze3A_324, %shift_right_arithmetic3A_325 : i32
      %shift_left3A_327 = arith.constant 3 : i32
      %shift_left3A_328 = arith.shli %shift_right_arithmetic3A_326, %shift_left3A_327 : i32
      %min3A_329 = arith.constant 984 : i32
      %min3A_330 = arith.minsi %shift_left3A_328, %min3A_329 : i32
      %multiple_of3A_331 = tpu.assume_multiple %min3A_330, 8 : i32
      %sub3A_332 = arith.subi %squeeze3A_324, %multiple_of3A_331 : i32
      %add3A_333 = arith.constant 0 : i32
      %add3A_334 = arith.addi %mul3A_2, %add3A_333 : i32
      %mul3A_335 = arith.constant 16 : i32
      %mul3A_336 = arith.muli %scan3A_243, %mul3A_335 : i32
      %add3A_337 = arith.addi %add3A_334, %mul3A_336 : i32
      %add3A_338 = arith.constant 3 : i32
      %add3A_339 = arith.addi %add3A_337, %add3A_338 : i32
      %dma_start3A_340 = arith.constant 0 : i32
      %dma_start3A_341 = tpu.memref_slice %arg6[%sub3A_332, %dma_start3A_340] : memref<16x16xf32, #tpu.memory_space<vmem>> -> memref<1x16xf32, #tpu.memory_space<vmem>>
      %dma_start3A_342 = tpu.memref_squeeze %dma_start3A_341 : memref<1x16xf32, #tpu.memory_space<vmem>> -> memref<16xf32, #tpu.memory_space<vmem>>
      %dma_start3A_343 = tpu.memref_slice %arg3[%add3A_339, %multiple_of3A_331] : memref<16384x1000xf32, #tpu.memory_space<hbm>> -> memref<1x16xf32, #tpu.memory_space<hbm>>
      %dma_start3A_344 = tpu.memref_squeeze %dma_start3A_343 : memref<1x16xf32, #tpu.memory_space<hbm>> -> memref<16xf32, #tpu.memory_space<hbm>>
      %dma_start3A_345 = tpu.memref_slice %arg3[%add3A_339, %multiple_of3A_331] : memref<16384x1000xf32, #tpu.memory_space<hbm>> -> memref<1x16xf32, #tpu.memory_space<hbm>>
      %dma_start3A_346 = tpu.memref_squeeze %dma_start3A_345 : memref<1x16xf32, #tpu.memory_space<hbm>> -> memref<16xf32, #tpu.memory_space<hbm>>
      %dma_start3A_347 = arith.constant 0 : i32
      %dma_start3A_348 = tpu.memref_slice %arg6[%sub3A_332, %dma_start3A_347] : memref<16x16xf32, #tpu.memory_space<vmem>> -> memref<1x16xf32, #tpu.memory_space<vmem>>
      %dma_start3A_349 = tpu.memref_squeeze %dma_start3A_348 : memref<1x16xf32, #tpu.memory_space<vmem>> -> memref<16xf32, #tpu.memory_space<vmem>>
      tpu.enqueue_dma source(%dma_start3A_349 : memref<16xf32, #tpu.memory_space<vmem>>) target(%dma_start3A_346 : memref<16xf32, #tpu.memory_space<hbm>>) target_semaphore(%arg12 : memref<!tpu.dma_semaphore, #tpu.memory_space<semaphore_mem>>)
      %slice3A_350 = vector.extract_strided_slice %get3A_248 {offsets = [4], sizes = [1], strides = [1]} : vector<16xi32> to vector<1xi32>
      %squeeze3A_351 = vector.extract %slice3A_350[0] : i32 from vector<1xi32>
      %shift_right_arithmetic3A_352 = arith.constant 3 : i32
      %shift_right_arithmetic3A_353 = arith.shrsi %squeeze3A_351, %shift_right_arithmetic3A_352 : i32
      %shift_left3A_354 = arith.constant 3 : i32
      %shift_left3A_355 = arith.shli %shift_right_arithmetic3A_353, %shift_left3A_354 : i32
      %min3A_356 = arith.constant 984 : i32
      %min3A_357 = arith.minsi %shift_left3A_355, %min3A_356 : i32
      %multiple_of3A_358 = tpu.assume_multiple %min3A_357, 8 : i32
      %sub3A_359 = arith.subi %squeeze3A_351, %multiple_of3A_358 : i32
      %add3A_360 = arith.constant 0 : i32
      %add3A_361 = arith.addi %mul3A_2, %add3A_360 : i32
      %mul3A_362 = arith.constant 16 : i32
      %mul3A_363 = arith.muli %scan3A_243, %mul3A_362 : i32
      %add3A_364 = arith.addi %add3A_361, %mul3A_363 : i32
      %add3A_365 = arith.constant 4 : i32
      %add3A_366 = arith.addi %add3A_364, %add3A_365 : i32
      %dma_start3A_367 = arith.constant 0 : i32
      %dma_start3A_368 = tpu.memref_slice %arg6[%sub3A_359, %dma_start3A_367] : memref<16x16xf32, #tpu.memory_space<vmem>> -> memref<1x16xf32, #tpu.memory_space<vmem>>
      %dma_start3A_369 = tpu.memref_squeeze %dma_start3A_368 : memref<1x16xf32, #tpu.memory_space<vmem>> -> memref<16xf32, #tpu.memory_space<vmem>>
      %dma_start3A_370 = tpu.memref_slice %arg3[%add3A_366, %multiple_of3A_358] : memref<16384x1000xf32, #tpu.memory_space<hbm>> -> memref<1x16xf32, #tpu.memory_space<hbm>>
      %dma_start3A_371 = tpu.memref_squeeze %dma_start3A_370 : memref<1x16xf32, #tpu.memory_space<hbm>> -> memref<16xf32, #tpu.memory_space<hbm>>
      %dma_start3A_372 = tpu.memref_slice %arg3[%add3A_366, %multiple_of3A_358] : memref<16384x1000xf32, #tpu.memory_space<hbm>> -> memref<1x16xf32, #tpu.memory_space<hbm>>
      %dma_start3A_373 = tpu.memref_squeeze %dma_start3A_372 : memref<1x16xf32, #tpu.memory_space<hbm>> -> memref<16xf32, #tpu.memory_space<hbm>>
      %dma_start3A_374 = arith.constant 0 : i32
      %dma_start3A_375 = tpu.memref_slice %arg6[%sub3A_359, %dma_start3A_374] : memref<16x16xf32, #tpu.memory_space<vmem>> -> memref<1x16xf32, #tpu.memory_space<vmem>>
      %dma_start3A_376 = tpu.memref_squeeze %dma_start3A_375 : memref<1x16xf32, #tpu.memory_space<vmem>> -> memref<16xf32, #tpu.memory_space<vmem>>
      tpu.enqueue_dma source(%dma_start3A_376 : memref<16xf32, #tpu.memory_space<vmem>>) target(%dma_start3A_373 : memref<16xf32, #tpu.memory_space<hbm>>) target_semaphore(%arg12 : memref<!tpu.dma_semaphore, #tpu.memory_space<semaphore_mem>>)
      %slice3A_377 = vector.extract_strided_slice %get3A_248 {offsets = [5], sizes = [1], strides = [1]} : vector<16xi32> to vector<1xi32>
      %squeeze3A_378 = vector.extract %slice3A_377[0] : i32 from vector<1xi32>
      %shift_right_arithmetic3A_379 = arith.constant 3 : i32
      %shift_right_arithmetic3A_380 = arith.shrsi %squeeze3A_378, %shift_right_arithmetic3A_379 : i32
      %shift_left3A_381 = arith.constant 3 : i32
      %shift_left3A_382 = arith.shli %shift_right_arithmetic3A_380, %shift_left3A_381 : i32
      %min3A_383 = arith.constant 984 : i32
      %min3A_384 = arith.minsi %shift_left3A_382, %min3A_383 : i32
      %multiple_of3A_385 = tpu.assume_multiple %min3A_384, 8 : i32
      %sub3A_386 = arith.subi %squeeze3A_378, %multiple_of3A_385 : i32
      %add3A_387 = arith.constant 0 : i32
      %add3A_388 = arith.addi %mul3A_2, %add3A_387 : i32
      %mul3A_389 = arith.constant 16 : i32
      %mul3A_390 = arith.muli %scan3A_243, %mul3A_389 : i32
      %add3A_391 = arith.addi %add3A_388, %mul3A_390 : i32
      %add3A_392 = arith.constant 5 : i32
      %add3A_393 = arith.addi %add3A_391, %add3A_392 : i32
      %dma_start3A_394 = arith.constant 0 : i32
      %dma_start3A_395 = tpu.memref_slice %arg6[%sub3A_386, %dma_start3A_394] : memref<16x16xf32, #tpu.memory_space<vmem>> -> memref<1x16xf32, #tpu.memory_space<vmem>>
      %dma_start3A_396 = tpu.memref_squeeze %dma_start3A_395 : memref<1x16xf32, #tpu.memory_space<vmem>> -> memref<16xf32, #tpu.memory_space<vmem>>
      %dma_start3A_397 = tpu.memref_slice %arg3[%add3A_393, %multiple_of3A_385] : memref<16384x1000xf32, #tpu.memory_space<hbm>> -> memref<1x16xf32, #tpu.memory_space<hbm>>
      %dma_start3A_398 = tpu.memref_squeeze %dma_start3A_397 : memref<1x16xf32, #tpu.memory_space<hbm>> -> memref<16xf32, #tpu.memory_space<hbm>>
      %dma_start3A_399 = tpu.memref_slice %arg3[%add3A_393, %multiple_of3A_385] : memref<16384x1000xf32, #tpu.memory_space<hbm>> -> memref<1x16xf32, #tpu.memory_space<hbm>>
      %dma_start3A_400 = tpu.memref_squeeze %dma_start3A_399 : memref<1x16xf32, #tpu.memory_space<hbm>> -> memref<16xf32, #tpu.memory_space<hbm>>
      %dma_start3A_401 = arith.constant 0 : i32
      %dma_start3A_402 = tpu.memref_slice %arg6[%sub3A_386, %dma_start3A_401] : memref<16x16xf32, #tpu.memory_space<vmem>> -> memref<1x16xf32, #tpu.memory_space<vmem>>
      %dma_start3A_403 = tpu.memref_squeeze %dma_start3A_402 : memref<1x16xf32, #tpu.memory_space<vmem>> -> memref<16xf32, #tpu.memory_space<vmem>>
      tpu.enqueue_dma source(%dma_start3A_403 : memref<16xf32, #tpu.memory_space<vmem>>) target(%dma_start3A_400 : memref<16xf32, #tpu.memory_space<hbm>>) target_semaphore(%arg12 : memref<!tpu.dma_semaphore, #tpu.memory_space<semaphore_mem>>)
      %slice3A_404 = vector.extract_strided_slice %get3A_248 {offsets = [6], sizes = [1], strides = [1]} : vector<16xi32> to vector<1xi32>
      %squeeze3A_405 = vector.extract %slice3A_404[0] : i32 from vector<1xi32>
      %shift_right_arithmetic3A_406 = arith.constant 3 : i32
      %shift_right_arithmetic3A_407 = arith.shrsi %squeeze3A_405, %shift_right_arithmetic3A_406 : i32
      %shift_left3A_408 = arith.constant 3 : i32
      %shift_left3A_409 = arith.shli %shift_right_arithmetic3A_407, %shift_left3A_408 : i32
      %min3A_410 = arith.constant 984 : i32
      %min3A_411 = arith.minsi %shift_left3A_409, %min3A_410 : i32
      %multiple_of3A_412 = tpu.assume_multiple %min3A_411, 8 : i32
      %sub3A_413 = arith.subi %squeeze3A_405, %multiple_of3A_412 : i32
      %add3A_414 = arith.constant 0 : i32
      %add3A_415 = arith.addi %mul3A_2, %add3A_414 : i32
      %mul3A_416 = arith.constant 16 : i32
      %mul3A_417 = arith.muli %scan3A_243, %mul3A_416 : i32
      %add3A_418 = arith.addi %add3A_415, %mul3A_417 : i32
      %add3A_419 = arith.constant 6 : i32
      %add3A_420 = arith.addi %add3A_418, %add3A_419 : i32
      %dma_start3A_421 = arith.constant 0 : i32
      %dma_start3A_422 = tpu.memref_slice %arg6[%sub3A_413, %dma_start3A_421] : memref<16x16xf32, #tpu.memory_space<vmem>> -> memref<1x16xf32, #tpu.memory_space<vmem>>
      %dma_start3A_423 = tpu.memref_squeeze %dma_start3A_422 : memref<1x16xf32, #tpu.memory_space<vmem>> -> memref<16xf32, #tpu.memory_space<vmem>>
      %dma_start3A_424 = tpu.memref_slice %arg3[%add3A_420, %multiple_of3A_412] : memref<16384x1000xf32, #tpu.memory_space<hbm>> -> memref<1x16xf32, #tpu.memory_space<hbm>>
      %dma_start3A_425 = tpu.memref_squeeze %dma_start3A_424 : memref<1x16xf32, #tpu.memory_space<hbm>> -> memref<16xf32, #tpu.memory_space<hbm>>
      %dma_start3A_426 = tpu.memref_slice %arg3[%add3A_420, %multiple_of3A_412] : memref<16384x1000xf32, #tpu.memory_space<hbm>> -> memref<1x16xf32, #tpu.memory_space<hbm>>
      %dma_start3A_427 = tpu.memref_squeeze %dma_start3A_426 : memref<1x16xf32, #tpu.memory_space<hbm>> -> memref<16xf32, #tpu.memory_space<hbm>>
      %dma_start3A_428 = arith.constant 0 : i32
      %dma_start3A_429 = tpu.memref_slice %arg6[%sub3A_413, %dma_start3A_428] : memref<16x16xf32, #tpu.memory_space<vmem>> -> memref<1x16xf32, #tpu.memory_space<vmem>>
      %dma_start3A_430 = tpu.memref_squeeze %dma_start3A_429 : memref<1x16xf32, #tpu.memory_space<vmem>> -> memref<16xf32, #tpu.memory_space<vmem>>
      tpu.enqueue_dma source(%dma_start3A_430 : memref<16xf32, #tpu.memory_space<vmem>>) target(%dma_start3A_427 : memref<16xf32, #tpu.memory_space<hbm>>) target_semaphore(%arg12 : memref<!tpu.dma_semaphore, #tpu.memory_space<semaphore_mem>>)
      %slice3A_431 = vector.extract_strided_slice %get3A_248 {offsets = [7], sizes = [1], strides = [1]} : vector<16xi32> to vector<1xi32>
      %squeeze3A_432 = vector.extract %slice3A_431[0] : i32 from vector<1xi32>
      %shift_right_arithmetic3A_433 = arith.constant 3 : i32
      %shift_right_arithmetic3A_434 = arith.shrsi %squeeze3A_432, %shift_right_arithmetic3A_433 : i32
      %shift_left3A_435 = arith.constant 3 : i32
      %shift_left3A_436 = arith.shli %shift_right_arithmetic3A_434, %shift_left3A_435 : i32
      %min3A_437 = arith.constant 984 : i32
      %min3A_438 = arith.minsi %shift_left3A_436, %min3A_437 : i32
      %multiple_of3A_439 = tpu.assume_multiple %min3A_438, 8 : i32
      %sub3A_440 = arith.subi %squeeze3A_432, %multiple_of3A_439 : i32
      %add3A_441 = arith.constant 0 : i32
      %add3A_442 = arith.addi %mul3A_2, %add3A_441 : i32
      %mul3A_443 = arith.constant 16 : i32
      %mul3A_444 = arith.muli %scan3A_243, %mul3A_443 : i32
      %add3A_445 = arith.addi %add3A_442, %mul3A_444 : i32
      %add3A_446 = arith.constant 7 : i32
      %add3A_447 = arith.addi %add3A_445, %add3A_446 : i32
      %dma_start3A_448 = arith.constant 0 : i32
      %dma_start3A_449 = tpu.memref_slice %arg6[%sub3A_440, %dma_start3A_448] : memref<16x16xf32, #tpu.memory_space<vmem>> -> memref<1x16xf32, #tpu.memory_space<vmem>>
      %dma_start3A_450 = tpu.memref_squeeze %dma_start3A_449 : memref<1x16xf32, #tpu.memory_space<vmem>> -> memref<16xf32, #tpu.memory_space<vmem>>
      %dma_start3A_451 = tpu.memref_slice %arg3[%add3A_447, %multiple_of3A_439] : memref<16384x1000xf32, #tpu.memory_space<hbm>> -> memref<1x16xf32, #tpu.memory_space<hbm>>
      %dma_start3A_452 = tpu.memref_squeeze %dma_start3A_451 : memref<1x16xf32, #tpu.memory_space<hbm>> -> memref<16xf32, #tpu.memory_space<hbm>>
      %dma_start3A_453 = tpu.memref_slice %arg3[%add3A_447, %multiple_of3A_439] : memref<16384x1000xf32, #tpu.memory_space<hbm>> -> memref<1x16xf32, #tpu.memory_space<hbm>>
      %dma_start3A_454 = tpu.memref_squeeze %dma_start3A_453 : memref<1x16xf32, #tpu.memory_space<hbm>> -> memref<16xf32, #tpu.memory_space<hbm>>
      %dma_start3A_455 = arith.constant 0 : i32
      %dma_start3A_456 = tpu.memref_slice %arg6[%sub3A_440, %dma_start3A_455] : memref<16x16xf32, #tpu.memory_space<vmem>> -> memref<1x16xf32, #tpu.memory_space<vmem>>
      %dma_start3A_457 = tpu.memref_squeeze %dma_start3A_456 : memref<1x16xf32, #tpu.memory_space<vmem>> -> memref<16xf32, #tpu.memory_space<vmem>>
      tpu.enqueue_dma source(%dma_start3A_457 : memref<16xf32, #tpu.memory_space<vmem>>) target(%dma_start3A_454 : memref<16xf32, #tpu.memory_space<hbm>>) target_semaphore(%arg12 : memref<!tpu.dma_semaphore, #tpu.memory_space<semaphore_mem>>)
      %slice3A_458 = vector.extract_strided_slice %get3A_248 {offsets = [8], sizes = [1], strides = [1]} : vector<16xi32> to vector<1xi32>
      %squeeze3A_459 = vector.extract %slice3A_458[0] : i32 from vector<1xi32>
      %shift_right_arithmetic3A_460 = arith.constant 3 : i32
      %shift_right_arithmetic3A_461 = arith.shrsi %squeeze3A_459, %shift_right_arithmetic3A_460 : i32
      %shift_left3A_462 = arith.constant 3 : i32
      %shift_left3A_463 = arith.shli %shift_right_arithmetic3A_461, %shift_left3A_462 : i32
      %min3A_464 = arith.constant 984 : i32
      %min3A_465 = arith.minsi %shift_left3A_463, %min3A_464 : i32
      %multiple_of3A_466 = tpu.assume_multiple %min3A_465, 8 : i32
      %sub3A_467 = arith.subi %squeeze3A_459, %multiple_of3A_466 : i32
      %add3A_468 = arith.constant 0 : i32
      %add3A_469 = arith.addi %mul3A_2, %add3A_468 : i32
      %mul3A_470 = arith.constant 16 : i32
      %mul3A_471 = arith.muli %scan3A_243, %mul3A_470 : i32
      %add3A_472 = arith.addi %add3A_469, %mul3A_471 : i32
      %add3A_473 = arith.constant 8 : i32
      %add3A_474 = arith.addi %add3A_472, %add3A_473 : i32
      %dma_start3A_475 = arith.constant 0 : i32
      %dma_start3A_476 = tpu.memref_slice %arg6[%sub3A_467, %dma_start3A_475] : memref<16x16xf32, #tpu.memory_space<vmem>> -> memref<1x16xf32, #tpu.memory_space<vmem>>
      %dma_start3A_477 = tpu.memref_squeeze %dma_start3A_476 : memref<1x16xf32, #tpu.memory_space<vmem>> -> memref<16xf32, #tpu.memory_space<vmem>>
      %dma_start3A_478 = tpu.memref_slice %arg3[%add3A_474, %multiple_of3A_466] : memref<16384x1000xf32, #tpu.memory_space<hbm>> -> memref<1x16xf32, #tpu.memory_space<hbm>>
      %dma_start3A_479 = tpu.memref_squeeze %dma_start3A_478 : memref<1x16xf32, #tpu.memory_space<hbm>> -> memref<16xf32, #tpu.memory_space<hbm>>
      %dma_start3A_480 = tpu.memref_slice %arg3[%add3A_474, %multiple_of3A_466] : memref<16384x1000xf32, #tpu.memory_space<hbm>> -> memref<1x16xf32, #tpu.memory_space<hbm>>
      %dma_start3A_481 = tpu.memref_squeeze %dma_start3A_480 : memref<1x16xf32, #tpu.memory_space<hbm>> -> memref<16xf32, #tpu.memory_space<hbm>>
      %dma_start3A_482 = arith.constant 0 : i32
      %dma_start3A_483 = tpu.memref_slice %arg6[%sub3A_467, %dma_start3A_482] : memref<16x16xf32, #tpu.memory_space<vmem>> -> memref<1x16xf32, #tpu.memory_space<vmem>>
      %dma_start3A_484 = tpu.memref_squeeze %dma_start3A_483 : memref<1x16xf32, #tpu.memory_space<vmem>> -> memref<16xf32, #tpu.memory_space<vmem>>
      tpu.enqueue_dma source(%dma_start3A_484 : memref<16xf32, #tpu.memory_space<vmem>>) target(%dma_start3A_481 : memref<16xf32, #tpu.memory_space<hbm>>) target_semaphore(%arg12 : memref<!tpu.dma_semaphore, #tpu.memory_space<semaphore_mem>>)
      %slice3A_485 = vector.extract_strided_slice %get3A_248 {offsets = [9], sizes = [1], strides = [1]} : vector<16xi32> to vector<1xi32>
      %squeeze3A_486 = vector.extract %slice3A_485[0] : i32 from vector<1xi32>
      %shift_right_arithmetic3A_487 = arith.constant 3 : i32
      %shift_right_arithmetic3A_488 = arith.shrsi %squeeze3A_486, %shift_right_arithmetic3A_487 : i32
      %shift_left3A_489 = arith.constant 3 : i32
      %shift_left3A_490 = arith.shli %shift_right_arithmetic3A_488, %shift_left3A_489 : i32
      %min3A_491 = arith.constant 984 : i32
      %min3A_492 = arith.minsi %shift_left3A_490, %min3A_491 : i32
      %multiple_of3A_493 = tpu.assume_multiple %min3A_492, 8 : i32
      %sub3A_494 = arith.subi %squeeze3A_486, %multiple_of3A_493 : i32
      %add3A_495 = arith.constant 0 : i32
      %add3A_496 = arith.addi %mul3A_2, %add3A_495 : i32
      %mul3A_497 = arith.constant 16 : i32
      %mul3A_498 = arith.muli %scan3A_243, %mul3A_497 : i32
      %add3A_499 = arith.addi %add3A_496, %mul3A_498 : i32
      %add3A_500 = arith.constant 9 : i32
      %add3A_501 = arith.addi %add3A_499, %add3A_500 : i32
      %dma_start3A_502 = arith.constant 0 : i32
      %dma_start3A_503 = tpu.memref_slice %arg6[%sub3A_494, %dma_start3A_502] : memref<16x16xf32, #tpu.memory_space<vmem>> -> memref<1x16xf32, #tpu.memory_space<vmem>>
      %dma_start3A_504 = tpu.memref_squeeze %dma_start3A_503 : memref<1x16xf32, #tpu.memory_space<vmem>> -> memref<16xf32, #tpu.memory_space<vmem>>
      %dma_start3A_505 = tpu.memref_slice %arg3[%add3A_501, %multiple_of3A_493] : memref<16384x1000xf32, #tpu.memory_space<hbm>> -> memref<1x16xf32, #tpu.memory_space<hbm>>
      %dma_start3A_506 = tpu.memref_squeeze %dma_start3A_505 : memref<1x16xf32, #tpu.memory_space<hbm>> -> memref<16xf32, #tpu.memory_space<hbm>>
      %dma_start3A_507 = tpu.memref_slice %arg3[%add3A_501, %multiple_of3A_493] : memref<16384x1000xf32, #tpu.memory_space<hbm>> -> memref<1x16xf32, #tpu.memory_space<hbm>>
      %dma_start3A_508 = tpu.memref_squeeze %dma_start3A_507 : memref<1x16xf32, #tpu.memory_space<hbm>> -> memref<16xf32, #tpu.memory_space<hbm>>
      %dma_start3A_509 = arith.constant 0 : i32
      %dma_start3A_510 = tpu.memref_slice %arg6[%sub3A_494, %dma_start3A_509] : memref<16x16xf32, #tpu.memory_space<vmem>> -> memref<1x16xf32, #tpu.memory_space<vmem>>
      %dma_start3A_511 = tpu.memref_squeeze %dma_start3A_510 : memref<1x16xf32, #tpu.memory_space<vmem>> -> memref<16xf32, #tpu.memory_space<vmem>>
      tpu.enqueue_dma source(%dma_start3A_511 : memref<16xf32, #tpu.memory_space<vmem>>) target(%dma_start3A_508 : memref<16xf32, #tpu.memory_space<hbm>>) target_semaphore(%arg12 : memref<!tpu.dma_semaphore, #tpu.memory_space<semaphore_mem>>)
      %slice3A_512 = vector.extract_strided_slice %get3A_248 {offsets = [10], sizes = [1], strides = [1]} : vector<16xi32> to vector<1xi32>
      %squeeze3A_513 = vector.extract %slice3A_512[0] : i32 from vector<1xi32>
      %shift_right_arithmetic3A_514 = arith.constant 3 : i32
      %shift_right_arithmetic3A_515 = arith.shrsi %squeeze3A_513, %shift_right_arithmetic3A_514 : i32
      %shift_left3A_516 = arith.constant 3 : i32
      %shift_left3A_517 = arith.shli %shift_right_arithmetic3A_515, %shift_left3A_516 : i32
      %min3A_518 = arith.constant 984 : i32
      %min3A_519 = arith.minsi %shift_left3A_517, %min3A_518 : i32
      %multiple_of3A_520 = tpu.assume_multiple %min3A_519, 8 : i32
      %sub3A_521 = arith.subi %squeeze3A_513, %multiple_of3A_520 : i32
      %add3A_522 = arith.constant 0 : i32
      %add3A_523 = arith.addi %mul3A_2, %add3A_522 : i32
      %mul3A_524 = arith.constant 16 : i32
      %mul3A_525 = arith.muli %scan3A_243, %mul3A_524 : i32
      %add3A_526 = arith.addi %add3A_523, %mul3A_525 : i32
      %add3A_527 = arith.constant 10 : i32
      %add3A_528 = arith.addi %add3A_526, %add3A_527 : i32
      %dma_start3A_529 = arith.constant 0 : i32
      %dma_start3A_530 = tpu.memref_slice %arg6[%sub3A_521, %dma_start3A_529] : memref<16x16xf32, #tpu.memory_space<vmem>> -> memref<1x16xf32, #tpu.memory_space<vmem>>
      %dma_start3A_531 = tpu.memref_squeeze %dma_start3A_530 : memref<1x16xf32, #tpu.memory_space<vmem>> -> memref<16xf32, #tpu.memory_space<vmem>>
      %dma_start3A_532 = tpu.memref_slice %arg3[%add3A_528, %multiple_of3A_520] : memref<16384x1000xf32, #tpu.memory_space<hbm>> -> memref<1x16xf32, #tpu.memory_space<hbm>>
      %dma_start3A_533 = tpu.memref_squeeze %dma_start3A_532 : memref<1x16xf32, #tpu.memory_space<hbm>> -> memref<16xf32, #tpu.memory_space<hbm>>
      %dma_start3A_534 = tpu.memref_slice %arg3[%add3A_528, %multiple_of3A_520] : memref<16384x1000xf32, #tpu.memory_space<hbm>> -> memref<1x16xf32, #tpu.memory_space<hbm>>
      %dma_start3A_535 = tpu.memref_squeeze %dma_start3A_534 : memref<1x16xf32, #tpu.memory_space<hbm>> -> memref<16xf32, #tpu.memory_space<hbm>>
      %dma_start3A_536 = arith.constant 0 : i32
      %dma_start3A_537 = tpu.memref_slice %arg6[%sub3A_521, %dma_start3A_536] : memref<16x16xf32, #tpu.memory_space<vmem>> -> memref<1x16xf32, #tpu.memory_space<vmem>>
      %dma_start3A_538 = tpu.memref_squeeze %dma_start3A_537 : memref<1x16xf32, #tpu.memory_space<vmem>> -> memref<16xf32, #tpu.memory_space<vmem>>
      tpu.enqueue_dma source(%dma_start3A_538 : memref<16xf32, #tpu.memory_space<vmem>>) target(%dma_start3A_535 : memref<16xf32, #tpu.memory_space<hbm>>) target_semaphore(%arg12 : memref<!tpu.dma_semaphore, #tpu.memory_space<semaphore_mem>>)
      %slice3A_539 = vector.extract_strided_slice %get3A_248 {offsets = [11], sizes = [1], strides = [1]} : vector<16xi32> to vector<1xi32>
      %squeeze3A_540 = vector.extract %slice3A_539[0] : i32 from vector<1xi32>
      %shift_right_arithmetic3A_541 = arith.constant 3 : i32
      %shift_right_arithmetic3A_542 = arith.shrsi %squeeze3A_540, %shift_right_arithmetic3A_541 : i32
      %shift_left3A_543 = arith.constant 3 : i32
      %shift_left3A_544 = arith.shli %shift_right_arithmetic3A_542, %shift_left3A_543 : i32
      %min3A_545 = arith.constant 984 : i32
      %min3A_546 = arith.minsi %shift_left3A_544, %min3A_545 : i32
      %multiple_of3A_547 = tpu.assume_multiple %min3A_546, 8 : i32
      %sub3A_548 = arith.subi %squeeze3A_540, %multiple_of3A_547 : i32
      %add3A_549 = arith.constant 0 : i32
      %add3A_550 = arith.addi %mul3A_2, %add3A_549 : i32
      %mul3A_551 = arith.constant 16 : i32
      %mul3A_552 = arith.muli %scan3A_243, %mul3A_551 : i32
      %add3A_553 = arith.addi %add3A_550, %mul3A_552 : i32
      %add3A_554 = arith.constant 11 : i32
      %add3A_555 = arith.addi %add3A_553, %add3A_554 : i32
      %dma_start3A_556 = arith.constant 0 : i32
      %dma_start3A_557 = tpu.memref_slice %arg6[%sub3A_548, %dma_start3A_556] : memref<16x16xf32, #tpu.memory_space<vmem>> -> memref<1x16xf32, #tpu.memory_space<vmem>>
      %dma_start3A_558 = tpu.memref_squeeze %dma_start3A_557 : memref<1x16xf32, #tpu.memory_space<vmem>> -> memref<16xf32, #tpu.memory_space<vmem>>
      %dma_start3A_559 = tpu.memref_slice %arg3[%add3A_555, %multiple_of3A_547] : memref<16384x1000xf32, #tpu.memory_space<hbm>> -> memref<1x16xf32, #tpu.memory_space<hbm>>
      %dma_start3A_560 = tpu.memref_squeeze %dma_start3A_559 : memref<1x16xf32, #tpu.memory_space<hbm>> -> memref<16xf32, #tpu.memory_space<hbm>>
      %dma_start3A_561 = tpu.memref_slice %arg3[%add3A_555, %multiple_of3A_547] : memref<16384x1000xf32, #tpu.memory_space<hbm>> -> memref<1x16xf32, #tpu.memory_space<hbm>>
      %dma_start3A_562 = tpu.memref_squeeze %dma_start3A_561 : memref<1x16xf32, #tpu.memory_space<hbm>> -> memref<16xf32, #tpu.memory_space<hbm>>
      %dma_start3A_563 = arith.constant 0 : i32
      %dma_start3A_564 = tpu.memref_slice %arg6[%sub3A_548, %dma_start3A_563] : memref<16x16xf32, #tpu.memory_space<vmem>> -> memref<1x16xf32, #tpu.memory_space<vmem>>
      %dma_start3A_565 = tpu.memref_squeeze %dma_start3A_564 : memref<1x16xf32, #tpu.memory_space<vmem>> -> memref<16xf32, #tpu.memory_space<vmem>>
      tpu.enqueue_dma source(%dma_start3A_565 : memref<16xf32, #tpu.memory_space<vmem>>) target(%dma_start3A_562 : memref<16xf32, #tpu.memory_space<hbm>>) target_semaphore(%arg12 : memref<!tpu.dma_semaphore, #tpu.memory_space<semaphore_mem>>)
      %slice3A_566 = vector.extract_strided_slice %get3A_248 {offsets = [12], sizes = [1], strides = [1]} : vector<16xi32> to vector<1xi32>
      %squeeze3A_567 = vector.extract %slice3A_566[0] : i32 from vector<1xi32>
      %shift_right_arithmetic3A_568 = arith.constant 3 : i32
      %shift_right_arithmetic3A_569 = arith.shrsi %squeeze3A_567, %shift_right_arithmetic3A_568 : i32
      %shift_left3A_570 = arith.constant 3 : i32
      %shift_left3A_571 = arith.shli %shift_right_arithmetic3A_569, %shift_left3A_570 : i32
      %min3A_572 = arith.constant 984 : i32
      %min3A_573 = arith.minsi %shift_left3A_571, %min3A_572 : i32
      %multiple_of3A_574 = tpu.assume_multiple %min3A_573, 8 : i32
      %sub3A_575 = arith.subi %squeeze3A_567, %multiple_of3A_574 : i32
      %add3A_576 = arith.constant 0 : i32
      %add3A_577 = arith.addi %mul3A_2, %add3A_576 : i32
      %mul3A_578 = arith.constant 16 : i32
      %mul3A_579 = arith.muli %scan3A_243, %mul3A_578 : i32
      %add3A_580 = arith.addi %add3A_577, %mul3A_579 : i32
      %add3A_581 = arith.constant 12 : i32
      %add3A_582 = arith.addi %add3A_580, %add3A_581 : i32
      %dma_start3A_583 = arith.constant 0 : i32
      %dma_start3A_584 = tpu.memref_slice %arg6[%sub3A_575, %dma_start3A_583] : memref<16x16xf32, #tpu.memory_space<vmem>> -> memref<1x16xf32, #tpu.memory_space<vmem>>
      %dma_start3A_585 = tpu.memref_squeeze %dma_start3A_584 : memref<1x16xf32, #tpu.memory_space<vmem>> -> memref<16xf32, #tpu.memory_space<vmem>>
      %dma_start3A_586 = tpu.memref_slice %arg3[%add3A_582, %multiple_of3A_574] : memref<16384x1000xf32, #tpu.memory_space<hbm>> -> memref<1x16xf32, #tpu.memory_space<hbm>>
      %dma_start3A_587 = tpu.memref_squeeze %dma_start3A_586 : memref<1x16xf32, #tpu.memory_space<hbm>> -> memref<16xf32, #tpu.memory_space<hbm>>
      %dma_start3A_588 = tpu.memref_slice %arg3[%add3A_582, %multiple_of3A_574] : memref<16384x1000xf32, #tpu.memory_space<hbm>> -> memref<1x16xf32, #tpu.memory_space<hbm>>
      %dma_start3A_589 = tpu.memref_squeeze %dma_start3A_588 : memref<1x16xf32, #tpu.memory_space<hbm>> -> memref<16xf32, #tpu.memory_space<hbm>>
      %dma_start3A_590 = arith.constant 0 : i32
      %dma_start3A_591 = tpu.memref_slice %arg6[%sub3A_575, %dma_start3A_590] : memref<16x16xf32, #tpu.memory_space<vmem>> -> memref<1x16xf32, #tpu.memory_space<vmem>>
      %dma_start3A_592 = tpu.memref_squeeze %dma_start3A_591 : memref<1x16xf32, #tpu.memory_space<vmem>> -> memref<16xf32, #tpu.memory_space<vmem>>
      tpu.enqueue_dma source(%dma_start3A_592 : memref<16xf32, #tpu.memory_space<vmem>>) target(%dma_start3A_589 : memref<16xf32, #tpu.memory_space<hbm>>) target_semaphore(%arg12 : memref<!tpu.dma_semaphore, #tpu.memory_space<semaphore_mem>>)
      %slice3A_593 = vector.extract_strided_slice %get3A_248 {offsets = [13], sizes = [1], strides = [1]} : vector<16xi32> to vector<1xi32>
      %squeeze3A_594 = vector.extract %slice3A_593[0] : i32 from vector<1xi32>
      %shift_right_arithmetic3A_595 = arith.constant 3 : i32
      %shift_right_arithmetic3A_596 = arith.shrsi %squeeze3A_594, %shift_right_arithmetic3A_595 : i32
      %shift_left3A_597 = arith.constant 3 : i32
      %shift_left3A_598 = arith.shli %shift_right_arithmetic3A_596, %shift_left3A_597 : i32
      %min3A_599 = arith.constant 984 : i32
      %min3A_600 = arith.minsi %shift_left3A_598, %min3A_599 : i32
      %multiple_of3A_601 = tpu.assume_multiple %min3A_600, 8 : i32
      %sub3A_602 = arith.subi %squeeze3A_594, %multiple_of3A_601 : i32
      %add3A_603 = arith.constant 0 : i32
      %add3A_604 = arith.addi %mul3A_2, %add3A_603 : i32
      %mul3A_605 = arith.constant 16 : i32
      %mul3A_606 = arith.muli %scan3A_243, %mul3A_605 : i32
      %add3A_607 = arith.addi %add3A_604, %mul3A_606 : i32
      %add3A_608 = arith.constant 13 : i32
      %add3A_609 = arith.addi %add3A_607, %add3A_608 : i32
      %dma_start3A_610 = arith.constant 0 : i32
      %dma_start3A_611 = tpu.memref_slice %arg6[%sub3A_602, %dma_start3A_610] : memref<16x16xf32, #tpu.memory_space<vmem>> -> memref<1x16xf32, #tpu.memory_space<vmem>>
      %dma_start3A_612 = tpu.memref_squeeze %dma_start3A_611 : memref<1x16xf32, #tpu.memory_space<vmem>> -> memref<16xf32, #tpu.memory_space<vmem>>
      %dma_start3A_613 = tpu.memref_slice %arg3[%add3A_609, %multiple_of3A_601] : memref<16384x1000xf32, #tpu.memory_space<hbm>> -> memref<1x16xf32, #tpu.memory_space<hbm>>
      %dma_start3A_614 = tpu.memref_squeeze %dma_start3A_613 : memref<1x16xf32, #tpu.memory_space<hbm>> -> memref<16xf32, #tpu.memory_space<hbm>>
      %dma_start3A_615 = tpu.memref_slice %arg3[%add3A_609, %multiple_of3A_601] : memref<16384x1000xf32, #tpu.memory_space<hbm>> -> memref<1x16xf32, #tpu.memory_space<hbm>>
      %dma_start3A_616 = tpu.memref_squeeze %dma_start3A_615 : memref<1x16xf32, #tpu.memory_space<hbm>> -> memref<16xf32, #tpu.memory_space<hbm>>
      %dma_start3A_617 = arith.constant 0 : i32
      %dma_start3A_618 = tpu.memref_slice %arg6[%sub3A_602, %dma_start3A_617] : memref<16x16xf32, #tpu.memory_space<vmem>> -> memref<1x16xf32, #tpu.memory_space<vmem>>
      %dma_start3A_619 = tpu.memref_squeeze %dma_start3A_618 : memref<1x16xf32, #tpu.memory_space<vmem>> -> memref<16xf32, #tpu.memory_space<vmem>>
      tpu.enqueue_dma source(%dma_start3A_619 : memref<16xf32, #tpu.memory_space<vmem>>) target(%dma_start3A_616 : memref<16xf32, #tpu.memory_space<hbm>>) target_semaphore(%arg12 : memref<!tpu.dma_semaphore, #tpu.memory_space<semaphore_mem>>)
      %slice3A_620 = vector.extract_strided_slice %get3A_248 {offsets = [14], sizes = [1], strides = [1]} : vector<16xi32> to vector<1xi32>
      %squeeze3A_621 = vector.extract %slice3A_620[0] : i32 from vector<1xi32>
      %shift_right_arithmetic3A_622 = arith.constant 3 : i32
      %shift_right_arithmetic3A_623 = arith.shrsi %squeeze3A_621, %shift_right_arithmetic3A_622 : i32
      %shift_left3A_624 = arith.constant 3 : i32
      %shift_left3A_625 = arith.shli %shift_right_arithmetic3A_623, %shift_left3A_624 : i32
      %min3A_626 = arith.constant 984 : i32
      %min3A_627 = arith.minsi %shift_left3A_625, %min3A_626 : i32
      %multiple_of3A_628 = tpu.assume_multiple %min3A_627, 8 : i32
      %sub3A_629 = arith.subi %squeeze3A_621, %multiple_of3A_628 : i32
      %add3A_630 = arith.constant 0 : i32
      %add3A_631 = arith.addi %mul3A_2, %add3A_630 : i32
      %mul3A_632 = arith.constant 16 : i32
      %mul3A_633 = arith.muli %scan3A_243, %mul3A_632 : i32
      %add3A_634 = arith.addi %add3A_631, %mul3A_633 : i32
      %add3A_635 = arith.constant 14 : i32
      %add3A_636 = arith.addi %add3A_634, %add3A_635 : i32
      %dma_start3A_637 = arith.constant 0 : i32
      %dma_start3A_638 = tpu.memref_slice %arg6[%sub3A_629, %dma_start3A_637] : memref<16x16xf32, #tpu.memory_space<vmem>> -> memref<1x16xf32, #tpu.memory_space<vmem>>
      %dma_start3A_639 = tpu.memref_squeeze %dma_start3A_638 : memref<1x16xf32, #tpu.memory_space<vmem>> -> memref<16xf32, #tpu.memory_space<vmem>>
      %dma_start3A_640 = tpu.memref_slice %arg3[%add3A_636, %multiple_of3A_628] : memref<16384x1000xf32, #tpu.memory_space<hbm>> -> memref<1x16xf32, #tpu.memory_space<hbm>>
      %dma_start3A_641 = tpu.memref_squeeze %dma_start3A_640 : memref<1x16xf32, #tpu.memory_space<hbm>> -> memref<16xf32, #tpu.memory_space<hbm>>
      %dma_start3A_642 = tpu.memref_slice %arg3[%add3A_636, %multiple_of3A_628] : memref<16384x1000xf32, #tpu.memory_space<hbm>> -> memref<1x16xf32, #tpu.memory_space<hbm>>
      %dma_start3A_643 = tpu.memref_squeeze %dma_start3A_642 : memref<1x16xf32, #tpu.memory_space<hbm>> -> memref<16xf32, #tpu.memory_space<hbm>>
      %dma_start3A_644 = arith.constant 0 : i32
      %dma_start3A_645 = tpu.memref_slice %arg6[%sub3A_629, %dma_start3A_644] : memref<16x16xf32, #tpu.memory_space<vmem>> -> memref<1x16xf32, #tpu.memory_space<vmem>>
      %dma_start3A_646 = tpu.memref_squeeze %dma_start3A_645 : memref<1x16xf32, #tpu.memory_space<vmem>> -> memref<16xf32, #tpu.memory_space<vmem>>
      tpu.enqueue_dma source(%dma_start3A_646 : memref<16xf32, #tpu.memory_space<vmem>>) target(%dma_start3A_643 : memref<16xf32, #tpu.memory_space<hbm>>) target_semaphore(%arg12 : memref<!tpu.dma_semaphore, #tpu.memory_space<semaphore_mem>>)
      %slice3A_647 = vector.extract_strided_slice %get3A_248 {offsets = [15], sizes = [1], strides = [1]} : vector<16xi32> to vector<1xi32>
      %squeeze3A_648 = vector.extract %slice3A_647[0] : i32 from vector<1xi32>
      %shift_right_arithmetic3A_649 = arith.constant 3 : i32
      %shift_right_arithmetic3A_650 = arith.shrsi %squeeze3A_648, %shift_right_arithmetic3A_649 : i32
      %shift_left3A_651 = arith.constant 3 : i32
      %shift_left3A_652 = arith.shli %shift_right_arithmetic3A_650, %shift_left3A_651 : i32
      %min3A_653 = arith.constant 984 : i32
      %min3A_654 = arith.minsi %shift_left3A_652, %min3A_653 : i32
      %multiple_of3A_655 = tpu.assume_multiple %min3A_654, 8 : i32
      %sub3A_656 = arith.subi %squeeze3A_648, %multiple_of3A_655 : i32
      %add3A_657 = arith.constant 0 : i32
      %add3A_658 = arith.addi %mul3A_2, %add3A_657 : i32
      %mul3A_659 = arith.constant 16 : i32
      %mul3A_660 = arith.muli %scan3A_243, %mul3A_659 : i32
      %add3A_661 = arith.addi %add3A_658, %mul3A_660 : i32
      %add3A_662 = arith.constant 15 : i32
      %add3A_663 = arith.addi %add3A_661, %add3A_662 : i32
      %dma_start3A_664 = arith.constant 0 : i32
      %dma_start3A_665 = tpu.memref_slice %arg6[%sub3A_656, %dma_start3A_664] : memref<16x16xf32, #tpu.memory_space<vmem>> -> memref<1x16xf32, #tpu.memory_space<vmem>>
      %dma_start3A_666 = tpu.memref_squeeze %dma_start3A_665 : memref<1x16xf32, #tpu.memory_space<vmem>> -> memref<16xf32, #tpu.memory_space<vmem>>
      %dma_start3A_667 = tpu.memref_slice %arg3[%add3A_663, %multiple_of3A_655] : memref<16384x1000xf32, #tpu.memory_space<hbm>> -> memref<1x16xf32, #tpu.memory_space<hbm>>
      %dma_start3A_668 = tpu.memref_squeeze %dma_start3A_667 : memref<1x16xf32, #tpu.memory_space<hbm>> -> memref<16xf32, #tpu.memory_space<hbm>>
      %dma_start3A_669 = tpu.memref_slice %arg3[%add3A_663, %multiple_of3A_655] : memref<16384x1000xf32, #tpu.memory_space<hbm>> -> memref<1x16xf32, #tpu.memory_space<hbm>>
      %dma_start3A_670 = tpu.memref_squeeze %dma_start3A_669 : memref<1x16xf32, #tpu.memory_space<hbm>> -> memref<16xf32, #tpu.memory_space<hbm>>
      %dma_start3A_671 = arith.constant 0 : i32
      %dma_start3A_672 = tpu.memref_slice %arg6[%sub3A_656, %dma_start3A_671] : memref<16x16xf32, #tpu.memory_space<vmem>> -> memref<1x16xf32, #tpu.memory_space<vmem>>
      %dma_start3A_673 = tpu.memref_squeeze %dma_start3A_672 : memref<1x16xf32, #tpu.memory_space<vmem>> -> memref<16xf32, #tpu.memory_space<vmem>>
      tpu.enqueue_dma source(%dma_start3A_673 : memref<16xf32, #tpu.memory_space<vmem>>) target(%dma_start3A_670 : memref<16xf32, #tpu.memory_space<hbm>>) target_semaphore(%arg12 : memref<!tpu.dma_semaphore, #tpu.memory_space<semaphore_mem>>)
    }
    %scan3A_227 = arith.constant 16 : i32
    %dma_wait3A_228 = arith.constant 0 : i32
    %dma_wait3A_229 = tpu.memref_slice %arg3[%add3A_211, %dma_wait3A_228] : memref<16384x1000xf32, #tpu.memory_space<hbm>> -> memref<256x1000xf32, #tpu.memory_space<hbm>>
    %dma_wait3A_230 = arith.constant 256 : i32
    %dma_wait3A_231 = arith.constant 0 : i32
    %dma_wait3A_232 = tpu.memref_slice %arg8[%dma_wait3A_230, %dma_wait3A_231] : memref<512x1000xf32, #tpu.memory_space<vmem_shared>> -> memref<256x1000xf32, #tpu.memory_space<vmem_shared>>
    tpu.wait_dma2 semaphore(%arg11 : memref<!tpu.dma_semaphore, #tpu.memory_space<semaphore_mem>>) src(%dma_wait3A_232 : memref<256x1000xf32, #tpu.memory_space<vmem_shared>>) dst(%dma_wait3A_229 : memref<256x1000xf32, #tpu.memory_space<hbm>>)
    %scan3A_233 = arith.constant 0 : i32
    %scan3A_234 = arith.constant 0 : i32
    %scan3A_235 = arith.constant 16 : i32
    %scan3A_236 = arith.addi %scan3A_234, %scan3A_235 : i32
    %scan3A_237 = arith.constant 1 : i32
    scf.for %scan3A_243 = %scan3A_234 to %scan3A_236 step %scan3A_237  : i32 {
      %mul3A_244 = arith.constant 16 : i32
      %mul3A_245 = arith.muli %scan3A_243, %mul3A_244 : i32
      %add3A_246 = arith.constant 256 : i32
      %add3A_247 = arith.addi %add3A_246, %mul3A_245 : i32
      %get3A = arith.index_cast %add3A_247 : i32 to index
      %get3A_248 = tpu.vector_load %arg4[%get3A] {strides = array<i32>} : memref<512xi32, #tpu.memory_space<vmem>>, vector<16xi32>,
      %slice3A = vector.extract_strided_slice %get3A_248 {offsets = [0], sizes = [1], strides = [1]} : vector<16xi32> to vector<1xi32>
      %squeeze3A = vector.extract %slice3A[0] : i32 from vector<1xi32>
      %shift_right_arithmetic3A = arith.constant 3 : i32
      %shift_right_arithmetic3A_249 = arith.shrsi %squeeze3A, %shift_right_arithmetic3A : i32
      %shift_left3A = arith.constant 3 : i32
      %shift_left3A_250 = arith.shli %shift_right_arithmetic3A_249, %shift_left3A : i32
      %min3A = arith.constant 984 : i32
      %min3A_251 = arith.minsi %shift_left3A_250, %min3A : i32
      %multiple_of3A = tpu.assume_multiple %min3A_251, 8 : i32
      %sub3A = arith.subi %squeeze3A, %multiple_of3A : i32
      %add3A_252 = arith.constant 256 : i32
      %add3A_253 = arith.addi %mul3A_2, %add3A_252 : i32
      %mul3A_254 = arith.constant 16 : i32
      %mul3A_255 = arith.muli %scan3A_243, %mul3A_254 : i32
      %add3A_256 = arith.addi %add3A_253, %mul3A_255 : i32
      %add3A_257 = arith.constant 0 : i32
      %add3A_258 = arith.addi %add3A_256, %add3A_257 : i32
      %dma_start3A_259 = arith.constant 0 : i32
      %dma_start3A_260 = tpu.memref_slice %arg6[%sub3A, %dma_start3A_259] : memref<16x16xf32, #tpu.memory_space<vmem>> -> memref<1x16xf32, #tpu.memory_space<vmem>>
      %dma_start3A_261 = tpu.memref_squeeze %dma_start3A_260 : memref<1x16xf32, #tpu.memory_space<vmem>> -> memref<16xf32, #tpu.memory_space<vmem>>
      %dma_start3A_262 = tpu.memref_slice %arg3[%add3A_258, %multiple_of3A] : memref<16384x1000xf32, #tpu.memory_space<hbm>> -> memref<1x16xf32, #tpu.memory_space<hbm>>
      %dma_start3A_263 = tpu.memref_squeeze %dma_start3A_262 : memref<1x16xf32, #tpu.memory_space<hbm>> -> memref<16xf32, #tpu.memory_space<hbm>>
      %dma_start3A_264 = tpu.memref_slice %arg3[%add3A_258, %multiple_of3A] : memref<16384x1000xf32, #tpu.memory_space<hbm>> -> memref<1x16xf32, #tpu.memory_space<hbm>>
      %dma_start3A_265 = tpu.memref_squeeze %dma_start3A_264 : memref<1x16xf32, #tpu.memory_space<hbm>> -> memref<16xf32, #tpu.memory_space<hbm>>
      %dma_start3A_266 = arith.constant 0 : i32
      %dma_start3A_267 = tpu.memref_slice %arg6[%sub3A, %dma_start3A_266] : memref<16x16xf32, #tpu.memory_space<vmem>> -> memref<1x16xf32, #tpu.memory_space<vmem>>
      %dma_start3A_268 = tpu.memref_squeeze %dma_start3A_267 : memref<1x16xf32, #tpu.memory_space<vmem>> -> memref<16xf32, #tpu.memory_space<vmem>>
      tpu.enqueue_dma source(%dma_start3A_268 : memref<16xf32, #tpu.memory_space<vmem>>) target(%dma_start3A_265 : memref<16xf32, #tpu.memory_space<hbm>>) target_semaphore(%arg12 : memref<!tpu.dma_semaphore, #tpu.memory_space<semaphore_mem>>)
      %slice3A_269 = vector.extract_strided_slice %get3A_248 {offsets = [1], sizes = [1], strides = [1]} : vector<16xi32> to vector<1xi32>
      %squeeze3A_270 = vector.extract %slice3A_269[0] : i32 from vector<1xi32>
      %shift_right_arithmetic3A_271 = arith.constant 3 : i32
      %shift_right_arithmetic3A_272 = arith.shrsi %squeeze3A_270, %shift_right_arithmetic3A_271 : i32
      %shift_left3A_273 = arith.constant 3 : i32
      %shift_left3A_274 = arith.shli %shift_right_arithmetic3A_272, %shift_left3A_273 : i32
      %min3A_275 = arith.constant 984 : i32
      %min3A_276 = arith.minsi %shift_left3A_274, %min3A_275 : i32
      %multiple_of3A_277 = tpu.assume_multiple %min3A_276, 8 : i32
      %sub3A_278 = arith.subi %squeeze3A_270, %multiple_of3A_277 : i32
      %add3A_279 = arith.constant 256 : i32
      %add3A_280 = arith.addi %mul3A_2, %add3A_279 : i32
      %mul3A_281 = arith.constant 16 : i32
      %mul3A_282 = arith.muli %scan3A_243, %mul3A_281 : i32
      %add3A_283 = arith.addi %add3A_280, %mul3A_282 : i32
      %add3A_284 = arith.constant 1 : i32
      %add3A_285 = arith.addi %add3A_283, %add3A_284 : i32
      %dma_start3A_286 = arith.constant 0 : i32
      %dma_start3A_287 = tpu.memref_slice %arg6[%sub3A_278, %dma_start3A_286] : memref<16x16xf32, #tpu.memory_space<vmem>> -> memref<1x16xf32, #tpu.memory_space<vmem>>
      %dma_start3A_288 = tpu.memref_squeeze %dma_start3A_287 : memref<1x16xf32, #tpu.memory_space<vmem>> -> memref<16xf32, #tpu.memory_space<vmem>>
      %dma_start3A_289 = tpu.memref_slice %arg3[%add3A_285, %multiple_of3A_277] : memref<16384x1000xf32, #tpu.memory_space<hbm>> -> memref<1x16xf32, #tpu.memory_space<hbm>>
      %dma_start3A_290 = tpu.memref_squeeze %dma_start3A_289 : memref<1x16xf32, #tpu.memory_space<hbm>> -> memref<16xf32, #tpu.memory_space<hbm>>
      %dma_start3A_291 = tpu.memref_slice %arg3[%add3A_285, %multiple_of3A_277] : memref<16384x1000xf32, #tpu.memory_space<hbm>> -> memref<1x16xf32, #tpu.memory_space<hbm>>
      %dma_start3A_292 = tpu.memref_squeeze %dma_start3A_291 : memref<1x16xf32, #tpu.memory_space<hbm>> -> memref<16xf32, #tpu.memory_space<hbm>>
      %dma_start3A_293 = arith.constant 0 : i32
      %dma_start3A_294 = tpu.memref_slice %arg6[%sub3A_278, %dma_start3A_293] : memref<16x16xf32, #tpu.memory_space<vmem>> -> memref<1x16xf32, #tpu.memory_space<vmem>>
      %dma_start3A_295 = tpu.memref_squeeze %dma_start3A_294 : memref<1x16xf32, #tpu.memory_space<vmem>> -> memref<16xf32, #tpu.memory_space<vmem>>
      tpu.enqueue_dma source(%dma_start3A_295 : memref<16xf32, #tpu.memory_space<vmem>>) target(%dma_start3A_292 : memref<16xf32, #tpu.memory_space<hbm>>) target_semaphore(%arg12 : memref<!tpu.dma_semaphore, #tpu.memory_space<semaphore_mem>>)
      %slice3A_296 = vector.extract_strided_slice %get3A_248 {offsets = [2], sizes = [1], strides = [1]} : vector<16xi32> to vector<1xi32>
      %squeeze3A_297 = vector.extract %slice3A_296[0] : i32 from vector<1xi32>
      %shift_right_arithmetic3A_298 = arith.constant 3 : i32
      %shift_right_arithmetic3A_299 = arith.shrsi %squeeze3A_297, %shift_right_arithmetic3A_298 : i32
      %shift_left3A_300 = arith.constant 3 : i32
      %shift_left3A_301 = arith.shli %shift_right_arithmetic3A_299, %shift_left3A_300 : i32
      %min3A_302 = arith.constant 984 : i32
      %min3A_303 = arith.minsi %shift_left3A_301, %min3A_302 : i32
      %multiple_of3A_304 = tpu.assume_multiple %min3A_303, 8 : i32
      %sub3A_305 = arith.subi %squeeze3A_297, %multiple_of3A_304 : i32
      %add3A_306 = arith.constant 256 : i32
      %add3A_307 = arith.addi %mul3A_2, %add3A_306 : i32
      %mul3A_308 = arith.constant 16 : i32
      %mul3A_309 = arith.muli %scan3A_243, %mul3A_308 : i32
      %add3A_310 = arith.addi %add3A_307, %mul3A_309 : i32
      %add3A_311 = arith.constant 2 : i32
      %add3A_312 = arith.addi %add3A_310, %add3A_311 : i32
      %dma_start3A_313 = arith.constant 0 : i32
      %dma_start3A_314 = tpu.memref_slice %arg6[%sub3A_305, %dma_start3A_313] : memref<16x16xf32, #tpu.memory_space<vmem>> -> memref<1x16xf32, #tpu.memory_space<vmem>>
      %dma_start3A_315 = tpu.memref_squeeze %dma_start3A_314 : memref<1x16xf32, #tpu.memory_space<vmem>> -> memref<16xf32, #tpu.memory_space<vmem>>
      %dma_start3A_316 = tpu.memref_slice %arg3[%add3A_312, %multiple_of3A_304] : memref<16384x1000xf32, #tpu.memory_space<hbm>> -> memref<1x16xf32, #tpu.memory_space<hbm>>
      %dma_start3A_317 = tpu.memref_squeeze %dma_start3A_316 : memref<1x16xf32, #tpu.memory_space<hbm>> -> memref<16xf32, #tpu.memory_space<hbm>>
      %dma_start3A_318 = tpu.memref_slice %arg3[%add3A_312, %multiple_of3A_304] : memref<16384x1000xf32, #tpu.memory_space<hbm>> -> memref<1x16xf32, #tpu.memory_space<hbm>>
      %dma_start3A_319 = tpu.memref_squeeze %dma_start3A_318 : memref<1x16xf32, #tpu.memory_space<hbm>> -> memref<16xf32, #tpu.memory_space<hbm>>
      %dma_start3A_320 = arith.constant 0 : i32
      %dma_start3A_321 = tpu.memref_slice %arg6[%sub3A_305, %dma_start3A_320] : memref<16x16xf32, #tpu.memory_space<vmem>> -> memref<1x16xf32, #tpu.memory_space<vmem>>
      %dma_start3A_322 = tpu.memref_squeeze %dma_start3A_321 : memref<1x16xf32, #tpu.memory_space<vmem>> -> memref<16xf32, #tpu.memory_space<vmem>>
      tpu.enqueue_dma source(%dma_start3A_322 : memref<16xf32, #tpu.memory_space<vmem>>) target(%dma_start3A_319 : memref<16xf32, #tpu.memory_space<hbm>>) target_semaphore(%arg12 : memref<!tpu.dma_semaphore, #tpu.memory_space<semaphore_mem>>)
      %slice3A_323 = vector.extract_strided_slice %get3A_248 {offsets = [3], sizes = [1], strides = [1]} : vector<16xi32> to vector<1xi32>
      %squeeze3A_324 = vector.extract %slice3A_323[0] : i32 from vector<1xi32>
      %shift_right_arithmetic3A_325 = arith.constant 3 : i32
      %shift_right_arithmetic3A_326 = arith.shrsi %squeeze3A_324, %shift_right_arithmetic3A_325 : i32
      %shift_left3A_327 = arith.constant 3 : i32
      %shift_left3A_328 = arith.shli %shift_right_arithmetic3A_326, %shift_left3A_327 : i32
      %min3A_329 = arith.constant 984 : i32
      %min3A_330 = arith.minsi %shift_left3A_328, %min3A_329 : i32
      %multiple_of3A_331 = tpu.assume_multiple %min3A_330, 8 : i32
      %sub3A_332 = arith.subi %squeeze3A_324, %multiple_of3A_331 : i32
      %add3A_333 = arith.constant 256 : i32
      %add3A_334 = arith.addi %mul3A_2, %add3A_333 : i32
      %mul3A_335 = arith.constant 16 : i32
      %mul3A_336 = arith.muli %scan3A_243, %mul3A_335 : i32
      %add3A_337 = arith.addi %add3A_334, %mul3A_336 : i32
      %add3A_338 = arith.constant 3 : i32
      %add3A_339 = arith.addi %add3A_337, %add3A_338 : i32
      %dma_start3A_340 = arith.constant 0 : i32
      %dma_start3A_341 = tpu.memref_slice %arg6[%sub3A_332, %dma_start3A_340] : memref<16x16xf32, #tpu.memory_space<vmem>> -> memref<1x16xf32, #tpu.memory_space<vmem>>
      %dma_start3A_342 = tpu.memref_squeeze %dma_start3A_341 : memref<1x16xf32, #tpu.memory_space<vmem>> -> memref<16xf32, #tpu.memory_space<vmem>>
      %dma_start3A_343 = tpu.memref_slice %arg3[%add3A_339, %multiple_of3A_331] : memref<16384x1000xf32, #tpu.memory_space<hbm>> -> memref<1x16xf32, #tpu.memory_space<hbm>>
      %dma_start3A_344 = tpu.memref_squeeze %dma_start3A_343 : memref<1x16xf32, #tpu.memory_space<hbm>> -> memref<16xf32, #tpu.memory_space<hbm>>
      %dma_start3A_345 = tpu.memref_slice %arg3[%add3A_339, %multiple_of3A_331] : memref<16384x1000xf32, #tpu.memory_space<hbm>> -> memref<1x16xf32, #tpu.memory_space<hbm>>
      %dma_start3A_346 = tpu.memref_squeeze %dma_start3A_345 : memref<1x16xf32, #tpu.memory_space<hbm>> -> memref<16xf32, #tpu.memory_space<hbm>>
      %dma_start3A_347 = arith.constant 0 : i32
      %dma_start3A_348 = tpu.memref_slice %arg6[%sub3A_332, %dma_start3A_347] : memref<16x16xf32, #tpu.memory_space<vmem>> -> memref<1x16xf32, #tpu.memory_space<vmem>>
      %dma_start3A_349 = tpu.memref_squeeze %dma_start3A_348 : memref<1x16xf32, #tpu.memory_space<vmem>> -> memref<16xf32, #tpu.memory_space<vmem>>
      tpu.enqueue_dma source(%dma_start3A_349 : memref<16xf32, #tpu.memory_space<vmem>>) target(%dma_start3A_346 : memref<16xf32, #tpu.memory_space<hbm>>) target_semaphore(%arg12 : memref<!tpu.dma_semaphore, #tpu.memory_space<semaphore_mem>>)
      %slice3A_350 = vector.extract_strided_slice %get3A_248 {offsets = [4], sizes = [1], strides = [1]} : vector<16xi32> to vector<1xi32>
      %squeeze3A_351 = vector.extract %slice3A_350[0] : i32 from vector<1xi32>
      %shift_right_arithmetic3A_352 = arith.constant 3 : i32
      %shift_right_arithmetic3A_353 = arith.shrsi %squeeze3A_351, %shift_right_arithmetic3A_352 : i32
      %shift_left3A_354 = arith.constant 3 : i32
      %shift_left3A_355 = arith.shli %shift_right_arithmetic3A_353, %shift_left3A_354 : i32
      %min3A_356 = arith.constant 984 : i32
      %min3A_357 = arith.minsi %shift_left3A_355, %min3A_356 : i32
      %multiple_of3A_358 = tpu.assume_multiple %min3A_357, 8 : i32
      %sub3A_359 = arith.subi %squeeze3A_351, %multiple_of3A_358 : i32
      %add3A_360 = arith.constant 256 : i32
      %add3A_361 = arith.addi %mul3A_2, %add3A_360 : i32
      %mul3A_362 = arith.constant 16 : i32
      %mul3A_363 = arith.muli %scan3A_243, %mul3A_362 : i32
      %add3A_364 = arith.addi %add3A_361, %mul3A_363 : i32
      %add3A_365 = arith.constant 4 : i32
      %add3A_366 = arith.addi %add3A_364, %add3A_365 : i32
      %dma_start3A_367 = arith.constant 0 : i32
      %dma_start3A_368 = tpu.memref_slice %arg6[%sub3A_359, %dma_start3A_367] : memref<16x16xf32, #tpu.memory_space<vmem>> -> memref<1x16xf32, #tpu.memory_space<vmem>>
      %dma_start3A_369 = tpu.memref_squeeze %dma_start3A_368 : memref<1x16xf32, #tpu.memory_space<vmem>> -> memref<16xf32, #tpu.memory_space<vmem>>
      %dma_start3A_370 = tpu.memref_slice %arg3[%add3A_366, %multiple_of3A_358] : memref<16384x1000xf32, #tpu.memory_space<hbm>> -> memref<1x16xf32, #tpu.memory_space<hbm>>
      %dma_start3A_371 = tpu.memref_squeeze %dma_start3A_370 : memref<1x16xf32, #tpu.memory_space<hbm>> -> memref<16xf32, #tpu.memory_space<hbm>>
      %dma_start3A_372 = tpu.memref_slice %arg3[%add3A_366, %multiple_of3A_358] : memref<16384x1000xf32, #tpu.memory_space<hbm>> -> memref<1x16xf32, #tpu.memory_space<hbm>>
      %dma_start3A_373 = tpu.memref_squeeze %dma_start3A_372 : memref<1x16xf32, #tpu.memory_space<hbm>> -> memref<16xf32, #tpu.memory_space<hbm>>
      %dma_start3A_374 = arith.constant 0 : i32
      %dma_start3A_375 = tpu.memref_slice %arg6[%sub3A_359, %dma_start3A_374] : memref<16x16xf32, #tpu.memory_space<vmem>> -> memref<1x16xf32, #tpu.memory_space<vmem>>
      %dma_start3A_376 = tpu.memref_squeeze %dma_start3A_375 : memref<1x16xf32, #tpu.memory_space<vmem>> -> memref<16xf32, #tpu.memory_space<vmem>>
      tpu.enqueue_dma source(%dma_start3A_376 : memref<16xf32, #tpu.memory_space<vmem>>) target(%dma_start3A_373 : memref<16xf32, #tpu.memory_space<hbm>>) target_semaphore(%arg12 : memref<!tpu.dma_semaphore, #tpu.memory_space<semaphore_mem>>)
      %slice3A_377 = vector.extract_strided_slice %get3A_248 {offsets = [5], sizes = [1], strides = [1]} : vector<16xi32> to vector<1xi32>
      %squeeze3A_378 = vector.extract %slice3A_377[0] : i32 from vector<1xi32>
      %shift_right_arithmetic3A_379 = arith.constant 3 : i32
      %shift_right_arithmetic3A_380 = arith.shrsi %squeeze3A_378, %shift_right_arithmetic3A_379 : i32
      %shift_left3A_381 = arith.constant 3 : i32
      %shift_left3A_382 = arith.shli %shift_right_arithmetic3A_380, %shift_left3A_381 : i32
      %min3A_383 = arith.constant 984 : i32
      %min3A_384 = arith.minsi %shift_left3A_382, %min3A_383 : i32
      %multiple_of3A_385 = tpu.assume_multiple %min3A_384, 8 : i32
      %sub3A_386 = arith.subi %squeeze3A_378, %multiple_of3A_385 : i32
      %add3A_387 = arith.constant 256 : i32
      %add3A_388 = arith.addi %mul3A_2, %add3A_387 : i32
      %mul3A_389 = arith.constant 16 : i32
      %mul3A_390 = arith.muli %scan3A_243, %mul3A_389 : i32
      %add3A_391 = arith.addi %add3A_388, %mul3A_390 : i32
      %add3A_392 = arith.constant 5 : i32
      %add3A_393 = arith.addi %add3A_391, %add3A_392 : i32
      %dma_start3A_394 = arith.constant 0 : i32
      %dma_start3A_395 = tpu.memref_slice %arg6[%sub3A_386, %dma_start3A_394] : memref<16x16xf32, #tpu.memory_space<vmem>> -> memref<1x16xf32, #tpu.memory_space<vmem>>
      %dma_start3A_396 = tpu.memref_squeeze %dma_start3A_395 : memref<1x16xf32, #tpu.memory_space<vmem>> -> memref<16xf32, #tpu.memory_space<vmem>>
      %dma_start3A_397 = tpu.memref_slice %arg3[%add3A_393, %multiple_of3A_385] : memref<16384x1000xf32, #tpu.memory_space<hbm>> -> memref<1x16xf32, #tpu.memory_space<hbm>>
      %dma_start3A_398 = tpu.memref_squeeze %dma_start3A_397 : memref<1x16xf32, #tpu.memory_space<hbm>> -> memref<16xf32, #tpu.memory_space<hbm>>
      %dma_start3A_399 = tpu.memref_slice %arg3[%add3A_393, %multiple_of3A_385] : memref<16384x1000xf32, #tpu.memory_space<hbm>> -> memref<1x16xf32, #tpu.memory_space<hbm>>
      %dma_start3A_400 = tpu.memref_squeeze %dma_start3A_399 : memref<1x16xf32, #tpu.memory_space<hbm>> -> memref<16xf32, #tpu.memory_space<hbm>>
      %dma_start3A_401 = arith.constant 0 : i32
      %dma_start3A_402 = tpu.memref_slice %arg6[%sub3A_386, %dma_start3A_401] : memref<16x16xf32, #tpu.memory_space<vmem>> -> memref<1x16xf32, #tpu.memory_space<vmem>>
      %dma_start3A_403 = tpu.memref_squeeze %dma_start3A_402 : memref<1x16xf32, #tpu.memory_space<vmem>> -> memref<16xf32, #tpu.memory_space<vmem>>
      tpu.enqueue_dma source(%dma_start3A_403 : memref<16xf32, #tpu.memory_space<vmem>>) target(%dma_start3A_400 : memref<16xf32, #tpu.memory_space<hbm>>) target_semaphore(%arg12 : memref<!tpu.dma_semaphore, #tpu.memory_space<semaphore_mem>>)
      %slice3A_404 = vector.extract_strided_slice %get3A_248 {offsets = [6], sizes = [1], strides = [1]} : vector<16xi32> to vector<1xi32>
      %squeeze3A_405 = vector.extract %slice3A_404[0] : i32 from vector<1xi32>
      %shift_right_arithmetic3A_406 = arith.constant 3 : i32
      %shift_right_arithmetic3A_407 = arith.shrsi %squeeze3A_405, %shift_right_arithmetic3A_406 : i32
      %shift_left3A_408 = arith.constant 3 : i32
      %shift_left3A_409 = arith.shli %shift_right_arithmetic3A_407, %shift_left3A_408 : i32
      %min3A_410 = arith.constant 984 : i32
      %min3A_411 = arith.minsi %shift_left3A_409, %min3A_410 : i32
      %multiple_of3A_412 = tpu.assume_multiple %min3A_411, 8 : i32
      %sub3A_413 = arith.subi %squeeze3A_405, %multiple_of3A_412 : i32
      %add3A_414 = arith.constant 256 : i32
      %add3A_415 = arith.addi %mul3A_2, %add3A_414 : i32
      %mul3A_416 = arith.constant 16 : i32
      %mul3A_417 = arith.muli %scan3A_243, %mul3A_416 : i32
      %add3A_418 = arith.addi %add3A_415, %mul3A_417 : i32
      %add3A_419 = arith.constant 6 : i32
      %add3A_420 = arith.addi %add3A_418, %add3A_419 : i32
      %dma_start3A_421 = arith.constant 0 : i32
      %dma_start3A_422 = tpu.memref_slice %arg6[%sub3A_413, %dma_start3A_421] : memref<16x16xf32, #tpu.memory_space<vmem>> -> memref<1x16xf32, #tpu.memory_space<vmem>>
      %dma_start3A_423 = tpu.memref_squeeze %dma_start3A_422 : memref<1x16xf32, #tpu.memory_space<vmem>> -> memref<16xf32, #tpu.memory_space<vmem>>
      %dma_start3A_424 = tpu.memref_slice %arg3[%add3A_420, %multiple_of3A_412] : memref<16384x1000xf32, #tpu.memory_space<hbm>> -> memref<1x16xf32, #tpu.memory_space<hbm>>
      %dma_start3A_425 = tpu.memref_squeeze %dma_start3A_424 : memref<1x16xf32, #tpu.memory_space<hbm>> -> memref<16xf32, #tpu.memory_space<hbm>>
      %dma_start3A_426 = tpu.memref_slice %arg3[%add3A_420, %multiple_of3A_412] : memref<16384x1000xf32, #tpu.memory_space<hbm>> -> memref<1x16xf32, #tpu.memory_space<hbm>>
      %dma_start3A_427 = tpu.memref_squeeze %dma_start3A_426 : memref<1x16xf32, #tpu.memory_space<hbm>> -> memref<16xf32, #tpu.memory_space<hbm>>
      %dma_start3A_428 = arith.constant 0 : i32
      %dma_start3A_429 = tpu.memref_slice %arg6[%sub3A_413, %dma_start3A_428] : memref<16x16xf32, #tpu.memory_space<vmem>> -> memref<1x16xf32, #tpu.memory_space<vmem>>
      %dma_start3A_430 = tpu.memref_squeeze %dma_start3A_429 : memref<1x16xf32, #tpu.memory_space<vmem>> -> memref<16xf32, #tpu.memory_space<vmem>>
      tpu.enqueue_dma source(%dma_start3A_430 : memref<16xf32, #tpu.memory_space<vmem>>) target(%dma_start3A_427 : memref<16xf32, #tpu.memory_space<hbm>>) target_semaphore(%arg12 : memref<!tpu.dma_semaphore, #tpu.memory_space<semaphore_mem>>)
      %slice3A_431 = vector.extract_strided_slice %get3A_248 {offsets = [7], sizes = [1], strides = [1]} : vector<16xi32> to vector<1xi32>
      %squeeze3A_432 = vector.extract %slice3A_431[0] : i32 from vector<1xi32>
      %shift_right_arithmetic3A_433 = arith.constant 3 : i32
      %shift_right_arithmetic3A_434 = arith.shrsi %squeeze3A_432, %shift_right_arithmetic3A_433 : i32
      %shift_left3A_435 = arith.constant 3 : i32
      %shift_left3A_436 = arith.shli %shift_right_arithmetic3A_434, %shift_left3A_435 : i32
      %min3A_437 = arith.constant 984 : i32
      %min3A_438 = arith.minsi %shift_left3A_436, %min3A_437 : i32
      %multiple_of3A_439 = tpu.assume_multiple %min3A_438, 8 : i32
      %sub3A_440 = arith.subi %squeeze3A_432, %multiple_of3A_439 : i32
      %add3A_441 = arith.constant 256 : i32
      %add3A_442 = arith.addi %mul3A_2, %add3A_441 : i32
      %mul3A_443 = arith.constant 16 : i32
      %mul3A_444 = arith.muli %scan3A_243, %mul3A_443 : i32
      %add3A_445 = arith.addi %add3A_442, %mul3A_444 : i32
      %add3A_446 = arith.constant 7 : i32
      %add3A_447 = arith.addi %add3A_445, %add3A_446 : i32
      %dma_start3A_448 = arith.constant 0 : i32
      %dma_start3A_449 = tpu.memref_slice %arg6[%sub3A_440, %dma_start3A_448] : memref<16x16xf32, #tpu.memory_space<vmem>> -> memref<1x16xf32, #tpu.memory_space<vmem>>
      %dma_start3A_450 = tpu.memref_squeeze %dma_start3A_449 : memref<1x16xf32, #tpu.memory_space<vmem>> -> memref<16xf32, #tpu.memory_space<vmem>>
      %dma_start3A_451 = tpu.memref_slice %arg3[%add3A_447, %multiple_of3A_439] : memref<16384x1000xf32, #tpu.memory_space<hbm>> -> memref<1x16xf32, #tpu.memory_space<hbm>>
      %dma_start3A_452 = tpu.memref_squeeze %dma_start3A_451 : memref<1x16xf32, #tpu.memory_space<hbm>> -> memref<16xf32, #tpu.memory_space<hbm>>
      %dma_start3A_453 = tpu.memref_slice %arg3[%add3A_447, %multiple_of3A_439] : memref<16384x1000xf32, #tpu.memory_space<hbm>> -> memref<1x16xf32, #tpu.memory_space<hbm>>
      %dma_start3A_454 = tpu.memref_squeeze %dma_start3A_453 : memref<1x16xf32, #tpu.memory_space<hbm>> -> memref<16xf32, #tpu.memory_space<hbm>>
      %dma_start3A_455 = arith.constant 0 : i32
      %dma_start3A_456 = tpu.memref_slice %arg6[%sub3A_440, %dma_start3A_455] : memref<16x16xf32, #tpu.memory_space<vmem>> -> memref<1x16xf32, #tpu.memory_space<vmem>>
      %dma_start3A_457 = tpu.memref_squeeze %dma_start3A_456 : memref<1x16xf32, #tpu.memory_space<vmem>> -> memref<16xf32, #tpu.memory_space<vmem>>
      tpu.enqueue_dma source(%dma_start3A_457 : memref<16xf32, #tpu.memory_space<vmem>>) target(%dma_start3A_454 : memref<16xf32, #tpu.memory_space<hbm>>) target_semaphore(%arg12 : memref<!tpu.dma_semaphore, #tpu.memory_space<semaphore_mem>>)
      %slice3A_458 = vector.extract_strided_slice %get3A_248 {offsets = [8], sizes = [1], strides = [1]} : vector<16xi32> to vector<1xi32>
      %squeeze3A_459 = vector.extract %slice3A_458[0] : i32 from vector<1xi32>
      %shift_right_arithmetic3A_460 = arith.constant 3 : i32
      %shift_right_arithmetic3A_461 = arith.shrsi %squeeze3A_459, %shift_right_arithmetic3A_460 : i32
      %shift_left3A_462 = arith.constant 3 : i32
      %shift_left3A_463 = arith.shli %shift_right_arithmetic3A_461, %shift_left3A_462 : i32
      %min3A_464 = arith.constant 984 : i32
      %min3A_465 = arith.minsi %shift_left3A_463, %min3A_464 : i32
      %multiple_of3A_466 = tpu.assume_multiple %min3A_465, 8 : i32
      %sub3A_467 = arith.subi %squeeze3A_459, %multiple_of3A_466 : i32
      %add3A_468 = arith.constant 256 : i32
      %add3A_469 = arith.addi %mul3A_2, %add3A_468 : i32
      %mul3A_470 = arith.constant 16 : i32
      %mul3A_471 = arith.muli %scan3A_243, %mul3A_470 : i32
      %add3A_472 = arith.addi %add3A_469, %mul3A_471 : i32
      %add3A_473 = arith.constant 8 : i32
      %add3A_474 = arith.addi %add3A_472, %add3A_473 : i32
      %dma_start3A_475 = arith.constant 0 : i32
      %dma_start3A_476 = tpu.memref_slice %arg6[%sub3A_467, %dma_start3A_475] : memref<16x16xf32, #tpu.memory_space<vmem>> -> memref<1x16xf32, #tpu.memory_space<vmem>>
      %dma_start3A_477 = tpu.memref_squeeze %dma_start3A_476 : memref<1x16xf32, #tpu.memory_space<vmem>> -> memref<16xf32, #tpu.memory_space<vmem>>
      %dma_start3A_478 = tpu.memref_slice %arg3[%add3A_474, %multiple_of3A_466] : memref<16384x1000xf32, #tpu.memory_space<hbm>> -> memref<1x16xf32, #tpu.memory_space<hbm>>
      %dma_start3A_479 = tpu.memref_squeeze %dma_start3A_478 : memref<1x16xf32, #tpu.memory_space<hbm>> -> memref<16xf32, #tpu.memory_space<hbm>>
      %dma_start3A_480 = tpu.memref_slice %arg3[%add3A_474, %multiple_of3A_466] : memref<16384x1000xf32, #tpu.memory_space<hbm>> -> memref<1x16xf32, #tpu.memory_space<hbm>>
      %dma_start3A_481 = tpu.memref_squeeze %dma_start3A_480 : memref<1x16xf32, #tpu.memory_space<hbm>> -> memref<16xf32, #tpu.memory_space<hbm>>
      %dma_start3A_482 = arith.constant 0 : i32
      %dma_start3A_483 = tpu.memref_slice %arg6[%sub3A_467, %dma_start3A_482] : memref<16x16xf32, #tpu.memory_space<vmem>> -> memref<1x16xf32, #tpu.memory_space<vmem>>
      %dma_start3A_484 = tpu.memref_squeeze %dma_start3A_483 : memref<1x16xf32, #tpu.memory_space<vmem>> -> memref<16xf32, #tpu.memory_space<vmem>>
      tpu.enqueue_dma source(%dma_start3A_484 : memref<16xf32, #tpu.memory_space<vmem>>) target(%dma_start3A_481 : memref<16xf32, #tpu.memory_space<hbm>>) target_semaphore(%arg12 : memref<!tpu.dma_semaphore, #tpu.memory_space<semaphore_mem>>)
      %slice3A_485 = vector.extract_strided_slice %get3A_248 {offsets = [9], sizes = [1], strides = [1]} : vector<16xi32> to vector<1xi32>
      %squeeze3A_486 = vector.extract %slice3A_485[0] : i32 from vector<1xi32>
      %shift_right_arithmetic3A_487 = arith.constant 3 : i32
      %shift_right_arithmetic3A_488 = arith.shrsi %squeeze3A_486, %shift_right_arithmetic3A_487 : i32
      %shift_left3A_489 = arith.constant 3 : i32
      %shift_left3A_490 = arith.shli %shift_right_arithmetic3A_488, %shift_left3A_489 : i32
      %min3A_491 = arith.constant 984 : i32
      %min3A_492 = arith.minsi %shift_left3A_490, %min3A_491 : i32
      %multiple_of3A_493 = tpu.assume_multiple %min3A_492, 8 : i32
      %sub3A_494 = arith.subi %squeeze3A_486, %multiple_of3A_493 : i32
      %add3A_495 = arith.constant 256 : i32
      %add3A_496 = arith.addi %mul3A_2, %add3A_495 : i32
      %mul3A_497 = arith.constant 16 : i32
      %mul3A_498 = arith.muli %scan3A_243, %mul3A_497 : i32
      %add3A_499 = arith.addi %add3A_496, %mul3A_498 : i32
      %add3A_500 = arith.constant 9 : i32
      %add3A_501 = arith.addi %add3A_499, %add3A_500 : i32
      %dma_start3A_502 = arith.constant 0 : i32
      %dma_start3A_503 = tpu.memref_slice %arg6[%sub3A_494, %dma_start3A_502] : memref<16x16xf32, #tpu.memory_space<vmem>> -> memref<1x16xf32, #tpu.memory_space<vmem>>
      %dma_start3A_504 = tpu.memref_squeeze %dma_start3A_503 : memref<1x16xf32, #tpu.memory_space<vmem>> -> memref<16xf32, #tpu.memory_space<vmem>>
      %dma_start3A_505 = tpu.memref_slice %arg3[%add3A_501, %multiple_of3A_493] : memref<16384x1000xf32, #tpu.memory_space<hbm>> -> memref<1x16xf32, #tpu.memory_space<hbm>>
      %dma_start3A_506 = tpu.memref_squeeze %dma_start3A_505 : memref<1x16xf32, #tpu.memory_space<hbm>> -> memref<16xf32, #tpu.memory_space<hbm>>
      %dma_start3A_507 = tpu.memref_slice %arg3[%add3A_501, %multiple_of3A_493] : memref<16384x1000xf32, #tpu.memory_space<hbm>> -> memref<1x16xf32, #tpu.memory_space<hbm>>
      %dma_start3A_508 = tpu.memref_squeeze %dma_start3A_507 : memref<1x16xf32, #tpu.memory_space<hbm>> -> memref<16xf32, #tpu.memory_space<hbm>>
      %dma_start3A_509 = arith.constant 0 : i32
      %dma_start3A_510 = tpu.memref_slice %arg6[%sub3A_494, %dma_start3A_509] : memref<16x16xf32, #tpu.memory_space<vmem>> -> memref<1x16xf32, #tpu.memory_space<vmem>>
      %dma_start3A_511 = tpu.memref_squeeze %dma_start3A_510 : memref<1x16xf32, #tpu.memory_space<vmem>> -> memref<16xf32, #tpu.memory_space<vmem>>
      tpu.enqueue_dma source(%dma_start3A_511 : memref<16xf32, #tpu.memory_space<vmem>>) target(%dma_start3A_508 : memref<16xf32, #tpu.memory_space<hbm>>) target_semaphore(%arg12 : memref<!tpu.dma_semaphore, #tpu.memory_space<semaphore_mem>>)
      %slice3A_512 = vector.extract_strided_slice %get3A_248 {offsets = [10], sizes = [1], strides = [1]} : vector<16xi32> to vector<1xi32>
      %squeeze3A_513 = vector.extract %slice3A_512[0] : i32 from vector<1xi32>
      %shift_right_arithmetic3A_514 = arith.constant 3 : i32
      %shift_right_arithmetic3A_515 = arith.shrsi %squeeze3A_513, %shift_right_arithmetic3A_514 : i32
      %shift_left3A_516 = arith.constant 3 : i32
      %shift_left3A_517 = arith.shli %shift_right_arithmetic3A_515, %shift_left3A_516 : i32
      %min3A_518 = arith.constant 984 : i32
      %min3A_519 = arith.minsi %shift_left3A_517, %min3A_518 : i32
      %multiple_of3A_520 = tpu.assume_multiple %min3A_519, 8 : i32
      %sub3A_521 = arith.subi %squeeze3A_513, %multiple_of3A_520 : i32
      %add3A_522 = arith.constant 256 : i32
      %add3A_523 = arith.addi %mul3A_2, %add3A_522 : i32
      %mul3A_524 = arith.constant 16 : i32
      %mul3A_525 = arith.muli %scan3A_243, %mul3A_524 : i32
      %add3A_526 = arith.addi %add3A_523, %mul3A_525 : i32
      %add3A_527 = arith.constant 10 : i32
      %add3A_528 = arith.addi %add3A_526, %add3A_527 : i32
      %dma_start3A_529 = arith.constant 0 : i32
      %dma_start3A_530 = tpu.memref_slice %arg6[%sub3A_521, %dma_start3A_529] : memref<16x16xf32, #tpu.memory_space<vmem>> -> memref<1x16xf32, #tpu.memory_space<vmem>>
      %dma_start3A_531 = tpu.memref_squeeze %dma_start3A_530 : memref<1x16xf32, #tpu.memory_space<vmem>> -> memref<16xf32, #tpu.memory_space<vmem>>
      %dma_start3A_532 = tpu.memref_slice %arg3[%add3A_528, %multiple_of3A_520] : memref<16384x1000xf32, #tpu.memory_space<hbm>> -> memref<1x16xf32, #tpu.memory_space<hbm>>
      %dma_start3A_533 = tpu.memref_squeeze %dma_start3A_532 : memref<1x16xf32, #tpu.memory_space<hbm>> -> memref<16xf32, #tpu.memory_space<hbm>>
      %dma_start3A_534 = tpu.memref_slice %arg3[%add3A_528, %multiple_of3A_520] : memref<16384x1000xf32, #tpu.memory_space<hbm>> -> memref<1x16xf32, #tpu.memory_space<hbm>>
      %dma_start3A_535 = tpu.memref_squeeze %dma_start3A_534 : memref<1x16xf32, #tpu.memory_space<hbm>> -> memref<16xf32, #tpu.memory_space<hbm>>
      %dma_start3A_536 = arith.constant 0 : i32
      %dma_start3A_537 = tpu.memref_slice %arg6[%sub3A_521, %dma_start3A_536] : memref<16x16xf32, #tpu.memory_space<vmem>> -> memref<1x16xf32, #tpu.memory_space<vmem>>
      %dma_start3A_538 = tpu.memref_squeeze %dma_start3A_537 : memref<1x16xf32, #tpu.memory_space<vmem>> -> memref<16xf32, #tpu.memory_space<vmem>>
      tpu.enqueue_dma source(%dma_start3A_538 : memref<16xf32, #tpu.memory_space<vmem>>) target(%dma_start3A_535 : memref<16xf32, #tpu.memory_space<hbm>>) target_semaphore(%arg12 : memref<!tpu.dma_semaphore, #tpu.memory_space<semaphore_mem>>)
      %slice3A_539 = vector.extract_strided_slice %get3A_248 {offsets = [11], sizes = [1], strides = [1]} : vector<16xi32> to vector<1xi32>
      %squeeze3A_540 = vector.extract %slice3A_539[0] : i32 from vector<1xi32>
      %shift_right_arithmetic3A_541 = arith.constant 3 : i32
      %shift_right_arithmetic3A_542 = arith.shrsi %squeeze3A_540, %shift_right_arithmetic3A_541 : i32
      %shift_left3A_543 = arith.constant 3 : i32
      %shift_left3A_544 = arith.shli %shift_right_arithmetic3A_542, %shift_left3A_543 : i32
      %min3A_545 = arith.constant 984 : i32
      %min3A_546 = arith.minsi %shift_left3A_544, %min3A_545 : i32
      %multiple_of3A_547 = tpu.assume_multiple %min3A_546, 8 : i32
      %sub3A_548 = arith.subi %squeeze3A_540, %multiple_of3A_547 : i32
      %add3A_549 = arith.constant 256 : i32
      %add3A_550 = arith.addi %mul3A_2, %add3A_549 : i32
      %mul3A_551 = arith.constant 16 : i32
      %mul3A_552 = arith.muli %scan3A_243, %mul3A_551 : i32
      %add3A_553 = arith.addi %add3A_550, %mul3A_552 : i32
      %add3A_554 = arith.constant 11 : i32
      %add3A_555 = arith.addi %add3A_553, %add3A_554 : i32
      %dma_start3A_556 = arith.constant 0 : i32
      %dma_start3A_557 = tpu.memref_slice %arg6[%sub3A_548, %dma_start3A_556] : memref<16x16xf32, #tpu.memory_space<vmem>> -> memref<1x16xf32, #tpu.memory_space<vmem>>
      %dma_start3A_558 = tpu.memref_squeeze %dma_start3A_557 : memref<1x16xf32, #tpu.memory_space<vmem>> -> memref<16xf32, #tpu.memory_space<vmem>>
      %dma_start3A_559 = tpu.memref_slice %arg3[%add3A_555, %multiple_of3A_547] : memref<16384x1000xf32, #tpu.memory_space<hbm>> -> memref<1x16xf32, #tpu.memory_space<hbm>>
      %dma_start3A_560 = tpu.memref_squeeze %dma_start3A_559 : memref<1x16xf32, #tpu.memory_space<hbm>> -> memref<16xf32, #tpu.memory_space<hbm>>
      %dma_start3A_561 = tpu.memref_slice %arg3[%add3A_555, %multiple_of3A_547] : memref<16384x1000xf32, #tpu.memory_space<hbm>> -> memref<1x16xf32, #tpu.memory_space<hbm>>
      %dma_start3A_562 = tpu.memref_squeeze %dma_start3A_561 : memref<1x16xf32, #tpu.memory_space<hbm>> -> memref<16xf32, #tpu.memory_space<hbm>>
      %dma_start3A_563 = arith.constant 0 : i32
      %dma_start3A_564 = tpu.memref_slice %arg6[%sub3A_548, %dma_start3A_563] : memref<16x16xf32, #tpu.memory_space<vmem>> -> memref<1x16xf32, #tpu.memory_space<vmem>>
      %dma_start3A_565 = tpu.memref_squeeze %dma_start3A_564 : memref<1x16xf32, #tpu.memory_space<vmem>> -> memref<16xf32, #tpu.memory_space<vmem>>
      tpu.enqueue_dma source(%dma_start3A_565 : memref<16xf32, #tpu.memory_space<vmem>>) target(%dma_start3A_562 : memref<16xf32, #tpu.memory_space<hbm>>) target_semaphore(%arg12 : memref<!tpu.dma_semaphore, #tpu.memory_space<semaphore_mem>>)
      %slice3A_566 = vector.extract_strided_slice %get3A_248 {offsets = [12], sizes = [1], strides = [1]} : vector<16xi32> to vector<1xi32>
      %squeeze3A_567 = vector.extract %slice3A_566[0] : i32 from vector<1xi32>
      %shift_right_arithmetic3A_568 = arith.constant 3 : i32
      %shift_right_arithmetic3A_569 = arith.shrsi %squeeze3A_567, %shift_right_arithmetic3A_568 : i32
      %shift_left3A_570 = arith.constant 3 : i32
      %shift_left3A_571 = arith.shli %shift_right_arithmetic3A_569, %shift_left3A_570 : i32
      %min3A_572 = arith.constant 984 : i32
      %min3A_573 = arith.minsi %shift_left3A_571, %min3A_572 : i32
      %multiple_of3A_574 = tpu.assume_multiple %min3A_573, 8 : i32
      %sub3A_575 = arith.subi %squeeze3A_567, %multiple_of3A_574 : i32
      %add3A_576 = arith.constant 256 : i32
      %add3A_577 = arith.addi %mul3A_2, %add3A_576 : i32
      %mul3A_578 = arith.constant 16 : i32
      %mul3A_579 = arith.muli %scan3A_243, %mul3A_578 : i32
      %add3A_580 = arith.addi %add3A_577, %mul3A_579 : i32
      %add3A_581 = arith.constant 12 : i32
      %add3A_582 = arith.addi %add3A_580, %add3A_581 : i32
      %dma_start3A_583 = arith.constant 0 : i32
      %dma_start3A_584 = tpu.memref_slice %arg6[%sub3A_575, %dma_start3A_583] : memref<16x16xf32, #tpu.memory_space<vmem>> -> memref<1x16xf32, #tpu.memory_space<vmem>>
      %dma_start3A_585 = tpu.memref_squeeze %dma_start3A_584 : memref<1x16xf32, #tpu.memory_space<vmem>> -> memref<16xf32, #tpu.memory_space<vmem>>
      %dma_start3A_586 = tpu.memref_slice %arg3[%add3A_582, %multiple_of3A_574] : memref<16384x1000xf32, #tpu.memory_space<hbm>> -> memref<1x16xf32, #tpu.memory_space<hbm>>
      %dma_start3A_587 = tpu.memref_squeeze %dma_start3A_586 : memref<1x16xf32, #tpu.memory_space<hbm>> -> memref<16xf32, #tpu.memory_space<hbm>>
      %dma_start3A_588 = tpu.memref_slice %arg3[%add3A_582, %multiple_of3A_574] : memref<16384x1000xf32, #tpu.memory_space<hbm>> -> memref<1x16xf32, #tpu.memory_space<hbm>>
      %dma_start3A_589 = tpu.memref_squeeze %dma_start3A_588 : memref<1x16xf32, #tpu.memory_space<hbm>> -> memref<16xf32, #tpu.memory_space<hbm>>
      %dma_start3A_590 = arith.constant 0 : i32
      %dma_start3A_591 = tpu.memref_slice %arg6[%sub3A_575, %dma_start3A_590] : memref<16x16xf32, #tpu.memory_space<vmem>> -> memref<1x16xf32, #tpu.memory_space<vmem>>
      %dma_start3A_592 = tpu.memref_squeeze %dma_start3A_591 : memref<1x16xf32, #tpu.memory_space<vmem>> -> memref<16xf32, #tpu.memory_space<vmem>>
      tpu.enqueue_dma source(%dma_start3A_592 : memref<16xf32, #tpu.memory_space<vmem>>) target(%dma_start3A_589 : memref<16xf32, #tpu.memory_space<hbm>>) target_semaphore(%arg12 : memref<!tpu.dma_semaphore, #tpu.memory_space<semaphore_mem>>)
      %slice3A_593 = vector.extract_strided_slice %get3A_248 {offsets = [13], sizes = [1], strides = [1]} : vector<16xi32> to vector<1xi32>
      %squeeze3A_594 = vector.extract %slice3A_593[0] : i32 from vector<1xi32>
      %shift_right_arithmetic3A_595 = arith.constant 3 : i32
      %shift_right_arithmetic3A_596 = arith.shrsi %squeeze3A_594, %shift_right_arithmetic3A_595 : i32
      %shift_left3A_597 = arith.constant 3 : i32
      %shift_left3A_598 = arith.shli %shift_right_arithmetic3A_596, %shift_left3A_597 : i32
      %min3A_599 = arith.constant 984 : i32
      %min3A_600 = arith.minsi %shift_left3A_598, %min3A_599 : i32
      %multiple_of3A_601 = tpu.assume_multiple %min3A_600, 8 : i32
      %sub3A_602 = arith.subi %squeeze3A_594, %multiple_of3A_601 : i32
      %add3A_603 = arith.constant 256 : i32
      %add3A_604 = arith.addi %mul3A_2, %add3A_603 : i32
      %mul3A_605 = arith.constant 16 : i32
      %mul3A_606 = arith.muli %scan3A_243, %mul3A_605 : i32
      %add3A_607 = arith.addi %add3A_604, %mul3A_606 : i32
      %add3A_608 = arith.constant 13 : i32
      %add3A_609 = arith.addi %add3A_607, %add3A_608 : i32
      %dma_start3A_610 = arith.constant 0 : i32
      %dma_start3A_611 = tpu.memref_slice %arg6[%sub3A_602, %dma_start3A_610] : memref<16x16xf32, #tpu.memory_space<vmem>> -> memref<1x16xf32, #tpu.memory_space<vmem>>
      %dma_start3A_612 = tpu.memref_squeeze %dma_start3A_611 : memref<1x16xf32, #tpu.memory_space<vmem>> -> memref<16xf32, #tpu.memory_space<vmem>>
      %dma_start3A_613 = tpu.memref_slice %arg3[%add3A_609, %multiple_of3A_601] : memref<16384x1000xf32, #tpu.memory_space<hbm>> -> memref<1x16xf32, #tpu.memory_space<hbm>>
      %dma_start3A_614 = tpu.memref_squeeze %dma_start3A_613 : memref<1x16xf32, #tpu.memory_space<hbm>> -> memref<16xf32, #tpu.memory_space<hbm>>
      %dma_start3A_615 = tpu.memref_slice %arg3[%add3A_609, %multiple_of3A_601] : memref<16384x1000xf32, #tpu.memory_space<hbm>> -> memref<1x16xf32, #tpu.memory_space<hbm>>
      %dma_start3A_616 = tpu.memref_squeeze %dma_start3A_615 : memref<1x16xf32, #tpu.memory_space<hbm>> -> memref<16xf32, #tpu.memory_space<hbm>>
      %dma_start3A_617 = arith.constant 0 : i32
      %dma_start3A_618 = tpu.memref_slice %arg6[%sub3A_602, %dma_start3A_617] : memref<16x16xf32, #tpu.memory_space<vmem>> -> memref<1x16xf32, #tpu.memory_space<vmem>>
      %dma_start3A_619 = tpu.memref_squeeze %dma_start3A_618 : memref<1x16xf32, #tpu.memory_space<vmem>> -> memref<16xf32, #tpu.memory_space<vmem>>
      tpu.enqueue_dma source(%dma_start3A_619 : memref<16xf32, #tpu.memory_space<vmem>>) target(%dma_start3A_616 : memref<16xf32, #tpu.memory_space<hbm>>) target_semaphore(%arg12 : memref<!tpu.dma_semaphore, #tpu.memory_space<semaphore_mem>>)
      %slice3A_620 = vector.extract_strided_slice %get3A_248 {offsets = [14], sizes = [1], strides = [1]} : vector<16xi32> to vector<1xi32>
      %squeeze3A_621 = vector.extract %slice3A_620[0] : i32 from vector<1xi32>
      %shift_right_arithmetic3A_622 = arith.constant 3 : i32
      %shift_right_arithmetic3A_623 = arith.shrsi %squeeze3A_621, %shift_right_arithmetic3A_622 : i32
      %shift_left3A_624 = arith.constant 3 : i32
      %shift_left3A_625 = arith.shli %shift_right_arithmetic3A_623, %shift_left3A_624 : i32
      %min3A_626 = arith.constant 984 : i32
      %min3A_627 = arith.minsi %shift_left3A_625, %min3A_626 : i32
      %multiple_of3A_628 = tpu.assume_multiple %min3A_627, 8 : i32
      %sub3A_629 = arith.subi %squeeze3A_621, %multiple_of3A_628 : i32
      %add3A_630 = arith.constant 256 : i32
      %add3A_631 = arith.addi %mul3A_2, %add3A_630 : i32
      %mul3A_632 = arith.constant 16 : i32
      %mul3A_633 = arith.muli %scan3A_243, %mul3A_632 : i32
      %add3A_634 = arith.addi %add3A_631, %mul3A_633 : i32
      %add3A_635 = arith.constant 14 : i32
      %add3A_636 = arith.addi %add3A_634, %add3A_635 : i32
      %dma_start3A_637 = arith.constant 0 : i32
      %dma_start3A_638 = tpu.memref_slice %arg6[%sub3A_629, %dma_start3A_637] : memref<16x16xf32, #tpu.memory_space<vmem>> -> memref<1x16xf32, #tpu.memory_space<vmem>>
      %dma_start3A_639 = tpu.memref_squeeze %dma_start3A_638 : memref<1x16xf32, #tpu.memory_space<vmem>> -> memref<16xf32, #tpu.memory_space<vmem>>
      %dma_start3A_640 = tpu.memref_slice %arg3[%add3A_636, %multiple_of3A_628] : memref<16384x1000xf32, #tpu.memory_space<hbm>> -> memref<1x16xf32, #tpu.memory_space<hbm>>
      %dma_start3A_641 = tpu.memref_squeeze %dma_start3A_640 : memref<1x16xf32, #tpu.memory_space<hbm>> -> memref<16xf32, #tpu.memory_space<hbm>>
      %dma_start3A_642 = tpu.memref_slice %arg3[%add3A_636, %multiple_of3A_628] : memref<16384x1000xf32, #tpu.memory_space<hbm>> -> memref<1x16xf32, #tpu.memory_space<hbm>>
      %dma_start3A_643 = tpu.memref_squeeze %dma_start3A_642 : memref<1x16xf32, #tpu.memory_space<hbm>> -> memref<16xf32, #tpu.memory_space<hbm>>
      %dma_start3A_644 = arith.constant 0 : i32
      %dma_start3A_645 = tpu.memref_slice %arg6[%sub3A_629, %dma_start3A_644] : memref<16x16xf32, #tpu.memory_space<vmem>> -> memref<1x16xf32, #tpu.memory_space<vmem>>
      %dma_start3A_646 = tpu.memref_squeeze %dma_start3A_645 : memref<1x16xf32, #tpu.memory_space<vmem>> -> memref<16xf32, #tpu.memory_space<vmem>>
      tpu.enqueue_dma source(%dma_start3A_646 : memref<16xf32, #tpu.memory_space<vmem>>) target(%dma_start3A_643 : memref<16xf32, #tpu.memory_space<hbm>>) target_semaphore(%arg12 : memref<!tpu.dma_semaphore, #tpu.memory_space<semaphore_mem>>)
      %slice3A_647 = vector.extract_strided_slice %get3A_248 {offsets = [15], sizes = [1], strides = [1]} : vector<16xi32> to vector<1xi32>
      %squeeze3A_648 = vector.extract %slice3A_647[0] : i32 from vector<1xi32>
      %shift_right_arithmetic3A_649 = arith.constant 3 : i32
      %shift_right_arithmetic3A_650 = arith.shrsi %squeeze3A_648, %shift_right_arithmetic3A_649 : i32
      %shift_left3A_651 = arith.constant 3 : i32
      %shift_left3A_652 = arith.shli %shift_right_arithmetic3A_650, %shift_left3A_651 : i32
      %min3A_653 = arith.constant 984 : i32
      %min3A_654 = arith.minsi %shift_left3A_652, %min3A_653 : i32
      %multiple_of3A_655 = tpu.assume_multiple %min3A_654, 8 : i32
      %sub3A_656 = arith.subi %squeeze3A_648, %multiple_of3A_655 : i32
      %add3A_657 = arith.constant 256 : i32
      %add3A_658 = arith.addi %mul3A_2, %add3A_657 : i32
      %mul3A_659 = arith.constant 16 : i32
      %mul3A_660 = arith.muli %scan3A_243, %mul3A_659 : i32
      %add3A_661 = arith.addi %add3A_658, %mul3A_660 : i32
      %add3A_662 = arith.constant 15 : i32
      %add3A_663 = arith.addi %add3A_661, %add3A_662 : i32
      %dma_start3A_664 = arith.constant 0 : i32
      %dma_start3A_665 = tpu.memref_slice %arg6[%sub3A_656, %dma_start3A_664] : memref<16x16xf32, #tpu.memory_space<vmem>> -> memref<1x16xf32, #tpu.memory_space<vmem>>
      %dma_start3A_666 = tpu.memref_squeeze %dma_start3A_665 : memref<1x16xf32, #tpu.memory_space<vmem>> -> memref<16xf32, #tpu.memory_space<vmem>>
      %dma_start3A_667 = tpu.memref_slice %arg3[%add3A_663, %multiple_of3A_655] : memref<16384x1000xf32, #tpu.memory_space<hbm>> -> memref<1x16xf32, #tpu.memory_space<hbm>>
      %dma_start3A_668 = tpu.memref_squeeze %dma_start3A_667 : memref<1x16xf32, #tpu.memory_space<hbm>> -> memref<16xf32, #tpu.memory_space<hbm>>
      %dma_start3A_669 = tpu.memref_slice %arg3[%add3A_663, %multiple_of3A_655] : memref<16384x1000xf32, #tpu.memory_space<hbm>> -> memref<1x16xf32, #tpu.memory_space<hbm>>
      %dma_start3A_670 = tpu.memref_squeeze %dma_start3A_669 : memref<1x16xf32, #tpu.memory_space<hbm>> -> memref<16xf32, #tpu.memory_space<hbm>>
      %dma_start3A_671 = arith.constant 0 : i32
      %dma_start3A_672 = tpu.memref_slice %arg6[%sub3A_656, %dma_start3A_671] : memref<16x16xf32, #tpu.memory_space<vmem>> -> memref<1x16xf32, #tpu.memory_space<vmem>>
      %dma_start3A_673 = tpu.memref_squeeze %dma_start3A_672 : memref<1x16xf32, #tpu.memory_space<vmem>> -> memref<16xf32, #tpu.memory_space<vmem>>
      tpu.enqueue_dma source(%dma_start3A_673 : memref<16xf32, #tpu.memory_space<vmem>>) target(%dma_start3A_670 : memref<16xf32, #tpu.memory_space<hbm>>) target_semaphore(%arg12 : memref<!tpu.dma_semaphore, #tpu.memory_space<semaphore_mem>>)
    }
    %scan3A_238 = arith.constant 16 : i32
    %dma_wait3A_239 = arith.constant 0 : i32
    %dma_wait3A_240 = tpu.memref_slice %arg2[%dma_wait3A_239] : memref<16384xi32, #tpu.memory_space<hbm>> -> memref<8192xi32, #tpu.memory_space<hbm>>
    %dma_wait3A_241 = arith.constant 0 : i32
    %dma_wait3A_242 = tpu.memref_slice %arg2[%dma_wait3A_241] : memref<16384xi32, #tpu.memory_space<hbm>> -> memref<8192xi32, #tpu.memory_space<hbm>>
    tpu.wait_dma2 semaphore(%arg12 : memref<!tpu.dma_semaphore, #tpu.memory_space<semaphore_mem>>) src(%dma_wait3A_242 : memref<8192xi32, #tpu.memory_space<hbm>>) dst(%arg7 : memref<8192xi32, #tpu.memory_space<vmem>>)
    return
  }
}

</mosaic_0001>

<sc_bundles>
// kernel: kernel.3.cloned.1.call-start
scs
__scs_entry_jumppad:
0x0: {  	(pc) =	sbr.rel $0x88, $3  }
0x1: {  	(tag) =	ssettag $0x0;
	lr =	simm.s32 $0x1  }
0x2: {  	[smem:$0x3FA0] =	sst lr;
	_ =	strace $0xD0000000  }
0x3: {  	_ = 	snop  }
0x4: {  	_ = 	snop  }
0x5: {  	_ = 	snop  }
0x6: {  	_ = 	snop  }
0x7: {  	_ = 	snop  }
__scs_overlays_trampoline_lowered:
0x8: {  	[smem:$0x3FAF] =	sst s0  }
0x9: {  	[smem:$0x3FB0] =	sst s1  }
0xa: {  	[smem:$0x3FB1] =	sst s2  }
0xb: {  	[smem:$0x3FB2] =	sst s3  }
0xc: {  	[smem:$0x3FB3] =	sst s4  }
0xd: {  	[smem:$0x3FB4] =	sst s5  }
0xe: {  	[smem:$0x3FB5] =	sst s6  }
0xf: {  	[smem:$0x3FB6] =	sst s7  }
0x10: {  	[smem:$0x3FB7] =	sst s8  }
0x11: {  	[smem:$0x3FB8] =	sst s9;
	s0 =	simm.s32 @!p0 $0x0  }
0x12: {  	s1 =	sld [smem:$0x3F9E];
	s0 =	simm.s32 @p0 $0x1  }
0x13: {  	[smem:$0x3FB9] =	sst s0;
	s0 =	simm.s32 @!p1 $0x0  }
0x14: {  	s2 =	sld [smem:$0x3F9D];
	s0 =	simm.s32 @p1 $0x1  }
0x15: {  	[smem:$0x3FBA] =	sst s0;
	s0 =	simm.s32 @!p2 $0x0  }
0x16: {  	s3 =	sld [smem:$0x3FDB];
	s0 =	simm.s32 @p2 $0x1  }
0x17: {  	s4 =	simm.s32 $0x1BF5;
	[smem:$0x3FBC] =	sst s0  }
0x18: {  	s0 =	sld [smem:$0x3F9F];
	_ =	swait.ge [sflag:s4], $0x0  }
0x19: {  	s7 =	sld [smem:$0x3FA0]  }
0x1a: {  	s8 =	sadd.s32 $0xFFFFE003, lr  }
0x1b: {  	s9 =	sadd.s32 $0xFFFFFEF7, lr;
	s5 =	simm.s32 $0xFFFFFFFF;
	p2 =	slt.u32 s8, $0xFFFFF086  }
0x1c: {  	p1 =	slt.u32 s9, $0xF7A;
	s5 =	simm.s32 @!p2 $0x0  }
0x1d: {  	s5 =	simm.s32 @p1 $0x1;
	p0 =	seq.s32 s7, s2  }
0x1e: {  	s7 =	smul.u32 @!p0 $0xF7A, s2;
	p2 =	seq.s32 @!p0 s5, $0x0  }
0x1f: {  	s9 =	smul.u32 $0xF7A, s1;
	s8 =	simm.s32 @!p0 $0x1BF5;
	p2 =	por !p2, p0  }
0x20: {  	[sflag:s8] =	ssyncset.s32 @!p0 $0xFFFFF086;
	s6 =	sadd.s32 @!p0 s3, s7;
	s7 =	simm.s32 @!p0 $0x108  }
0x21: {  	s3 =	sadd.s32 s3, s9;
	s6 =	sadd.s32 @!p0 $0x88, s6;
	s7 =	simm.s32 @p2 $0x1082  }
0x22: {  	[simem:s7], [sflag:s8] =	dma.local @!p0 [hbm:s6], $0xF7A  }
0x23: {  	s9 =	sor.u32 $0xD0000000, s2;
	s6 =	simm.s32 $0x108;
	_ =	swait.ge @!p0 [sflag:s8], $0x0  }
0x24: {  	s3 =	sadd.s32 $0x88, s3;
	s6 =	simm.s32 @!p1 $0x1082;
	[sflag:s4] =	ssyncset.s32 $0xFFFFF086  }
0x25: {  	[simem:s6], [sflag:s4] =	dma.local [hbm:s3], $0xF7A  }
0x26: {  	[smem:$0x3FA0] =	sst s1;
	(tag) =	ssettag s2;
	_ =	strace s9  }
0x27: {  	s1 =	sld [smem:$0x3FB0]  }
0x28: {  	s2 =	sld [smem:$0x3FB1]  }
0x29: {  	s4 =	sld [smem:$0x3FB3]  }
0x2a: {  	p0 =	seq.s32 s5, $0x0;
	s5 =	sld [smem:$0x3FB4]  }
0x2b: {  	s6 =	sld [smem:$0x3FB5]  }
0x2c: {  	s7 =	sld [smem:$0x3FB6]  }
0x2d: {  	s3 =	simm.s32 $0x108;
	s8 =	sld [smem:$0x3FB7]  }
0x2e: {  	s3 =	simm.s32 @!p0 $0x1082;
	s9 =	sld [smem:$0x3FB8]  }
0x2f: {  	lr =	sadd.s32 s0, s3;
	s0 =	sld [smem:$0x3FAF]  }
0x30: {  	s3 =	sld [smem:$0x3FB2]  }
0x31: {  	[smem:$0x3FBB] =	sst s10  }
0x32: {  	s10 =	sld [smem:$0x3FB9];
	_ =	sdelay $0x3  }
0x33: {  	p0 =	seq.s32 s10, $0x1;
	s10 =	sld [smem:$0x3FBB];
	_ =	sdelay $0x3  }
0x34: {  	[smem:$0x3FBB] =	sst s10  }
0x35: {  	s10 =	sld [smem:$0x3FBA];
	_ =	sdelay $0x3  }
0x36: {  	p1 =	seq.s32 s10, $0x1;
	s10 =	sld [smem:$0x3FBB];
	_ =	sdelay $0x3  }
0x37: {  	[smem:$0x3FBB] =	sst s10  }
0x38: {  	s10 =	sld [smem:$0x3FBC]  }
0x39: {  	_ = 	snop;
	(pc) =	sbr.ind lr, $3  }
0x3a: {  	_ = 	snop  }
0x3b: {  	_ = 	snop  }
0x3c: {  	p2 =	seq.s32 s10, $0x1;
	s10 =	sld [smem:$0x3FBB]  }
0x3d: {  	_ =	shalt  }
0x3e: {  	_ =	shalt  }
0x3f: {  	_ =	shalt  }
0x40: {  	_ =	shalt  }
0x41: {  	_ =	shalt  }
0x42: {  	_ =	shalt  }
0x43: {  	_ =	shalt  }
0x44: {  	_ =	shalt  }
0x45: {  	_ =	shalt  }
0x46: {  	_ =	shalt  }
0x47: {  	_ =	shalt  }
0x48: {  	_ =	shalt  }
0x49: {  	_ =	shalt  }
0x4a: {  	_ =	shalt  }
0x4b: {  	_ =	shalt  }
0x4c: {  	_ =	shalt  }
0x4d: {  	_ =	shalt  }
0x4e: {  	_ =	shalt  }
0x4f: {  	_ =	shalt  }
0x50: {  	_ =	shalt  }
0x51: {  	_ =	shalt  }
0x52: {  	_ =	shalt  }
0x53: {  	_ =	shalt  }
0x54: {  	_ =	shalt  }
0x55: {  	_ =	shalt  }
0x56: {  	_ =	shalt  }
0x57: {  	_ =	shalt  }
0x58: {  	_ =	shalt  }
0x59: {  	_ =	shalt  }
0x5a: {  	_ =	shalt  }
0x5b: {  	_ =	shalt  }
0x5c: {  	_ =	shalt  }
0x5d: {  	_ =	shalt  }
0x5e: {  	_ =	shalt  }
0x5f: {  	_ =	shalt  }
0x60: {  	_ =	shalt  }
0x61: {  	_ =	shalt  }
0x62: {  	_ =	shalt  }
0x63: {  	_ =	shalt  }
0x64: {  	_ =	shalt  }
0x65: {  	_ =	shalt  }
0x66: {  	_ =	shalt  }
0x67: {  	_ =	shalt  }
0x68: {  	_ =	shalt  }
0x69: {  	_ =	shalt  }
0x6a: {  	_ =	shalt  }
0x6b: {  	_ =	shalt  }
0x6c: {  	_ =	shalt  }
0x6d: {  	_ =	shalt  }
0x6e: {  	_ =	shalt  }
0x6f: {  	_ =	shalt  }
0x70: {  	_ =	shalt  }
0x71: {  	_ =	shalt  }
0x72: {  	_ =	shalt  }
0x73: {  	_ =	shalt  }
0x74: {  	_ =	shalt  }
0x75: {  	_ =	shalt  }
0x76: {  	_ =	shalt  }
0x77: {  	_ =	shalt  }
0x78: {  	_ =	shalt  }
0x79: {  	_ =	shalt  }
0x7a: {  	_ =	shalt  }
0x7b: {  	_ =	shalt  }
0x7c: {  	_ =	shalt  }
0x7d: {  	_ =	shalt  }
0x7e: {  	_ =	shalt  }
0x7f: {  	_ =	shalt  }
0x80: {  	_ =	shalt  }
0x81: {  	_ =	shalt  }
0x82: {  	_ =	shalt  }
0x83: {  	_ =	shalt  }
0x84: {  	_ =	shalt  }
0x85: {  	_ =	shalt  }
0x86: {  	_ =	shalt  }
0x87: {  	_ =	shalt  }
.Lfunc_end0:
.L_simem_size_0:
called_computation.1_lowered:
.L_overlay_start_0:
0x88: {  	s2 =	sld [smem:$0x3FD9]  }
0x89: {  	s3 =	sld [smem:$0x3FFE];
	_ =	sdelay $0x1  }
0x8a: {  	s1 =	srdreg.scid  }
0x8b: {  	s0 =	sand.u32 $0x1, s1  }
0x8c: {  	s18 =	sshll.u32 s0, $0xA;
	s2 =	sadd.s32 s3, s2  }
0x8d: {  	s2 =	sadd.s32 s2, s18  }
0x8e: {  	[smem:$0x3FC7] =	sst s2  }
0x8f: {  	_ = 	snop  }
0x90: {  	s2 =	sld [smem:$0x3FC9]  }
0x91: {  	s19 =	sld [smem:$0x3FD0];
	(tm) =	ssettm $0x1  }
0x92: {  	s4 =	sld [smem:$0x3FFB];
	_ =	sdelay $0x3  }
0x93: {  	_ =	strace s4  }
0x94: {  	s4 =	sld [smem:$0x3FFC];
	_ =	sdelay $0x3  }
0x95: {  	_ =	strace s4  }
0x96: {  	s4 =	sld [smem:$0x3FFD];
	_ =	sdelay $0x3  }
0x97: {  	_ =	strace s4  }
0x98: {  	_ =	strace $0x8FFFFFFF  }
0x99: {  	s20 =	sld [smem:$0x3FDB];
	_ =	sdelay $0x1  }
0x9a: {  	s5 =	simm.s32 $_scs_section_size  }
0x9b: {  	s6 =	simm.s32 $_size__tile_overlayer_lowered;
	s7 =	simm.s32 $_tile_overlayer_lowered  }
0x9c: {  	s23 =	simm.s32 $0x1BFF;
	s22 =	sshll.u32 s7, $0x1;
	s4 =	sadd.s32 s5, s20  }
0x9d: {  	s8 =	simm.s32 $0x0;
	s21 =	sshll.u32 s6, $0x1;
	s6 =	sadd.s32 s22, s4  }
0x9e: {  	[timem:s8], [sflag:s23] =	dma.local [hbm:s6], s21  }
0x9f: {  	_ =	swait.ge [sflag:s23], s21  }
0xa0: {  	s5 =	ssub.s32 $0x0, s21;
	[sflag:s23] =	ssyncset.done $0x0  }
0xa1: {  	[sflag:s23] =	ssyncadd.s32 s5;
	_ =	sdelay $0x1  }
0xa2: {  	s24 =	simm.s32 $0x1B8B  }
0xa3: {  	_ =	swait.ge [sflag:s24], $0x1  }
0xa4: {  	[sflag:s24] =	ssyncset.done $0x0  }
0xa5: {  	s25 =	simm.s32 $0x1B8E;
	[sflag:s24] =	ssyncadd.s32 $0xFFFFFFFF  }
0xa6: {  	s26 =	simm.s32 $execute0_lowered;
	[smem:$0x3FD2] =	sst s25  }
0xa7: {  	s5 =	sshll.u32 s26, $0x1;
	_ =	strace $0x80000046;
	[dreg:$0x1] =	wrdreg $0xFFFFFFFF  }
0xa8: {  	s28 =	simm.s32 $_size_execute0_lowered;
	s4 =	sadd.s32 s4, s5;
	[dreg:$0x0] =	wrdreg $0x0  }
0xa9: {  	s5 =	sshll.u32 s28, $0x1;
	[dreg:$0x2] =	wrdreg s4  }
0xaa: {  	[dreg:$0x3] =	wrdreg s5  }
0xab: {  	[dreg:$0x4] =	wrdreg $0xC0  }
0xac: {  	_ =	task [dreg:s8], $0x5FFFF  }
0xad: {  	[dreg:$0x1] =	wrdreg $0xFFFFFFFF  }
0xae: {  	[dreg:$0x0] =	wrdreg $0x60  }
0xaf: {  	[dreg:$0x2] =	wrdreg s2  }
0xb0: {  	[dreg:$0x3] =	wrdreg s19  }
0xb1: {  	[dreg:$0x4] =	wrdreg $0x80000  }
0xb2: {  	[dreg:$0x5] =	wrdreg $0x9  }
0xb3: {  	_ =	task.clear_ibuf [dreg:s8], $0x6FFFF;
	_ =	strace $0x90000046  }
0xb4: {  	s29 =	simm.s32 $0x9;
	_ =	strace $0x80000048  }
0xb5: {  	_ =	swait.ge [sflag:s29], $0x1  }
0xb6: {  	[sflag:s29] =	ssyncadd.s32 $0xFFFFFFFF  }
0xb7: {  	_ =	strace $0x90000048  }
0xb8: {  	_ =	sfence  }
0xb9: {  	s30 =	sld [smem:$0x0];
	_ =	sdelay $0x2  }
0xba: {  	s31 =	sshll.u32 s1, $0xD;
	s1 =	sshrl.u32 s1, $0x2  }
0xbb: {  	s3 =	sand.u32 $0x4000, s31;
	s1 =	sadd.s32 s1, s30  }
0xbc: {  	s0 =	sor.u32 s3, s0;
	s1 =	sshll.u32 s1, $0x11  }
0xbd: {  	s0 =	sor.u32 s1, s0  }
0xbe: {  	s0 =	sadd.s32 $0x8F2B, s0  }
0xbf: {  	[sflag:s0] =	ssyncadd.remote.s32 $0x1  }
0xc0: {  	_ =	sfence.sel $0xFFFF  }
0xc1: {  	[dreg:$0x0] =	wrdreg $0xFFFFFFFF;
	(pc) =	sbr.abs _section_cstart, $3  }
0xc2: {  	[dreg:$0x1] =	wrdreg $0xFFFFFFFF  }
0xc3: {  	_ =	task.clear_ibuf [dreg:s8], $0x2FFFF;
	_ =	strace $0x9FFFFFFF  }
0xc4: {  	(tm) =	ssettm $0x7FFFFFFF  }
0xc5: {  	_ =	shalt  }
tec
execute0_lowered:
.L_overlay_start_1:
0x0: {  	(tag) =	ssettag $0x1  }
0x1: {  	s0 =	rddreg [dreg:$0x0]  }
0x2: {  	s30 =	rddreg [dreg:$0x1]  }
0x3: {  	s1 =	rddreg [dreg:$0x2]  }
0x4: {  	s2 =	srdreg.scid;
	s3 =	stileid.u32  }
0x5: {  	s10 =	simm.s32 $0x0;
	s2 =	sand.u32 $0x1, s2;
	s21 =	smul.u32 $0x1F400, s3  }
0x6: {  	s4 =	sshll.u32 s3, $0xA;
	[smem:$0x7FF] =	sst s10;
	s22 =	smul.u32 $0xFA000, s3  }
0x7: {  	vm0 =	vcmask $0x300;
	s29 =	sshll.u32 s3, $0x6;
	s5 =	sshll.u32 s2, $0x9;
	s6 =	ssub.s32 $0x2, s2  }
0x8: {  	v0 =	vimm.f32 $0.0e+00;
	vm15 =	vcmask $0x704;
	vm4 =	vcmask $0xB08;
	_ =	strace $0x80000047;
	s3 =	sor.u32 $0x1C02, s29;
	s31 =	sor.u32 $0x1C03, s29  }
0x9: {  	vm1 =	vcmask $0xF0C;
	vm5 =	vcmask $0x1310;
	vm6 =	vcmask $0x1714;
	s4 =	sor.u32 s5, s4;
	s9 =	sshrl.u32 s6, $0x1;
	[dreg:$0x16] =	wrdreg s3  }
0xa: {  	vm7 =	vcmask $0x1B18;
	vm8 =	vcmask $0x1F1C;
	vm9 =	vcmask $0x2320;
	s7 =	smul.u32 $0x7D, s4;
	s8 =	sor.u32 $0x100, s4;
	s4 =	sshrl.u32 s4, $0x3  }
0xb: {  	vm10 =	vcmask $0x2724;
	vm11 =	vcmask $0x2B28;
	vm12 =	vcmask $0x2F2C;
	[dreg:$0x18] =	wrdreg s31;
	s6 =	ssub.s32 s6, s9;
	s0 =	sadd.s32 s0, s4  }
0xc: {  	vm13 =	vcmask $0x3330;
	vm14 =	vcmask $0x3734;
	v16 =	vimm.f32 $1.000000000e+00;
	s23 =	sshrl.u32 s21, $0x2;
	s28 =	smax.u32 s6, $0x1;
	[dreg:$0x11] =	wrdreg s0  }
0xd: {  	vm2 =	vcmask $0x3B00;
	v1 =	vsel vm0, $0x3F800000, v0;
	v2 =	vsel vm15, $0x3F800000, v0;
	s0 =	sadd.s32 s23, s1;
	[dreg:$0x15] =	wrdreg s28  }
0xe: {  	v3 =	vsel vm4, $0x3F800000, v0;
	v4 =	vsel vm1, $0x3F800000, v0;
	v5 =	vsel vm5, $0x3F800000, v0;
	s8 =	smul.u32 $0x7D, s8;
	s24 =	sadd.s32 s30, s7;
	[dreg:$0x12] =	wrdreg s0  }
0xf: {  	v6 =	vsel vm6, $0x3F800000, v0;
	v7 =	vsel vm7, $0x3F800000, v0;
	v8 =	vsel vm8, $0x3F800000, v0;
	s26 =	sadd.s32 $0x3E800, s1;
	s1 =	sshrl.u32 s1, $0x3;
	[dreg:$0x13] =	wrdreg s24  }
0x10: {  	v9 =	vsel vm9, $0x3F800000, v0;
	v10 =	vsel vm10, $0x3F800000, v0;
	v11 =	vsel vm11, $0x3F800000, v0;
	s2 =	smul.u32 $0x7D000, s2;
	s25 =	sadd.s32 s30, s8;
	[dreg:$0x17] =	wrdreg s1  }
0x11: {  	v12 =	vsel vm12, $0x3F800000, v0;
	v13 =	vsel vm13, $0x3F800000, v0;
	vm15 =	vcmask $0x3B38;
	s0 =	sshrl.u32 s26, $0x3;
	[dreg:$0x14] =	wrdreg s25  }
0x12: {  	v14 =	vsel vm14, $0x3F800000, v0;
	v16 =	vsel vm2, $0x0, v16;
	v15 =	vsel vm15, $0x3F800000, v0;
	s9 =	sadd.s32 s2, s22;
	s2 =	simm.s32 $0x0;
	[dreg:$0x19] =	wrdreg s0  }
.LBB2_1:
0x13: {  	[dreg:$0x1a] =	wrdreg s2  }
0x14: {  	s0 =	rddreg [dreg:$0x11];
	s31 =	simm.s32 $0x5  }
0x15: {  	[tilespmem:s10], [sflag:$0x5] =	stream.linear.gather [hbm4b:s0+s10], $0x200, $0x38;
	[tilespmem:$0xFD00] =	vst v63  }
0x16: {  	_ =	swait.ge [sflag:s31], $0x200  }
0x17: {  	[sflag:s31] =	ssyncset.done $0x0  }
0x18: {  	s0 =	simm.s32 $0x0;
	[sflag:s31] =	ssyncadd.s32 $0xFFFFFE00  }
0x19: {  	s1 =	simm.s32 $0xFA0;
	[tilespmem:s0+$0x5D0] =	vst v0  }
.LBB2_2:
0x1a: {  	p0 =	sne.s32 s1, $0x1E460;
	[tilespmem:s0+$0x5D8] =	vst v0  }
0x1b: {  	[tilespmem:s0+$0x200] =	vst v0  }
0x1c: {  	[tilespmem:s0+$0x210] =	vst v0  }
0x1d: {  	[tilespmem:s0+$0x220] =	vst v0  }
0x1e: {  	[tilespmem:s0+$0x230] =	vst v0  }
0x1f: {  	[tilespmem:s0+$0x240] =	vst v0  }
0x20: {  	[tilespmem:s0+$0x250] =	vst v0  }
0x21: {  	[tilespmem:s0+$0x260] =	vst v0  }
0x22: {  	[tilespmem:s0+$0x270] =	vst v0  }
0x23: {  	[tilespmem:s0+$0x280] =	vst v0  }
0x24: {  	[tilespmem:s0+$0x290] =	vst v0  }
0x25: {  	[tilespmem:s0+$0x2A0] =	vst v0  }
0x26: {  	[tilespmem:s0+$0x2B0] =	vst v0  }
0x27: {  	[tilespmem:s0+$0x2C0] =	vst v0  }
0x28: {  	[tilespmem:s0+$0x2D0] =	vst v0  }
0x29: {  	[tilespmem:s0+$0x2E0] =	vst v0  }
0x2a: {  	[tilespmem:s0+$0x2F0] =	vst v0  }
0x2b: {  	[tilespmem:s0+$0x300] =	vst v0  }
0x2c: {  	[tilespmem:s0+$0x310] =	vst v0  }
0x2d: {  	[tilespmem:s0+$0x320] =	vst v0  }
0x2e: {  	[tilespmem:s0+$0x330] =	vst v0  }
0x2f: {  	[tilespmem:s0+$0x340] =	vst v0  }
0x30: {  	[tilespmem:s0+$0x350] =	vst v0  }
0x31: {  	[tilespmem:s0+$0x360] =	vst v0  }
0x32: {  	[tilespmem:s0+$0x370] =	vst v0  }
0x33: {  	[tilespmem:s0+$0x380] =	vst v0  }
0x34: {  	[tilespmem:s0+$0x390] =	vst v0  }
0x35: {  	[tilespmem:s0+$0x3A0] =	vst v0  }
0x36: {  	[tilespmem:s0+$0x3B0] =	vst v0  }
0x37: {  	[tilespmem:s0+$0x3C0] =	vst v0  }
0x38: {  	[tilespmem:s0+$0x3D0] =	vst v0  }
0x39: {  	[tilespmem:s0+$0x3E0] =	vst v0  }
0x3a: {  	[tilespmem:s0+$0x3F0] =	vst v0  }
0x3b: {  	[tilespmem:s0+$0x400] =	vst v0  }
0x3c: {  	[tilespmem:s0+$0x410] =	vst v0  }
0x3d: {  	[tilespmem:s0+$0x420] =	vst v0  }
0x3e: {  	[tilespmem:s0+$0x430] =	vst v0  }
0x3f: {  	[tilespmem:s0+$0x440] =	vst v0  }
0x40: {  	[tilespmem:s0+$0x450] =	vst v0  }
0x41: {  	[tilespmem:s0+$0x460] =	vst v0  }
0x42: {  	[tilespmem:s0+$0x470] =	vst v0  }
0x43: {  	[tilespmem:s0+$0x480] =	vst v0  }
0x44: {  	[tilespmem:s0+$0x490] =	vst v0  }
0x45: {  	[tilespmem:s0+$0x4A0] =	vst v0  }
0x46: {  	[tilespmem:s0+$0x4B0] =	vst v0  }
0x47: {  	[tilespmem:s0+$0x4C0] =	vst v0  }
0x48: {  	[tilespmem:s0+$0x4D0] =	vst v0  }
0x49: {  	[tilespmem:s0+$0x4E0] =	vst v0  }
0x4a: {  	[tilespmem:s0+$0x4F0] =	vst v0  }
0x4b: {  	[tilespmem:s0+$0x500] =	vst v0  }
0x4c: {  	[tilespmem:s0+$0x510] =	vst v0  }
0x4d: {  	[tilespmem:s0+$0x520] =	vst v0  }
0x4e: {  	[tilespmem:s0+$0x530] =	vst v0  }
0x4f: {  	[tilespmem:s0+$0x540] =	vst v0  }
0x50: {  	[tilespmem:s0+$0x550] =	vst v0  }
0x51: {  	[tilespmem:s0+$0x560] =	vst v0  }
0x52: {  	[tilespmem:s0+$0x570] =	vst v0  }
0x53: {  	[tilespmem:s0+$0x580] =	vst v0  }
.Ltmp0:
0x54: {  	[tilespmem:s0+$0x590] =	vst v0;
	(pc) =	sbr.rel @p0 .LBB2_2-.Ltmp0, $4  }
0x55: {  	[tilespmem:s0+$0x5A0] =	vst v0  }
0x56: {  	[tilespmem:s0+$0x5B0] =	vst v0  }
0x57: {  	[tilespmem:s0+$0x5C0] =	vst v0;
	s0 =	sshra.s32 s1, $0x2  }
0x58: {  	s1 =	sadd.s32 $0xFA0, s1;
	[tilespmem:s0+$0x5D0] =	vst v0  }
0x59: {  	[tilespmem:s0+$0x5D8] =	vst v0  }
0x5a: {  	[tilespmem:s0+$0x200] =	vst v0  }
0x5b: {  	[tilespmem:s0+$0x210] =	vst v0  }
0x5c: {  	[tilespmem:s0+$0x220] =	vst v0  }
0x5d: {  	[tilespmem:s0+$0x230] =	vst v0  }
0x5e: {  	[tilespmem:s0+$0x240] =	vst v0  }
0x5f: {  	[tilespmem:s0+$0x250] =	vst v0  }
0x60: {  	[tilespmem:s0+$0x260] =	vst v0  }
0x61: {  	[tilespmem:s0+$0x270] =	vst v0  }
0x62: {  	[tilespmem:s0+$0x280] =	vst v0  }
0x63: {  	[tilespmem:s0+$0x290] =	vst v0  }
0x64: {  	[tilespmem:s0+$0x2A0] =	vst v0  }
0x65: {  	[tilespmem:s0+$0x2B0] =	vst v0  }
0x66: {  	[tilespmem:s0+$0x2C0] =	vst v0  }
0x67: {  	[tilespmem:s0+$0x2D0] =	vst v0  }
0x68: {  	[tilespmem:s0+$0x2E0] =	vst v0  }
0x69: {  	[tilespmem:s0+$0x2F0] =	vst v0  }
0x6a: {  	[tilespmem:s0+$0x300] =	vst v0  }
0x6b: {  	[tilespmem:s0+$0x310] =	vst v0  }
0x6c: {  	[tilespmem:s0+$0x320] =	vst v0  }
0x6d: {  	[tilespmem:s0+$0x330] =	vst v0  }
0x6e: {  	[tilespmem:s0+$0x340] =	vst v0  }
0x6f: {  	[tilespmem:s0+$0x350] =	vst v0  }
0x70: {  	[tilespmem:s0+$0x360] =	vst v0  }
0x71: {  	[tilespmem:s0+$0x370] =	vst v0  }
0x72: {  	[tilespmem:s0+$0x380] =	vst v0  }
0x73: {  	[tilespmem:s0+$0x390] =	vst v0  }
0x74: {  	[tilespmem:s0+$0x3A0] =	vst v0  }
0x75: {  	[tilespmem:s0+$0x3B0] =	vst v0  }
0x76: {  	[tilespmem:s0+$0x3C0] =	vst v0  }
0x77: {  	[tilespmem:s0+$0x3D0] =	vst v0  }
0x78: {  	[tilespmem:s0+$0x3E0] =	vst v0  }
0x79: {  	[tilespmem:s0+$0x3F0] =	vst v0  }
0x7a: {  	[tilespmem:s0+$0x400] =	vst v0  }
0x7b: {  	[tilespmem:s0+$0x410] =	vst v0  }
0x7c: {  	[tilespmem:s0+$0x420] =	vst v0  }
0x7d: {  	[tilespmem:s0+$0x430] =	vst v0  }
0x7e: {  	[tilespmem:s0+$0x440] =	vst v0  }
0x7f: {  	[tilespmem:s0+$0x450] =	vst v0  }
0x80: {  	[tilespmem:s0+$0x460] =	vst v0  }
0x81: {  	[tilespmem:s0+$0x470] =	vst v0  }
0x82: {  	[tilespmem:s0+$0x480] =	vst v0  }
0x83: {  	[tilespmem:s0+$0x490] =	vst v0  }
0x84: {  	[tilespmem:s0+$0x4A0] =	vst v0  }
0x85: {  	[tilespmem:s0+$0x4B0] =	vst v0  }
0x86: {  	[tilespmem:s0+$0x4C0] =	vst v0  }
0x87: {  	[tilespmem:s0+$0x4D0] =	vst v0  }
0x88: {  	[tilespmem:s0+$0x4E0] =	vst v0  }
0x89: {  	[tilespmem:s0+$0x4F0] =	vst v0  }
0x8a: {  	[tilespmem:s0+$0x500] =	vst v0  }
0x8b: {  	[tilespmem:s0+$0x510] =	vst v0  }
0x8c: {  	[tilespmem:s0+$0x520] =	vst v0  }
0x8d: {  	[tilespmem:s0+$0x530] =	vst v0  }
0x8e: {  	[tilespmem:s0+$0x540] =	vst v0  }
0x8f: {  	[tilespmem:s0+$0x550] =	vst v0  }
0x90: {  	[tilespmem:s0+$0x560] =	vst v0  }
0x91: {  	[tilespmem:s0+$0x570] =	vst v0  }
0x92: {  	[tilespmem:s0+$0x580] =	vst v0  }
0x93: {  	[tilespmem:s0+$0x590] =	vst v0  }
0x94: {  	[tilespmem:s0+$0x5A0] =	vst v0  }
0x95: {  	[tilespmem:s0+$0x5B0] =	vst v0  }
0x96: {  	[tilespmem:s0+$0x5C0] =	vst v0  }
0x97: {  	[tilespmem:$0x7F00] =	vst v1  }
0x98: {  	[tilespmem:$0x7F10] =	vst v2  }
0x99: {  	[tilespmem:$0x7F20] =	vst v3  }
0x9a: {  	[tilespmem:$0x7F30] =	vst v4  }
0x9b: {  	[tilespmem:$0x7F40] =	vst v5  }
0x9c: {  	[tilespmem:$0x7F50] =	vst v6  }
0x9d: {  	[tilespmem:$0x7F60] =	vst v7  }
0x9e: {  	[tilespmem:$0x7F70] =	vst v8  }
0x9f: {  	[tilespmem:$0x7F80] =	vst v9  }
0xa0: {  	[tilespmem:$0x7F90] =	vst v10  }
0xa1: {  	[tilespmem:$0x7FA0] =	vst v11  }
0xa2: {  	[tilespmem:$0x7FB0] =	vst v12  }
0xa3: {  	[tilespmem:$0x7FC0] =	vst v13  }
0xa4: {  	[tilespmem:$0x7FD0] =	vst v14  }
0xa5: {  	[tilespmem:$0x7FE0] =	vst v15  }
0xa6: {  	s22 =	rddreg [dreg:$0x12];
	s1 =	simm.s32 $0x200;
	s23 =	simm.s32 $0x1;
	[tilespmem:$0x7FF0] =	vst v16  }
0xa7: {  	[spmem:s22] =	stream.linear.scatter [tilespmem:s1], [sflag:$0x1], $0x7D00, $0x38;
	[tilespmem:$0xFD00] =	vst v63  }
0xa8: {  	_ =	swait.ge [sflag:s23], $0x7D00  }
0xa9: {  	[sflag:s23] =	ssyncset.done $0x0  }
0xaa: {  	[sflag:s23] =	ssyncadd.s32 $0xFFFF8300  }
0xab: {  	[bflag:$0x0] =	sbarrier.arrive $0xFFFF  }
0xac: {  	s24 =	rddreg [dreg:$0x13]  }
0xad: {  	s25 =	rddreg [dreg:$0x16]  }
0xae: {  	s2 =	rddreg [dreg:$0x17]  }
0xaf: {  	[hbm:s24], [sflag:s25] =	dma.local [spmem:s2], $0x7D00  }
0xb0: {  	s0 =	rddreg [dreg:$0x14]  }
0xb1: {  	s1 =	rddreg [dreg:$0x18]  }
0xb2: {  	s26 =	simm.s32 $0x2;
	s2 =	rddreg [dreg:$0x19]  }
0xb3: {  	[hbm:s0], [sflag:s1] =	dma.local [spmem:s2], $0x7D00  }
0xb4: {  	_ =	swait.ge [sflag:s26], $0x7D00  }
0xb5: {  	[sflag:s26] =	ssyncset.done $0x0  }
0xb6: {  	s21 =	simm.s32 $0x0;
	[sflag:s26] =	ssyncadd.s32 $0xFFFF8300  }
0xb7: {  	v17 =	vld [tilespmem:s21+$0x0];
	_ =	sdelay $0x4  }
0xb8: {  	(v2sf) =	vpush v17, $0xF  }
0xb9: {  	(v2sf) =	vpush v17, $0xA  }
0xba: {  	(v2sf) =	vpush v17, $0x7  }
0xbb: {  	(v2sf) =	vpush v17, $0x4  }
0xbc: {  	(v2sf) =	vpush v17, $0x2;
	_ =	sdelay $0x1  }
0xbd: {  	(v2sf) =	vpush v17, $0x0  }
0xbe: {  	(v2sf) =	vpush v17, $0x5;
	_ =	sdelay $0x1  }
0xbf: {  	(v2sf) =	vpush v17, $0x8  }
0xc0: {  	(v2sf) =	vpush v17, $0x1;
	_ =	sdelay $0x1  }
0xc1: {  	(v2sf) =	vpush v17, $0x6;
	_ =	sdelay $0x1  }
0xc2: {  	(v2sf) =	vpush v17, $0x3  }
0xc3: {  	s25 =	spop (v2sf)  }
0xc4: {  	s23 =	simm.s32 $0x3E80;
	s24 =	simm.s32 $0x10;
	(v2sf) =	vpush v17, $0xD;
	s3 =	spop (v2sf)  }
0xc5: {  	s26 =	sand.u32 $0xFFFFFFF8, s25;
	s7 =	sand.u32 $0xFFFFFFF8, s3;
	s0 =	spop (v2sf)  }
0xc6: {  	p0 =	slt.s32 s26, $0x3D8;
	s6 =	sand.u32 $0xFFFFFFF8, s0;
	s29 =	spop (v2sf)  }
0xc7: {  	p1 =	slt.s32 s7, $0x3D8;
	s5 =	sand.u32 $0xFFFFFFF8, s29;
	s17 =	spop (v2sf)  }
0xc8: {  	p2 =	slt.s32 s6, $0x3D8;
	s7 =	simm.s32 @!p1 $0x3D8;
	s8 =	sand.u32 $0xFFFFFFF8, s17  }
0xc9: {  	p3 =	slt.s32 s5, $0x3D8;
	s10 =	spop (v2sf);
	s6 =	simm.s32 @!p2 $0x3D8  }
0xca: {  	s11 =	sand.u32 $0xFFFFFFF8, s10;
	p4 =	slt.s32 s8, $0x3D8;
	s12 =	spop (v2sf)  }
0xcb: {  	s5 =	simm.s32 @!p3 $0x3D8;
	p5 =	slt.s32 s11, $0x3D8;
	s8 =	simm.s32 @!p4 $0x3D8  }
0xcc: {  	s28 =	spop (v2sf);
	s20 =	sadd.s32 s5, s9;
	s2 =	ssub.s32 s29, s5  }
0xcd: {  	s11 =	simm.s32 @!p5 $0x3D8;
	s1 =	ssub.s32 s17, s8;
	s13 =	spop (v2sf)  }
0xce: {  	s8 =	sadd.s32 s8, s9;
	s2 =	sshll.u32 s2, $0x6;
	s14 =	sadd.s32 s11, s9  }
0xcf: {  	s10 =	ssub.s32 s10, s11;
	s8 =	sadd.s32 $0x0, s8;
	s15 =	spop (v2sf)  }
0xd0: {  	s1 =	sshll.u32 s1, $0x6;
	s5 =	sshra.s32 s2, $0x2;
	s18 =	sadd.s32 $0x0, s14  }
0xd1: {  	s14 =	sand.u32 $0xFFFFFFF8, s13;
	s8 =	sadd.s32 $0x7D0, s8;
	s16 =	spop (v2sf)  }
0xd2: {  	s10 =	sshll.u32 s10, $0x6;
	s11 =	sshrl.u32 s18, $0x3;
	p4 =	slt.s32 s14, $0x3D8  }
0xd3: {  	s8 =	sshrl.u32 s8, $0x3;
	s17 =	sand.u32 $0xFFFFFFF8, s16;
	s4 =	spop (v2sf)  }
0xd4: {  	s10 =	sshra.s32 s10, $0x2;
	s31 =	sadd.s32 s30, s11;
	s14 =	simm.s32 @!p4 $0x3D8  }
0xd5: {  	[dreg:$0x7] =	wrdreg s4;
	p4 =	slt.s32 s17, $0x3D8;
	s11 =	sshra.s32 s1, $0x2  }
0xd6: {  	s1 =	sadd.s32 s6, s9;
	s8 =	sadd.s32 s30, s8;
	s19 =	ssub.s32 s13, s14  }
0xd7: {  	s13 =	sand.u32 $0xFFFFFFF8, s15;
	s14 =	sadd.s32 s14, s9;
	s17 =	simm.s32 @!p4 $0x3D8  }
0xd8: {  	(v2sf) =	vpush v17, $0xE;
	s2 =	sadd.s32 $0x0, s1;
	s14 =	sadd.s32 $0x0, s14;
	s18 =	sshll.u32 s19, $0x6  }
0xd9: {  	s19 =	ssub.s32 s16, s17;
	p3 =	slt.s32 s13, $0x3D8;
	s16 =	sand.u32 $0xFFFFFFF8, s12  }
0xda: {  	s17 =	sadd.s32 s17, s9;
	s2 =	sadd.s32 $0x1B58, s2;
	s14 =	sadd.s32 $0x3E8, s14  }
0xdb: {  	s18 =	sshra.s32 s18, $0x2;
	p4 =	slt.s32 s16, $0x3D8;
	s29 =	sadd.s32 $0x0, s17  }
0xdc: {  	s17 =	ssub.s32 s0, s6;
	s13 =	simm.s32 @!p3 $0x3D8;
	s19 =	sshll.u32 s19, $0x6  }
0xdd: {  	s14 =	sshrl.u32 s14, $0x3;
	s22 =	sadd.s32 $0x7F00, s18;
	s16 =	simm.s32 @!p4 $0x3D8  }
0xde: {  	s1 =	sadd.s32 s13, s9;
	s17 =	sshll.u32 s17, $0x6;
	s4 =	sadd.s32 s30, s14  }
0xdf: {  	[dreg:$0xb] =	wrdreg s22;
	s14 =	sadd.s32 $0x0, s20;
	s6 =	sadd.s32 s16, s9  }
0xe0: {  	s20 =	ssub.s32 s12, s16;
	s16 =	sadd.s32 $0x7F00, s10;
	s22 =	sadd.s32 $0xBB8, s29  }
0xe1: {  	s14 =	sadd.s32 $0xFA0, s14;
	s0 =	sadd.s32 $0x0, s6;
	s6 =	sshll.u32 s20, $0x6  }
0xe2: {  	s20 =	sadd.s32 s7, s9;
	s22 =	sshrl.u32 s22, $0x3;
	s18 =	sshrl.u32 s14, $0x3  }
0xe3: {  	s12 =	sadd.s32 $0x1388, s0;
	s29 =	sshra.s32 s6, $0x2;
	s6 =	sshrl.u32 s2, $0x3  }
0xe4: {  	s2 =	ssub.s32 s15, s13;
	s13 =	sadd.s32 $0x0, s20;
	s0 =	sadd.s32 $0x7F00, s29  }
0xe5: {  	s29 =	sadd.s32 $0x0, s1;
	s14 =	sshrl.u32 s12, $0x3;
	s12 =	sshra.s32 s17, $0x2  }
0xe6: {  	(v2sf) =	vpush v17, $0x9;
	s20 =	sadd.s32 $0x2710, s13;
	s17 =	sadd.s32 s30, s22;
	s13 =	sadd.s32 s30, s18  }
0xe7: {  	(v2sf) =	vpush v17, $0xC;
	s18 =	ssub.s32 s3, s7;
	s22 =	spop (v2sf);
	s10 =	sadd.s32 $0x1770, s29  }
0xe8: {  	(v2sf) =	vpush v17, $0xB;
	[dreg:$0x9] =	wrdreg s0;
	s7 =	sshrl.u32 s20, $0x3;
	s10 =	sshrl.u32 s10, $0x3  }
.LBB2_4:
0xe9: {  	_ =	sdelay $0x1  }
0xea: {  	[dreg:$0xf] =	wrdreg s22  }
0xeb: {  	[dreg:$0xa] =	wrdreg s24  }
0xec: {  	[dreg:$0x4] =	wrdreg s23;
	s20 =	sand.u32 $0xFFFFFFF8, s28;
	s15 =	sand.u32 $0xFFFFFFF8, s22  }
0xed: {  	s0 =	smov.u32 s23;
	s24 =	sshra.s32 s19, $0x2;
	s26 =	simm.s32 @!p0 $0x3D8  }
0xee: {  	s2 =	sshll.u32 s2, $0x6;
	s18 =	sshll.u32 s18, $0x6;
	s10 =	sadd.s32 s30, s10  }
0xef: {  	[dreg:$0xc] =	wrdreg s0;
	p1 =	slt.s32 s15, $0x3D8;
	p0 =	slt.s32 s20, $0x3D8  }
0xf0: {  	s22 =	sadd.s32 s26, s9;
	s19 =	ssub.s32 s25, s26;
	s2 =	sshra.s32 s2, $0x2  }
0xf1: {  	s18 =	sshra.s32 s18, $0x2;
	s20 =	simm.s32 @!p0 $0x3D8;
	s23 =	sadd.s32 s21, s22  }
0xf2: {  	s2 =	sadd.s32 $0x7F00, s2;
	s15 =	simm.s32 @!p1 $0x3D8;
	s26 =	sadd.s32 s20, s9  }
0xf3: {  	s28 =	ssub.s32 s28, s20;
	s23 =	sadd.s32 $0x3A98, s23;
	s25 =	sadd.s32 s21, s26  }
0xf4: {  	s28 =	sshll.u32 s28, $0x6;
	s25 =	sadd.s32 $0x1F40, s25;
	s3 =	spop (v2sf)  }
0xf5: {  	s28 =	sshra.s32 s28, $0x2;
	s29 =	sand.u32 $0xFFFFFFF8, s3;
	s20 =	spop (v2sf)  }
0xf6: {  	s25 =	sshrl.u32 s25, $0x3;
	p0 =	slt.s32 s29, $0x3D8;
	s26 =	sand.u32 $0xFFFFFFF8, s20  }
0xf7: {  	s25 =	sadd.s32 s30, s25;
	s29 =	simm.s32 @!p0 $0x3D8;
	p2 =	slt.s32 s26, $0x3D8  }
0xf8: {  	s0 =	sadd.s32 s29, s9;
	s3 =	ssub.s32 s3, s29;
	s29 =	smov.u32 s31  }
0xf9: {  	s31 =	simm.s32 $0x0;
	s26 =	simm.s32 @!p2 $0x3D8;
	s1 =	sadd.s32 s21, s0  }
0xfa: {  	s0 =	sadd.s32 $0x7F00, s11;
	s11 =	sadd.s32 $0x7F00, s12;
	s3 =	sshll.u32 s3, $0x6  }
0xfb: {  	[hbm4b:s29+s31] =	stream.linear.scatter [tilespmem:s16], [sflag:$0x4], $0x10, $0x38;
	[tilespmem:$0xFD00] =	vst v63  }
0xfc: {  	s12 =	sadd.s32 s30, s14;
	s14 =	sadd.s32 s30, s6;
	s16 =	sadd.s32 $0x7F00, s24  }
0xfd: {  	s29 =	rddreg [dreg:$0x7];
	s22 =	sadd.s32 $0x2328, s1;
	s1 =	sadd.s32 $0x7F00, s5  }
0xfe: {  	s5 =	sadd.s32 $0x7F00, s28;
	s28 =	rddreg [dreg:$0xb];
	s22 =	sshrl.u32 s22, $0x3  }
0xff: {  	[hbm4b:s4+s31] =	stream.linear.scatter [tilespmem:s28], [sflag:$0x4], $0x10, $0x38;
	[tilespmem:$0xFD00] =	vst v63  }
0x100: {  	s3 =	sshra.s32 s3, $0x2;
	s6 =	sadd.s32 s30, s22;
	s22 =	spop (v2sf)  }
0x101: {  	s3 =	sadd.s32 $0x7F00, s3;
	s28 =	sand.u32 $0xFFFFFFF8, s29;
	s24 =	sand.u32 $0xFFFFFFF8, s22  }
0x102: {  	[hbm4b:s8+s31] =	stream.linear.scatter [tilespmem:s0], [sflag:$0x4], $0x10, $0x38;
	[tilespmem:$0xFD00] =	vst v63  }
0x103: {  	s0 =	sshrl.u32 s23, $0x3;
	s8 =	sadd.s32 $0x7F00, s18;
	p0 =	slt.s32 s24, $0x3D8  }
0x104: {  	s23 =	sadd.s32 s30, s7;
	s7 =	sshll.u32 s19, $0x6;
	s24 =	simm.s32 @!p0 $0x3D8  }
0x105: {  	[hbm4b:s17+s31] =	stream.linear.scatter [tilespmem:s16], [sflag:$0x4], $0x10, $0x38;
	[tilespmem:$0xFD00] =	vst v63  }
0x106: {  	p0 =	slt.s32 s28, $0x3D8;
	s4 =	sadd.s32 s24, s9;
	s22 =	ssub.s32 s22, s24  }
0x107: {  	s28 =	simm.s32 @!p0 $0x3D8;
	s19 =	sadd.s32 s21, s4;
	s17 =	sshll.u32 s22, $0x6  }
0x108: {  	[hbm4b:s13+s31] =	stream.linear.scatter [tilespmem:s1], [sflag:$0x4], $0x10, $0x38;
	[tilespmem:$0xFD00] =	vst v63  }
0x109: {  	s22 =	sadd.s32 s26, s9;
	s4 =	ssub.s32 s20, s26;
	s26 =	sadd.s32 s28, s9  }
0x10a: {  	s16 =	sadd.s32 $0x2AF8, s19;
	s18 =	sshll.u32 s4, $0x6;
	s19 =	rddreg [dreg:$0x9]  }
0x10b: {  	s4 =	ssub.s32 s29, s28;
	s29 =	simm.s32 $0x0;
	s1 =	sshrl.u32 s16, $0x3  }
0x10c: {  	[hbm4b:s12+s31] =	stream.linear.scatter [tilespmem:s19], [sflag:$0x4], $0x10, $0x38;
	[tilespmem:$0xFD00] =	vst v63  }
0x10d: {  	s16 =	sadd.s32 s21, s22;
	s13 =	sshra.s32 s18, $0x2;
	s22 =	sadd.s32 s15, s9  }
0x10e: {  	[hbm4b:s10+s31] =	stream.linear.scatter [tilespmem:s2], [sflag:$0x4], $0x10, $0x38;
	[tilespmem:$0xFD00] =	vst v63  }
0x10f: {  	s20 =	sadd.s32 $0x2EE0, s16;
	s16 =	sadd.s32 s21, s26;
	s1 =	sadd.s32 s30, s1  }
0x110: {  	[hbm4b:s14+s29] =	stream.linear.scatter [tilespmem:s11], [sflag:$0x4], $0x10, $0x38;
	[tilespmem:$0xFD00] =	vst v63  }
0x111: {  	s2 =	sshra.s32 s17, $0x2;
	s12 =	sshrl.u32 s20, $0x3;
	s17 =	sshll.u32 s4, $0x6  }
0x112: {  	[hbm4b:s25+s29] =	stream.linear.scatter [tilespmem:s5], [sflag:$0x4], $0x10, $0x38;
	[tilespmem:$0xFD00] =	vst v63  }
0x113: {  	s10 =	sadd.s32 s21, s22;
	s18 =	sadd.s32 $0x32C8, s16;
	s21 =	rddreg [dreg:$0xf]  }
0x114: {  	[hbm4b:s6+s29] =	stream.linear.scatter [tilespmem:s3], [sflag:$0x4], $0x10, $0x38;
	[tilespmem:$0xFD00] =	vst v63  }
0x115: {  	s4 =	sadd.s32 $0x7F00, s13;
	s19 =	sshra.s32 s17, $0x2;
	s10 =	sadd.s32 $0x36B0, s10  }
0x116: {  	[hbm4b:s23+s29] =	stream.linear.scatter [tilespmem:s8], [sflag:$0x4], $0x10, $0x38;
	[tilespmem:$0xFD00] =	vst v63  }
0x117: {  	s20 =	sshrl.u32 s18, $0x3;
	s22 =	ssub.s32 s21, s15;
	s2 =	sadd.s32 $0x7F00, s2  }
0x118: {  	[hbm4b:s1+s29] =	stream.linear.scatter [tilespmem:s2], [sflag:$0x4], $0x10, $0x38;
	[tilespmem:$0xFD00] =	vst v63  }
0x119: {  	s25 =	sshrl.u32 s10, $0x3;
	s5 =	sshll.u32 s22, $0x6;
	s2 =	sadd.s32 s30, s12  }
0x11a: {  	[hbm4b:s2+s29] =	stream.linear.scatter [tilespmem:s4], [sflag:$0x4], $0x10, $0x38;
	[tilespmem:$0xFD00] =	vst v63  }
0x11b: {  	s10 =	sadd.s32 $0x7F00, s19;
	s5 =	sshra.s32 s5, $0x2;
	s8 =	sadd.s32 s30, s20  }
0x11c: {  	[hbm4b:s8+s29] =	stream.linear.scatter [tilespmem:s10], [sflag:$0x4], $0x10, $0x38;
	[tilespmem:$0xFD00] =	vst v63  }
0x11d: {  	s11 =	sshra.s32 s7, $0x2;
	s13 =	sadd.s32 $0x7F00, s5;
	s12 =	sadd.s32 s30, s25  }
0x11e: {  	[hbm4b:s12+s29] =	stream.linear.scatter [tilespmem:s13], [sflag:$0x4], $0x10, $0x38;
	[tilespmem:$0xFD00] =	vst v63  }
0x11f: {  	s0 =	sadd.s32 s30, s0;
	s24 =	rddreg [dreg:$0xa];
	s3 =	sadd.s32 $0x7F00, s11  }
0x120: {  	[hbm4b:s0+s29] =	stream.linear.scatter [tilespmem:s3], [sflag:$0x4], $0x10, $0x38;
	[tilespmem:$0xFD00] =	vst v63  }
0x121: {  	v17 =	vld [tilespmem:s24+$0x0];
	_ =	sdelay $0x4  }
0x122: {  	(v2sf) =	vpush v17, $0xF  }
0x123: {  	(v2sf) =	vpush v17, $0xA  }
0x124: {  	(v2sf) =	vpush v17, $0x7  }
0x125: {  	(v2sf) =	vpush v17, $0x4  }
0x126: {  	(v2sf) =	vpush v17, $0x2  }
0x127: {  	(v2sf) =	vpush v17, $0x0;
	_ =	sdelay $0x1  }
0x128: {  	(v2sf) =	vpush v17, $0x5;
	_ =	sdelay $0x1  }
0x129: {  	(v2sf) =	vpush v17, $0x8  }
0x12a: {  	(v2sf) =	vpush v17, $0x1;
	_ =	sdelay $0x2  }
0x12b: {  	s26 =	rddreg [dreg:$0x4];
	(v2sf) =	vpush v17, $0x6  }
0x12c: {  	p1 =	sne.s32 s26, $0x3A980;
	s14 =	rddreg [dreg:$0xc]  }
0x12d: {  	s21 =	smov.u32 s14;
	s23 =	sadd.s32 $0x3E80, s26;
	s25 =	spop (v2sf)  }
0x12e: {  	s24 =	sadd.s32 $0x10, s24;
	s26 =	sand.u32 $0xFFFFFFF8, s25;
	s22 =	spop (v2sf)  }
0x12f: {  	s7 =	sand.u32 $0xFFFFFFF8, s22;
	p0 =	slt.s32 s26, $0x3D8;
	s0 =	spop (v2sf)  }
0x130: {  	(v2sf) =	vpush v17, $0x3;
	s6 =	sand.u32 $0xFFFFFFF8, s0;
	p2 =	slt.s32 s7, $0x3D8;
	s5 =	spop (v2sf)  }
0x131: {  	s10 =	sand.u32 $0xFFFFFFF8, s5;
	p3 =	slt.s32 s6, $0x3D8;
	s15 =	spop (v2sf)  }
0x132: {  	(v2sf) =	vpush v17, $0xD;
	s7 =	simm.s32 @!p2 $0x3D8;
	s2 =	sand.u32 $0xFFFFFFF8, s15;
	s16 =	spop (v2sf)  }
0x133: {  	p4 =	slt.s32 s10, $0x3D8;
	s6 =	simm.s32 @!p3 $0x3D8;
	s11 =	sand.u32 $0xFFFFFFF8, s16  }
0x134: {  	p5 =	slt.s32 s2, $0x3D8;
	s8 =	spop (v2sf);
	s10 =	simm.s32 @!p4 $0x3D8  }
0x135: {  	s0 =	ssub.s32 s0, s6;
	p6 =	slt.s32 s11, $0x3D8;
	s2 =	simm.s32 @!p5 $0x3D8  }
0x136: {  	s28 =	spop (v2sf);
	s5 =	ssub.s32 s5, s10;
	s0 =	sshll.u32 s0, $0x6  }
0x137: {  	s11 =	simm.s32 @!p6 $0x3D8;
	s1 =	ssub.s32 s15, s2;
	s17 =	spop (v2sf)  }
0x138: {  	s2 =	sadd.s32 s2, s9;
	s5 =	sshll.u32 s5, $0x6;
	s18 =	sadd.s32 s11, s9  }
0x139: {  	s3 =	ssub.s32 s16, s11;
	s13 =	sand.u32 $0xFFFFFFF8, s17;
	s2 =	sadd.s32 s21, s2  }
0x13a: {  	s15 =	spop (v2sf);
	s1 =	sshll.u32 s1, $0x6;
	s5 =	sshra.s32 s5, $0x2  }
0x13b: {  	s19 =	sadd.s32 s21, s18;
	p5 =	slt.s32 s13, $0x3D8;
	s2 =	sadd.s32 $0x7D0, s2  }
0x13c: {  	s18 =	sand.u32 $0xFFFFFFF8, s15;
	s3 =	sshll.u32 s3, $0x6;
	s11 =	sshrl.u32 s19, $0x3  }
0x13d: {  	s13 =	simm.s32 @!p5 $0x3D8;
	s2 =	sshrl.u32 s2, $0x3;
	p4 =	slt.s32 s18, $0x3D8  }
0x13e: {  	s3 =	sshra.s32 s3, $0x2;
	s31 =	sadd.s32 s30, s11;
	s20 =	ssub.s32 s17, s13  }
0x13f: {  	s16 =	sadd.s32 s13, s9;
	s13 =	spop (v2sf);
	s11 =	sshra.s32 s1, $0x2  }
0x140: {  	s18 =	simm.s32 @!p4 $0x3D8;
	s12 =	sadd.s32 s21, s16;
	s14 =	sand.u32 $0xFFFFFFF8, s13  }
0x141: {  	s17 =	spop (v2sf);
	s19 =	sshll.u32 s20, $0x6;
	s16 =	sand.u32 $0xFFFFFFF8, s8  }
0x142: {  	[dreg:$0x7] =	wrdreg s17;
	s12 =	sadd.s32 $0x3E8, s12;
	p5 =	slt.s32 s14, $0x3D8  }
0x143: {  	(v2sf) =	vpush v17, $0xE;
	s20 =	sshra.s32 s19, $0x2;
	s17 =	sadd.s32 s10, s9;
	s12 =	sshrl.u32 s12, $0x3  }
0x144: {  	s14 =	simm.s32 @!p5 $0x3D8;
	s1 =	sadd.s32 $0x7F00, s20;
	p5 =	slt.s32 s16, $0x3D8  }
0x145: {  	s13 =	ssub.s32 s13, s14;
	s4 =	sadd.s32 s30, s12;
	[dreg:$0xb] =	wrdreg s1  }
0x146: {  	s19 =	sadd.s32 s14, s9;
	s12 =	sadd.s32 s21, s17;
	s16 =	simm.s32 @!p5 $0x3D8  }
0x147: {  	s14 =	sadd.s32 s6, s9;
	s12 =	sadd.s32 $0xFA0, s12;
	s1 =	sadd.s32 s21, s19  }
0x148: {  	s17 =	sadd.s32 s16, s9;
	s19 =	ssub.s32 s8, s16;
	s10 =	sadd.s32 s21, s14  }
0x149: {  	s8 =	sadd.s32 s30, s2;
	s16 =	sadd.s32 $0x7F00, s3;
	s20 =	sshrl.u32 s12, $0x3  }
0x14a: {  	s3 =	sadd.s32 s21, s17;
	s6 =	sshll.u32 s19, $0x6;
	s1 =	sadd.s32 $0xBB8, s1  }
0x14b: {  	s12 =	sadd.s32 s18, s9;
	s17 =	sadd.s32 $0x1B58, s10;
	s19 =	sadd.s32 s7, s9  }
0x14c: {  	s2 =	sadd.s32 $0x1388, s3;
	s3 =	sshra.s32 s6, $0x2;
	s6 =	sshrl.u32 s17, $0x3  }
0x14d: {  	s1 =	sshrl.u32 s1, $0x3;
	s12 =	sadd.s32 s21, s12;
	s17 =	sadd.s32 s21, s19  }
.Ltmp1:
0x14e: {  	s19 =	sshll.u32 s13, $0x6;
	s13 =	sadd.s32 s30, s20;
	(pc) =	sbr.rel @p1 .LBB2_4-.Ltmp1, $4  }
0x14f: {  	s3 =	sadd.s32 $0x7F00, s3;
	s14 =	sshrl.u32 s2, $0x3;
	s2 =	sadd.s32 $0x1770, s12  }
0x150: {  	(v2sf) =	vpush v17, $0x9;
	s12 =	sshra.s32 s0, $0x2;
	s0 =	sadd.s32 $0x2710, s17;
	s17 =	sadd.s32 s30, s1  }
0x151: {  	(v2sf) =	vpush v17, $0xC;
	[dreg:$0x9] =	wrdreg s3;
	s10 =	sshrl.u32 s2, $0x3;
	s2 =	ssub.s32 s15, s18  }
0x152: {  	(v2sf) =	vpush v17, $0xB;
	s18 =	ssub.s32 s22, s7;
	s7 =	sshrl.u32 s0, $0x3;
	s22 =	spop (v2sf)  }
0x153: {  	[hbm4b:s31+s29] =	stream.linear.scatter [tilespmem:s16], [sflag:$0x4], $0x10, $0x38;
	[tilespmem:$0xFD00] =	vst v63  }
0x154: {  	s0 =	rddreg [dreg:$0xb];
	s1 =	sadd.s32 $0x7F00, s11  }
0x155: {  	s23 =	sshra.s32 s19, $0x2;
	s26 =	simm.s32 @!p0 $0x3D8;
	s2 =	sshll.u32 s2, $0x6  }
0x156: {  	s5 =	sadd.s32 $0x7F00, s5;
	s20 =	sshll.u32 s18, $0x6;
	s12 =	sadd.s32 $0x7F00, s12  }
0x157: {  	s14 =	sadd.s32 s30, s14;
	s10 =	sadd.s32 s30, s10;
	s6 =	sadd.s32 s30, s6  }
0x158: {  	s7 =	sadd.s32 s30, s7;
	s24 =	sadd.s32 s26, s9;
	s11 =	ssub.s32 s25, s26  }
0x159: {  	[hbm4b:s4+s29] =	stream.linear.scatter [tilespmem:s0], [sflag:$0x4], $0x10, $0x38;
	[tilespmem:$0xFD00] =	vst v63  }
0x15a: {  	s2 =	sshra.s32 s2, $0x2;
	s25 =	rddreg [dreg:$0x7];
	s0 =	sand.u32 $0xFFFFFFF8, s28  }
0x15b: {  	s4 =	sadd.s32 $0x7F00, s23;
	s2 =	sadd.s32 $0x7F00, s2;
	s18 =	sand.u32 $0xFFFFFFF8, s25  }
0x15c: {  	[hbm4b:s8+s29] =	stream.linear.scatter [tilespmem:s1], [sflag:$0x4], $0x10, $0x38;
	[tilespmem:$0xFD00] =	vst v63  }
0x15d: {  	s11 =	sshll.u32 s11, $0x6;
	p0 =	slt.s32 s0, $0x3D8;
	s1 =	sand.u32 $0xFFFFFFF8, s22  }
0x15e: {  	s0 =	simm.s32 @!p0 $0x3D8;
	s8 =	sadd.s32 s21, s24;
	s24 =	rddreg [dreg:$0x9]  }
0x15f: {  	p1 =	slt.s32 s1, $0x3D8;
	s15 =	sadd.s32 s0, s9;
	s0 =	ssub.s32 s28, s0  }
0x160: {  	[hbm4b:s17+s29] =	stream.linear.scatter [tilespmem:s4], [sflag:$0x4], $0x10, $0x38;
	[tilespmem:$0xFD00] =	vst v63  }
0x161: {  	s8 =	sadd.s32 $0x3A98, s8;
	s15 =	sadd.s32 s21, s15;
	s0 =	sshll.u32 s0, $0x6  }
0x162: {  	[hbm4b:s13+s29] =	stream.linear.scatter [tilespmem:s5], [sflag:$0x4], $0x10, $0x38;
	[tilespmem:$0xFD00] =	vst v63  }
0x163: {  	s8 =	sshrl.u32 s8, $0x3;
	s1 =	simm.s32 @!p1 $0x3D8;
	s17 =	sadd.s32 $0x1F40, s15  }
0x164: {  	[hbm4b:s14+s29] =	stream.linear.scatter [tilespmem:s24], [sflag:$0x4], $0x10, $0x38;
	[tilespmem:$0xFD00] =	vst v63  }
0x165: {  	s0 =	sshra.s32 s0, $0x2;
	s13 =	sshrl.u32 s17, $0x3;
	s3 =	spop (v2sf)  }
0x166: {  	[hbm4b:s10+s29] =	stream.linear.scatter [tilespmem:s2], [sflag:$0x4], $0x10, $0x38;
	[tilespmem:$0xFD00] =	vst v63  }
0x167: {  	s0 =	sadd.s32 $0x7F00, s0;
	s4 =	sand.u32 $0xFFFFFFF8, s3;
	s31 =	spop (v2sf)  }
0x168: {  	s13 =	sadd.s32 s30, s13;
	p0 =	slt.s32 s4, $0x3D8;
	s16 =	sand.u32 $0xFFFFFFF8, s31  }
0x169: {  	[hbm4b:s6+s29] =	stream.linear.scatter [tilespmem:s12], [sflag:$0x4], $0x10, $0x38;
	[tilespmem:$0xFD00] =	vst v63  }
0x16a: {  	s23 =	spop (v2sf);
	s4 =	simm.s32 @!p0 $0x3D8;
	p2 =	slt.s32 s16, $0x3D8  }
0x16b: {  	s26 =	sadd.s32 s4, s9;
	s3 =	ssub.s32 s3, s4;
	s4 =	sshra.s32 s20, $0x2  }
0x16c: {  	[hbm4b:s13+s29] =	stream.linear.scatter [tilespmem:s0], [sflag:$0x4], $0x10, $0x38;
	[tilespmem:$0xFD00] =	vst v63  }
0x16d: {  	s16 =	simm.s32 @!p2 $0x3D8;
	s19 =	sadd.s32 s21, s26;
	s3 =	sshll.u32 s3, $0x6  }
0x16e: {  	s4 =	sadd.s32 $0x7F00, s4;
	s5 =	ssub.s32 s31, s16;
	s16 =	sadd.s32 s16, s9  }
0x16f: {  	s26 =	sadd.s32 s1, s9;
	s1 =	ssub.s32 s22, s1;
	s15 =	sadd.s32 $0x2328, s19  }
0x170: {  	s3 =	sshra.s32 s3, $0x2;
	s16 =	sadd.s32 s21, s16;
	s5 =	sshll.u32 s5, $0x6  }
0x171: {  	s1 =	sshll.u32 s1, $0x6;
	s15 =	sshrl.u32 s15, $0x3;
	s3 =	sadd.s32 $0x7F00, s3  }
0x172: {  	s16 =	sadd.s32 $0x2EE0, s16;
	s14 =	sadd.s32 s30, s15;
	s15 =	sand.u32 $0xFFFFFFF8, s23  }
0x173: {  	s5 =	sshra.s32 s5, $0x2;
	s6 =	sshrl.u32 s16, $0x3;
	p0 =	slt.s32 s15, $0x3D8  }
0x174: {  	[hbm4b:s14+s29] =	stream.linear.scatter [tilespmem:s3], [sflag:$0x4], $0x10, $0x38;
	[tilespmem:$0xFD00] =	vst v63  }
0x175: {  	s1 =	sshra.s32 s1, $0x2;
	s6 =	sadd.s32 s30, s6;
	s15 =	simm.s32 @!p0 $0x3D8  }
0x176: {  	p0 =	slt.s32 s18, $0x3D8;
	s17 =	ssub.s32 s23, s15;
	s15 =	sadd.s32 s15, s9  }
0x177: {  	[hbm4b:s7+s29] =	stream.linear.scatter [tilespmem:s4], [sflag:$0x4], $0x10, $0x38;
	[tilespmem:$0xFD00] =	vst v63  }
0x178: {  	s18 =	simm.s32 @!p0 $0x3D8;
	s23 =	sadd.s32 s21, s26;
	s7 =	sadd.s32 $0x7F00, s5  }
0x179: {  	s15 =	sadd.s32 s21, s15;
	s17 =	sshll.u32 s17, $0x6;
	s31 =	sadd.s32 s18, s9  }
0x17a: {  	s18 =	ssub.s32 s25, s18;
	s15 =	sadd.s32 $0x2AF8, s15;
	s2 =	sshra.s32 s17, $0x2  }
0x17b: {  	s19 =	sadd.s32 s21, s31;
	s20 =	sshll.u32 s18, $0x6;
	s15 =	sshrl.u32 s15, $0x3  }
0x17c: {  	s24 =	sadd.s32 $0x32C8, s19;
	s2 =	sadd.s32 $0x7F00, s2;
	s31 =	sadd.s32 s30, s15  }
0x17d: {  	[hbm4b:s31+s29] =	stream.linear.scatter [tilespmem:s2], [sflag:$0x4], $0x10, $0x38;
	[tilespmem:$0xFD00] =	vst v63  }
0x17e: {  	s0 =	sadd.s32 $0x36B0, s23;
	s25 =	sshra.s32 s20, $0x2;
	s26 =	sshrl.u32 s24, $0x3  }
0x17f: {  	[hbm4b:s6+s29] =	stream.linear.scatter [tilespmem:s7], [sflag:$0x4], $0x10, $0x38;
	[tilespmem:$0xFD00] =	vst v63  }
0x180: {  	s0 =	sshrl.u32 s0, $0x3;
	s13 =	sadd.s32 $0x7F00, s25;
	s10 =	sadd.s32 s30, s26  }
0x181: {  	[hbm4b:s10+s29] =	stream.linear.scatter [tilespmem:s13], [sflag:$0x4], $0x10, $0x38;
	[tilespmem:$0xFD00] =	vst v63  }
0x182: {  	s1 =	sadd.s32 $0x7F00, s1;
	s14 =	sshra.s32 s11, $0x2;
	s0 =	sadd.s32 s30, s0  }
0x183: {  	[hbm4b:s0+s29] =	stream.linear.scatter [tilespmem:s1], [sflag:$0x4], $0x10, $0x38;
	[tilespmem:$0xFD00] =	vst v63  }
0x184: {  	s16 =	sadd.s32 s30, s8;
	s17 =	simm.s32 $0x3;
	s15 =	sadd.s32 $0x7F00, s14  }
0x185: {  	[hbm4b:s16+s29] =	stream.linear.scatter [tilespmem:s15], [sflag:$0x4], $0x10, $0x38;
	[tilespmem:$0xFD00] =	vst v63  }
0x186: {  	_ =	swait.ge [sflag:s17], $0x7D00  }
0x187: {  	[sflag:s17] =	ssyncset.done $0x0  }
0x188: {  	s18 =	simm.s32 $0x100;
	[sflag:s17] =	ssyncadd.s32 $0xFFFF8300  }
0x189: {  	v17 =	vld [tilespmem:s18+$0x0];
	_ =	sdelay $0x4  }
0x18a: {  	(v2sf) =	vpush v17, $0x6  }
0x18b: {  	(v2sf) =	vpush v17, $0x5  }
0x18c: {  	(v2sf) =	vpush v17, $0x4  }
0x18d: {  	(v2sf) =	vpush v17, $0x2  }
0x18e: {  	(v2sf) =	vpush v17, $0x1;
	_ =	sdelay $0x1  }
0x18f: {  	(v2sf) =	vpush v17, $0x0;
	_ =	sdelay $0x1  }
0x190: {  	(v2sf) =	vpush v17, $0x3;
	_ =	sdelay $0x6  }
0x191: {  	s0 =	spop (v2sf)  }
0x192: {  	s21 =	simm.s32 $0x0;
	s22 =	spop (v2sf)  }
0x193: {  	s14 =	simm.s32 $0x3E80;
	s25 =	sand.u32 $0xFFFFFFF8, s22;
	s2 =	spop (v2sf)  }
0x194: {  	s3 =	sand.u32 $0xFFFFFFF8, s2;
	p0 =	slt.s32 s25, $0x3D8;
	s19 =	spop (v2sf)  }
0x195: {  	s4 =	sand.u32 $0xFFFFFFF8, s19;
	p1 =	slt.s32 s3, $0x3D8;
	s20 =	spop (v2sf)  }
0x196: {  	s25 =	simm.s32 @!p0 $0x3D8;
	s6 =	sand.u32 $0xFFFFFFF8, s20;
	p2 =	slt.s32 s4, $0x3D8  }
0x197: {  	s23 =	spop (v2sf);
	s3 =	simm.s32 @!p1 $0x3D8;
	s10 =	sadd.s32 s25, s9  }
0x198: {  	s8 =	sand.u32 $0xFFFFFFF8, s23;
	p3 =	slt.s32 s6, $0x3D8;
	s4 =	simm.s32 @!p2 $0x3D8  }
0x199: {  	s12 =	spop (v2sf);
	s2 =	ssub.s32 s2, s3;
	p2 =	slt.s32 s8, $0x3D8  }
0x19a: {  	s6 =	simm.s32 @!p3 $0x3D8;
	s24 =	sadd.s32 s4, s9;
	s1 =	ssub.s32 s19, s4  }
0x19b: {  	(v2sf) =	vpush v17, $0x8;
	s2 =	sshll.u32 s2, $0x6;
	s8 =	simm.s32 @!p2 $0x3D8;
	s26 =	sadd.s32 s6, s9  }
0x19c: {  	(v2sf) =	vpush v17, $0xD;
	s5 =	ssub.s32 s20, s6;
	s13 =	sadd.s32 $0x0, s24;
	s1 =	sshll.u32 s1, $0x6  }
0x19d: {  	(v2sf) =	vpush v17, $0x7;
	s31 =	sadd.s32 s8, s9;
	s7 =	ssub.s32 s23, s8;
	s11 =	sadd.s32 $0x0, s26  }
0x19e: {  	s5 =	sshll.u32 s5, $0x6;
	s1 =	sshra.s32 s1, $0x2;
	s23 =	sadd.s32 s3, s9  }
0x19f: {  	s6 =	sadd.s32 $0x0, s31;
	s7 =	sshll.u32 s7, $0x6;
	s8 =	sadd.s32 $0x3EBE8, s11  }
0x1a0: {  	s18 =	sshra.s32 s5, $0x2;
	s5 =	sadd.s32 $0x3EFD0, s13;
	s6 =	sadd.s32 $0x3E800, s6  }
0x1a1: {  	s7 =	sshra.s32 s7, $0x2;
	s16 =	sshrl.u32 s8, $0x3;
	s8 =	sand.u32 $0xFFFFFFF8, s12  }
0x1a2: {  	s17 =	sshrl.u32 s5, $0x3;
	s6 =	sshrl.u32 s6, $0x3;
	p2 =	slt.s32 s8, $0x3D8  }
0x1a3: {  	s24 =	sadd.s32 $0x7F00, s7;
	s7 =	sand.u32 $0xFFFFFFF8, s0;
	s8 =	simm.s32 @!p2 $0x3D8  }
0x1a4: {  	s6 =	sadd.s32 s30, s6;
	p1 =	slt.s32 s7, $0x3D8;
	s15 =	sadd.s32 s8, s9  }
0x1a5: {  	[hbm4b:s6+s29] =	stream.linear.scatter [tilespmem:s24], [sflag:$0x4], $0x10, $0x38;
	[tilespmem:$0xFD00] =	vst v63  }
0x1a6: {  	s19 =	ssub.s32 s12, s8;
	s6 =	sshra.s32 s2, $0x2;
	s7 =	simm.s32 @!p1 $0x3D8  }
0x1a7: {  	s4 =	sadd.s32 $0x0, s15;
	s20 =	sshll.u32 s19, $0x6;
	s15 =	simm.s32 $0x110  }
0x1a8: {  	s31 =	sadd.s32 s7, s9;
	s0 =	ssub.s32 s0, s7;
	s4 =	sadd.s32 $0x3F3B8, s4  }
0x1a9: {  	(v2sf) =	vpush v17, $0xA;
	s5 =	sshra.s32 s20, $0x2;
	s2 =	sadd.s32 $0x0, s31;
	s11 =	sshrl.u32 s4, $0x3  }
0x1aa: {  	(v2sf) =	vpush v17, $0xB;
	s4 =	sadd.s32 $0x0, s23;
	s12 =	spop (v2sf);
	s8 =	sadd.s32 $0x3FF70, s2  }
0x1ab: {  	(v2sf) =	vpush v17, $0xC;
	s26 =	sadd.s32 $0x3F7A0, s4;
	s13 =	sand.u32 $0xFFFFFFF8, s12;
	s28 =	spop (v2sf)  }
0x1ac: {  	(v2sf) =	vpush v17, $0xE;
	s4 =	sshrl.u32 s26, $0x3;
	s29 =	sand.u32 $0xFFFFFFF8, s28;
	s7 =	spop (v2sf)  }
.LBB2_6:
0x1ad: {  	[dreg:$0xe] =	wrdreg s1  }
0x1ae: {  	[dreg:$0x6] =	wrdreg s15  }
0x1af: {  	[dreg:$0x5] =	wrdreg s14;
	p0 =	slt.s32 s13, $0x3D8  }
0x1b0: {  	s0 =	sshll.u32 s0, $0x6;
	s31 =	smov.u32 s14;
	s13 =	simm.s32 @!p0 $0x3D8  }
0x1b1: {  	p1 =	slt.s32 s29, $0x3D8;
	s23 =	smov.u32 s16;
	s1 =	sadd.s32 s13, s9  }
0x1b2: {  	s14 =	smov.u32 s17;
	s10 =	sadd.s32 s21, s10;
	s24 =	sadd.s32 s21, s1  }
0x1b3: {  	s22 =	ssub.s32 s22, s25;
	s12 =	ssub.s32 s12, s13;
	s13 =	sadd.s32 $0x40740, s24  }
0x1b4: {  	(v2sf) =	vpush v17, $0x9;
	s11 =	sadd.s32 s30, s11;
	s6 =	sadd.s32 $0x7F00, s6;
	s13 =	sshrl.u32 s13, $0x3  }
0x1b5: {  	[dreg:$0x8] =	wrdreg s31;
	s29 =	simm.s32 @!p1 $0x3D8;
	s13 =	sadd.s32 s30, s13  }
0x1b6: {  	s19 =	sshra.s32 s0, $0x2;
	[dreg:$0xd] =	wrdreg s13;
	s13 =	sadd.s32 s29, s9  }
0x1b7: {  	s28 =	ssub.s32 s28, s29;
	s0 =	sshll.u32 s12, $0x6;
	s13 =	sadd.s32 s21, s13  }
0x1b8: {  	s1 =	smov.u32 s18;
	s29 =	sshrl.u32 s8, $0x3;
	s8 =	sadd.s32 $0x41AC8, s13  }
0x1b9: {  	s13 =	sadd.s32 $0x7F00, s1;
	s1 =	sadd.s32 s30, s23;
	s23 =	simm.s32 $0x0  }
0x1ba: {  	[hbm4b:s1+s23] =	stream.linear.scatter [tilespmem:s13], [sflag:$0x4], $0x10, $0x38;
	[tilespmem:$0xFD00] =	vst v63  }
0x1bb: {  	s29 =	sadd.s32 s30, s29;
	s13 =	rddreg [dreg:$0xe];
	s2 =	spop (v2sf)  }
0x1bc: {  	s1 =	sadd.s32 $0x7F00, s13;
	s13 =	sadd.s32 s30, s14;
	s3 =	sand.u32 $0xFFFFFFF8, s2  }
0x1bd: {  	[hbm4b:s13+s23] =	stream.linear.scatter [tilespmem:s1], [sflag:$0x4], $0x10, $0x38;
	[tilespmem:$0xFD00] =	vst v63  }
0x1be: {  	s15 =	spop (v2sf);
	s1 =	sadd.s32 s30, s4;
	p2 =	slt.s32 s3, $0x3D8  }
0x1bf: {  	s16 =	sand.u32 $0xFFFFFFF8, s15;
	s20 =	spop (v2sf);
	s3 =	simm.s32 @!p2 $0x3D8  }
0x1c0: {  	p0 =	slt.s32 s16, $0x3D8;
	s17 =	spop (v2sf);
	s2 =	ssub.s32 s2, s3  }
0x1c1: {  	s16 =	simm.s32 @!p0 $0x3D8;
	s12 =	sand.u32 $0xFFFFFFF8, s17;
	s24 =	sadd.s32 s3, s9  }
0x1c2: {  	s2 =	sshll.u32 s2, $0x6;
	s31 =	sadd.s32 s16, s9;
	s15 =	ssub.s32 s15, s16  }
0x1c3: {  	p0 =	slt.s32 s12, $0x3D8;
	s16 =	sadd.s32 s21, s24;
	s24 =	spop (v2sf)  }
0x1c4: {  	s26 =	sshra.s32 s2, $0x2;
	s2 =	sadd.s32 s21, s31;
	s16 =	sadd.s32 $0x40F10, s16  }
0x1c5: {  	s12 =	simm.s32 @!p0 $0x3D8;
	s18 =	sand.u32 $0xFFFFFFF8, s24;
	[dreg:$0x10] =	wrdreg s26  }
0x1c6: {  	s2 =	sadd.s32 $0x412F8, s2;
	s26 =	sshll.u32 s15, $0x6;
	s16 =	sshrl.u32 s16, $0x3  }
0x1c7: {  	s17 =	ssub.s32 s17, s12;
	p0 =	slt.s32 s18, $0x3D8;
	s12 =	sadd.s32 s12, s9  }
0x1c8: {  	s3 =	sshrl.u32 s2, $0x3;
	s15 =	sshra.s32 s26, $0x2;
	s2 =	sand.u32 $0xFFFFFFF8, s20  }
0x1c9: {  	s17 =	sshll.u32 s17, $0x6;
	s18 =	simm.s32 @!p0 $0x3D8;
	p1 =	slt.s32 s2, $0x3D8  }
0x1ca: {  	s17 =	sshra.s32 s17, $0x2;
	s31 =	sadd.s32 s18, s9;
	s18 =	ssub.s32 s24, s18  }
0x1cb: {  	s24 =	sand.u32 $0xFFFFFFF8, s7;
	s3 =	sadd.s32 s30, s3;
	s2 =	simm.s32 @!p1 $0x3D8  }
0x1cc: {  	(v2sf) =	vpush v17, $0xF;
	s25 =	sadd.s32 s21, s31;
	p0 =	slt.s32 s24, $0x3D8;
	s26 =	sadd.s32 s2, s9  }
0x1cd: {  	s2 =	ssub.s32 s20, s2;
	s24 =	simm.s32 @!p0 $0x3D8;
	s20 =	sadd.s32 s21, s26  }
0x1ce: {  	s2 =	sshll.u32 s2, $0x6;
	s26 =	sadd.s32 $0x3FB88, s10;
	s14 =	sadd.s32 s24, s9  }
0x1cf: {  	s24 =	ssub.s32 s7, s24;
	s31 =	sadd.s32 $0x416E0, s20;
	s10 =	sshra.s32 s2, $0x2  }
0x1d0: {  	s20 =	sadd.s32 $0x7F00, s19;
	s2 =	sadd.s32 $0x40B28, s25;
	s19 =	sshra.s32 s0, $0x2  }
0x1d1: {  	s26 =	sshrl.u32 s26, $0x3;
	s14 =	sadd.s32 s21, s14;
	s7 =	sshll.u32 s24, $0x6  }
0x1d2: {  	s24 =	rddreg [dreg:$0x10];
	s0 =	sshrl.u32 s31, $0x3;
	s19 =	sadd.s32 $0x7F00, s19  }
0x1d3: {  	s31 =	sshll.u32 s28, $0x6;
	s28 =	sshll.u32 s22, $0x6;
	s22 =	sadd.s32 $0x7F00, s5  }
0x1d4: {  	s26 =	sadd.s32 s30, s26;
	s4 =	sadd.s32 $0x40358, s14;
	s7 =	sshra.s32 s7, $0x2  }
0x1d5: {  	s13 =	sadd.s32 $0x7F00, s24;
	s24 =	sadd.s32 s21, s12;
	s2 =	sshrl.u32 s2, $0x3  }
0x1d6: {  	[hbm4b:s11+s23] =	stream.linear.scatter [tilespmem:s22], [sflag:$0x4], $0x10, $0x38;
	[tilespmem:$0xFD00] =	vst v63  }
0x1d7: {  	s12 =	rddreg [dreg:$0xd];
	s5 =	sshra.s32 s31, $0x2;
	s28 =	sshra.s32 s28, $0x2  }
0x1d8: {  	[hbm4b:s1+s23] =	stream.linear.scatter [tilespmem:s6], [sflag:$0x4], $0x10, $0x38;
	[tilespmem:$0xFD00] =	vst v63  }
0x1d9: {  	s31 =	sshll.u32 s18, $0x6;
	s18 =	sshrl.u32 s4, $0x3;
	s28 =	sadd.s32 $0x7F00, s28  }
0x1da: {  	[hbm4b:s26+s23] =	stream.linear.scatter [tilespmem:s28], [sflag:$0x4], $0x10, $0x38;
	[tilespmem:$0xFD00] =	vst v63  }
0x1db: {  	s7 =	sadd.s32 $0x7F00, s7;
	s0 =	sadd.s32 s30, s0;
	s25 =	spop (v2sf)  }
0x1dc: {  	[hbm4b:s29+s23] =	stream.linear.scatter [tilespmem:s20], [sflag:$0x4], $0x10, $0x38;
	[tilespmem:$0xFD00] =	vst v63  }
0x1dd: {  	s22 =	sshra.s32 s31, $0x2;
	s1 =	sadd.s32 s30, s18;
	s14 =	sand.u32 $0xFFFFFFF8, s25  }
0x1de: {  	[hbm4b:s1+s23] =	stream.linear.scatter [tilespmem:s7], [sflag:$0x4], $0x10, $0x38;
	[tilespmem:$0xFD00] =	vst v63  }
0x1df: {  	s31 =	sadd.s32 s30, s16;
	s6 =	sadd.s32 $0x41EB0, s24;
	p0 =	slt.s32 s14, $0x3D8  }
0x1e0: {  	[hbm4b:s12+s23] =	stream.linear.scatter [tilespmem:s19], [sflag:$0x4], $0x10, $0x38;
	[tilespmem:$0xFD00] =	vst v63  }
0x1e1: {  	s4 =	sadd.s32 $0x7F00, s22;
	s26 =	sadd.s32 s30, s2;
	s14 =	simm.s32 @!p0 $0x3D8  }
0x1e2: {  	[hbm4b:s26+s23] =	stream.linear.scatter [tilespmem:s4], [sflag:$0x4], $0x10, $0x38;
	[tilespmem:$0xFD00] =	vst v63  }
0x1e3: {  	s2 =	sadd.s32 $0x7F00, s5;
	s20 =	sadd.s32 $0x7F00, s15;
	s16 =	sadd.s32 s14, s9  }
0x1e4: {  	[hbm4b:s31+s23] =	stream.linear.scatter [tilespmem:s13], [sflag:$0x4], $0x10, $0x38;
	[tilespmem:$0xFD00] =	vst v63  }
0x1e5: {  	s18 =	ssub.s32 s25, s14;
	s25 =	sshrl.u32 s8, $0x3;
	s22 =	sadd.s32 s21, s16  }
0x1e6: {  	[hbm4b:s3+s23] =	stream.linear.scatter [tilespmem:s20], [sflag:$0x4], $0x10, $0x38;
	[tilespmem:$0xFD00] =	vst v63  }
0x1e7: {  	s24 =	sshll.u32 s18, $0x6;
	s4 =	sadd.s32 $0x42298, s22;
	s26 =	sadd.s32 $0x7F00, s10  }
0x1e8: {  	[hbm4b:s0+s23] =	stream.linear.scatter [tilespmem:s26], [sflag:$0x4], $0x10, $0x38;
	[tilespmem:$0xFD00] =	vst v63  }
0x1e9: {  	s1 =	sadd.s32 s30, s25;
	s31 =	sshrl.u32 s4, $0x3;
	s4 =	sshrl.u32 s6, $0x3  }
0x1ea: {  	[hbm4b:s1+s23] =	stream.linear.scatter [tilespmem:s2], [sflag:$0x4], $0x10, $0x38;
	[tilespmem:$0xFD00] =	vst v63  }
0x1eb: {  	s7 =	sshra.s32 s24, $0x2;
	s6 =	sadd.s32 $0x7F00, s17;
	s5 =	sadd.s32 s30, s4  }
0x1ec: {  	[hbm4b:s5+s23] =	stream.linear.scatter [tilespmem:s6], [sflag:$0x4], $0x10, $0x38;
	[tilespmem:$0xFD00] =	vst v63  }
0x1ed: {  	s15 =	rddreg [dreg:$0x6];
	s10 =	sadd.s32 $0x7F00, s7;
	s8 =	sadd.s32 s30, s31  }
0x1ee: {  	[hbm4b:s8+s23] =	stream.linear.scatter [tilespmem:s10], [sflag:$0x4], $0x10, $0x38;
	[tilespmem:$0xFD00] =	vst v63  }
0x1ef: {  	v17 =	vld [tilespmem:s15+$0x0];
	_ =	sdelay $0x4  }
0x1f0: {  	(v2sf) =	vpush v17, $0x6  }
0x1f1: {  	(v2sf) =	vpush v17, $0x5  }
0x1f2: {  	(v2sf) =	vpush v17, $0x4  }
0x1f3: {  	(v2sf) =	vpush v17, $0x2  }
0x1f4: {  	(v2sf) =	vpush v17, $0x1  }
0x1f5: {  	(v2sf) =	vpush v17, $0x0;
	_ =	sdelay $0x1  }
0x1f6: {  	(v2sf) =	vpush v17, $0x3;
	_ =	sdelay $0x6  }
0x1f7: {  	s11 =	rddreg [dreg:$0x8]  }
0x1f8: {  	s21 =	smov.u32 s11;
	s19 =	rddreg [dreg:$0x5];
	s0 =	spop (v2sf)  }
0x1f9: {  	p0 =	sne.s32 s19, $0x3A980;
	s14 =	sadd.s32 $0x3E80, s19;
	s22 =	spop (v2sf)  }
0x1fa: {  	s15 =	sadd.s32 $0x10, s15;
	s25 =	sand.u32 $0xFFFFFFF8, s22;
	s4 =	spop (v2sf)  }
0x1fb: {  	s6 =	sand.u32 $0xFFFFFFF8, s4;
	p1 =	slt.s32 s25, $0x3D8;
	s12 =	spop (v2sf)  }
0x1fc: {  	s2 =	sand.u32 $0xFFFFFFF8, s12;
	p2 =	slt.s32 s6, $0x3D8;
	s13 =	spop (v2sf)  }
0x1fd: {  	s25 =	simm.s32 @!p1 $0x3D8;
	s5 =	sand.u32 $0xFFFFFFF8, s13;
	s16 =	spop (v2sf)  }
0x1fe: {  	p3 =	slt.s32 s2, $0x3D8;
	s6 =	simm.s32 @!p2 $0x3D8;
	s8 =	sand.u32 $0xFFFFFFF8, s16  }
0x1ff: {  	p4 =	slt.s32 s5, $0x3D8;
	s2 =	simm.s32 @!p3 $0x3D8;
	s26 =	spop (v2sf)  }
0x200: {  	p3 =	slt.s32 s8, $0x3D8;
	s5 =	simm.s32 @!p4 $0x3D8;
	s17 =	sadd.s32 s2, s9  }
0x201: {  	s1 =	ssub.s32 s12, s2;
	s8 =	simm.s32 @!p3 $0x3D8;
	s19 =	sadd.s32 s5, s9  }
0x202: {  	(v2sf) =	vpush v17, $0x8;
	s3 =	ssub.s32 s13, s5;
	s1 =	sshll.u32 s1, $0x6;
	s20 =	sadd.s32 s8, s9  }
0x203: {  	(v2sf) =	vpush v17, $0xD;
	s7 =	ssub.s32 s16, s8;
	s24 =	sadd.s32 s21, s19;
	s3 =	sshll.u32 s3, $0x6  }
0x204: {  	(v2sf) =	vpush v17, $0x7;
	s1 =	sshra.s32 s1, $0x2;
	s5 =	sadd.s32 s21, s20;
	s7 =	sshll.u32 s7, $0x6  }
0x205: {  	s8 =	sadd.s32 $0x3EBE8, s24;
	s18 =	sshra.s32 s3, $0x2;
	s20 =	sadd.s32 s6, s9  }
0x206: {  	s5 =	sadd.s32 $0x3E800, s5;
	s16 =	sshrl.u32 s8, $0x3;
	s8 =	sand.u32 $0xFFFFFFF8, s26  }
0x207: {  	s24 =	ssub.s32 s4, s6;
	s5 =	sshrl.u32 s5, $0x3;
	p3 =	slt.s32 s8, $0x3D8  }
0x208: {  	s31 =	sadd.s32 s30, s5;
	s5 =	sadd.s32 s21, s17;
	s8 =	simm.s32 @!p3 $0x3D8  }
0x209: {  	s7 =	sshra.s32 s7, $0x2;
	s3 =	sadd.s32 $0x3EFD0, s5;
	s10 =	sadd.s32 s8, s9  }
0x20a: {  	s13 =	ssub.s32 s26, s8;
	s26 =	sadd.s32 $0x7F00, s7;
	s7 =	sand.u32 $0xFFFFFFF8, s0  }
0x20b: {  	s17 =	sshrl.u32 s3, $0x3;
	s2 =	sadd.s32 s21, s10;
	s19 =	sshll.u32 s13, $0x6  }
0x20c: {  	[hbm4b:s31+s23] =	stream.linear.scatter [tilespmem:s26], [sflag:$0x4], $0x10, $0x38;
	[tilespmem:$0xFD00] =	vst v63  }
0x20d: {  	s3 =	sshll.u32 s24, $0x6;
	p2 =	slt.s32 s7, $0x3D8;
	s10 =	sadd.s32 s25, s9  }
0x20e: {  	s2 =	sadd.s32 $0x3F3B8, s2;
	s5 =	sshra.s32 s19, $0x2;
	s7 =	simm.s32 @!p2 $0x3D8  }
.Ltmp2:
0x20f: {  	s11 =	sshrl.u32 s2, $0x3;
	s2 =	sadd.s32 s21, s20;
	(pc) =	sbr.rel @p0 .LBB2_6-.Ltmp2, $4  }
0x210: {  	(v2sf) =	vpush v17, $0xA;
	s6 =	sshra.s32 s3, $0x2;
	s31 =	sadd.s32 s7, s9;
	s2 =	sadd.s32 $0x3F7A0, s2  }
0x211: {  	(v2sf) =	vpush v17, $0xB;
	s4 =	sshrl.u32 s2, $0x3;
	s2 =	sadd.s32 s21, s31;
	s12 =	spop (v2sf)  }
0x212: {  	(v2sf) =	vpush v17, $0xC;
	s0 =	ssub.s32 s0, s7;
	s8 =	sadd.s32 $0x3FF70, s2;
	s28 =	spop (v2sf)  }
0x213: {  	(v2sf) =	vpush v17, $0xE;
	s13 =	sand.u32 $0xFFFFFFF8, s12;
	s29 =	sand.u32 $0xFFFFFFF8, s28;
	s7 =	spop (v2sf)  }
0x214: {  	s2 =	sadd.s32 $0x7F00, s18;
	s3 =	sadd.s32 s30, s16  }
0x215: {  	s14 =	simm.s32 $0x0;
	s1 =	sadd.s32 $0x7F00, s1;
	s16 =	sadd.s32 s30, s17  }
0x216: {  	s17 =	sadd.s32 s30, s11;
	s18 =	sadd.s32 $0x7F00, s5;
	s19 =	sadd.s32 $0x7F00, s6  }
0x217: {  	s20 =	sadd.s32 s30, s4;
	s22 =	ssub.s32 s22, s25;
	s23 =	sadd.s32 s21, s10  }
0x218: {  	s0 =	sshll.u32 s0, $0x6;
	s25 =	sshrl.u32 s8, $0x3;
	p1 =	slt.s32 s13, $0x3D8  }
0x219: {  	[hbm4b:s3+s14] =	stream.linear.scatter [tilespmem:s2], [sflag:$0x4], $0x10, $0x38;
	[tilespmem:$0xFD00] =	vst v63  }
0x21a: {  	s2 =	sadd.s32 $0x3FB88, s23;
	s0 =	sshra.s32 s0, $0x2;
	s3 =	sand.u32 $0xFFFFFFF8, s7  }
0x21b: {  	s13 =	simm.s32 @!p1 $0x3D8;
	s2 =	sshrl.u32 s2, $0x3;
	s0 =	sadd.s32 $0x7F00, s0  }
0x21c: {  	(v2sf) =	vpush v17, $0x9;
	[hbm4b:s16+s14] =	stream.linear.scatter [tilespmem:s1], [sflag:$0x4], $0x10, $0x38;
	[tilespmem:$0xFD00] =	vst v63  }
0x21d: {  	p0 =	slt.s32 s3, $0x3D8;
	s8 =	sadd.s32 s13, s9;
	s1 =	sshll.u32 s22, $0x6  }
0x21e: {  	s2 =	sadd.s32 s30, s2;
	s3 =	simm.s32 @!p0 $0x3D8;
	s6 =	sadd.s32 s21, s8  }
0x21f: {  	[hbm4b:s17+s14] =	stream.linear.scatter [tilespmem:s18], [sflag:$0x4], $0x10, $0x38;
	[tilespmem:$0xFD00] =	vst v63  }
0x220: {  	s1 =	sshra.s32 s1, $0x2;
	s5 =	ssub.s32 s7, s3;
	s3 =	sadd.s32 s3, s9  }
0x221: {  	[hbm4b:s20+s14] =	stream.linear.scatter [tilespmem:s19], [sflag:$0x4], $0x10, $0x38;
	[tilespmem:$0xFD00] =	vst v63  }
0x222: {  	s7 =	ssub.s32 s12, s13;
	s1 =	sadd.s32 $0x7F00, s1;
	s3 =	sadd.s32 s21, s3  }
0x223: {  	[hbm4b:s2+s14] =	stream.linear.scatter [tilespmem:s1], [sflag:$0x4], $0x10, $0x38;
	[tilespmem:$0xFD00] =	vst v63  }
0x224: {  	s6 =	sadd.s32 $0x40740, s6;
	s3 =	sadd.s32 $0x40358, s3;
	s1 =	sadd.s32 s30, s25  }
0x225: {  	[hbm4b:s1+s14] =	stream.linear.scatter [tilespmem:s0], [sflag:$0x4], $0x10, $0x38;
	[tilespmem:$0xFD00] =	vst v63  }
0x226: {  	s3 =	sshrl.u32 s3, $0x3;
	s24 =	spop (v2sf);
	s0 =	sshll.u32 s5, $0x6  }
0x227: {  	s3 =	sadd.s32 s30, s3;
	s26 =	spop (v2sf);
	s0 =	sshra.s32 s0, $0x2  }
0x228: {  	s5 =	sshll.u32 s7, $0x6;
	s31 =	spop (v2sf);
	s0 =	sadd.s32 $0x7F00, s0  }
0x229: {  	[hbm4b:s3+s14] =	stream.linear.scatter [tilespmem:s0], [sflag:$0x4], $0x10, $0x38;
	[tilespmem:$0xFD00] =	vst v63  }
0x22a: {  	s11 =	sshrl.u32 s6, $0x3;
	s5 =	sshra.s32 s5, $0x2;
	s10 =	spop (v2sf)  }
0x22b: {  	s5 =	sadd.s32 $0x7F00, s5;
	s3 =	sadd.s32 s30, s11;
	s12 =	spop (v2sf)  }
0x22c: {  	[hbm4b:s3+s14] =	stream.linear.scatter [tilespmem:s5], [sflag:$0x4], $0x10, $0x38;
	[tilespmem:$0xFD00] =	vst v63  }
0x22d: {  	s3 =	sand.u32 $0xFFFFFFF8, s12  }
0x22e: {  	p0 =	slt.s32 s3, $0x3D8  }
0x22f: {  	s3 =	simm.s32 @!p0 $0x3D8  }
0x230: {  	s13 =	sadd.s32 s3, s9  }
0x231: {  	s3 =	ssub.s32 s12, s3;
	s5 =	sadd.s32 s21, s13  }
0x232: {  	s3 =	sshll.u32 s3, $0x6;
	s5 =	sadd.s32 $0x40B28, s5  }
0x233: {  	s3 =	sshra.s32 s3, $0x2;
	s5 =	sshrl.u32 s5, $0x3  }
0x234: {  	s3 =	sadd.s32 $0x7F00, s3;
	s5 =	sadd.s32 s30, s5  }
0x235: {  	[hbm4b:s5+s14] =	stream.linear.scatter [tilespmem:s3], [sflag:$0x4], $0x10, $0x38;
	[tilespmem:$0xFD00] =	vst v63  }
0x236: {  	s3 =	sand.u32 $0xFFFFFFF8, s24  }
0x237: {  	p0 =	slt.s32 s3, $0x3D8  }
0x238: {  	s3 =	simm.s32 @!p0 $0x3D8  }
0x239: {  	s15 =	sadd.s32 s3, s9  }
0x23a: {  	s2 =	ssub.s32 s24, s3;
	s16 =	sadd.s32 s21, s15  }
0x23b: {  	s2 =	sshll.u32 s2, $0x6;
	s3 =	sadd.s32 $0x40F10, s16  }
0x23c: {  	s2 =	sshra.s32 s2, $0x2;
	s3 =	sshrl.u32 s3, $0x3  }
0x23d: {  	s2 =	sadd.s32 $0x7F00, s2;
	s3 =	sadd.s32 s30, s3  }
0x23e: {  	[hbm4b:s3+s14] =	stream.linear.scatter [tilespmem:s2], [sflag:$0x4], $0x10, $0x38;
	[tilespmem:$0xFD00] =	vst v63  }
0x23f: {  	s2 =	sand.u32 $0xFFFFFFF8, s26  }
0x240: {  	p0 =	slt.s32 s2, $0x3D8  }
0x241: {  	s2 =	simm.s32 @!p0 $0x3D8  }
0x242: {  	s17 =	sadd.s32 s2, s9  }
0x243: {  	s2 =	ssub.s32 s26, s2;
	s3 =	sadd.s32 s21, s17  }
0x244: {  	s2 =	sshll.u32 s2, $0x6;
	s3 =	sadd.s32 $0x412F8, s3  }
0x245: {  	s2 =	sshra.s32 s2, $0x2;
	s3 =	sshrl.u32 s3, $0x3  }
0x246: {  	s2 =	sadd.s32 $0x7F00, s2;
	s3 =	sadd.s32 s30, s3  }
0x247: {  	[hbm4b:s3+s14] =	stream.linear.scatter [tilespmem:s2], [sflag:$0x4], $0x10, $0x38;
	[tilespmem:$0xFD00] =	vst v63  }
0x248: {  	s2 =	sand.u32 $0xFFFFFFF8, s31  }
0x249: {  	p0 =	slt.s32 s2, $0x3D8  }
0x24a: {  	s2 =	simm.s32 @!p0 $0x3D8  }
0x24b: {  	s18 =	sadd.s32 s2, s9  }
0x24c: {  	s1 =	ssub.s32 s31, s2;
	s19 =	sadd.s32 s21, s18  }
0x24d: {  	p0 =	slt.s32 s29, $0x3D8;
	s1 =	sshll.u32 s1, $0x6;
	s2 =	sadd.s32 $0x416E0, s19  }
0x24e: {  	(v2sf) =	vpush v17, $0xF;
	s29 =	simm.s32 @!p0 $0x3D8;
	s1 =	sshra.s32 s1, $0x2;
	s2 =	sshrl.u32 s2, $0x3  }
0x24f: {  	s20 =	sadd.s32 s29, s9;
	s1 =	sadd.s32 $0x7F00, s1;
	s2 =	sadd.s32 s30, s2  }
0x250: {  	[hbm4b:s2+s14] =	stream.linear.scatter [tilespmem:s1], [sflag:$0x4], $0x10, $0x38;
	[tilespmem:$0xFD00] =	vst v63  }
0x251: {  	s22 =	ssub.s32 s28, s29;
	s1 =	sadd.s32 s21, s20  }
0x252: {  	s2 =	sshll.u32 s22, $0x6;
	s1 =	sadd.s32 $0x41AC8, s1  }
0x253: {  	s2 =	sshra.s32 s2, $0x2;
	s1 =	sshrl.u32 s1, $0x3  }
0x254: {  	s2 =	sadd.s32 $0x7F00, s2;
	s1 =	sadd.s32 s30, s1  }
0x255: {  	[hbm4b:s1+s14] =	stream.linear.scatter [tilespmem:s2], [sflag:$0x4], $0x10, $0x38;
	[tilespmem:$0xFD00] =	vst v63  }
0x256: {  	s1 =	sand.u32 $0xFFFFFFF8, s10  }
0x257: {  	p0 =	slt.s32 s1, $0x3D8  }
0x258: {  	s1 =	simm.s32 @!p0 $0x3D8  }
0x259: {  	s23 =	sadd.s32 s1, s9  }
0x25a: {  	s0 =	ssub.s32 s10, s1;
	s24 =	sadd.s32 s21, s23  }
0x25b: {  	s0 =	sshll.u32 s0, $0x6;
	s1 =	sadd.s32 $0x41EB0, s24  }
0x25c: {  	s0 =	sshra.s32 s0, $0x2;
	s1 =	sshrl.u32 s1, $0x3  }
0x25d: {  	s25 =	spop (v2sf);
	s0 =	sadd.s32 $0x7F00, s0;
	s1 =	sadd.s32 s30, s1  }
0x25e: {  	[hbm4b:s1+s14] =	stream.linear.scatter [tilespmem:s0], [sflag:$0x4], $0x10, $0x38;
	[tilespmem:$0xFD00] =	vst v63  }
0x25f: {  	s0 =	sand.u32 $0xFFFFFFF8, s25  }
0x260: {  	p0 =	slt.s32 s0, $0x3D8  }
0x261: {  	s0 =	simm.s32 @!p0 $0x3D8  }
0x262: {  	s26 =	sadd.s32 s0, s9  }
0x263: {  	s0 =	ssub.s32 s25, s0;
	s1 =	sadd.s32 s21, s26  }
0x264: {  	s0 =	sshll.u32 s0, $0x6;
	s1 =	sadd.s32 $0x42298, s1  }
0x265: {  	s0 =	sshra.s32 s0, $0x2;
	s1 =	sshrl.u32 s1, $0x3  }
0x266: {  	s28 =	simm.s32 $0x4;
	s0 =	sadd.s32 $0x7F00, s0;
	s1 =	sadd.s32 s30, s1  }
0x267: {  	[hbm4b:s1+s14] =	stream.linear.scatter [tilespmem:s0], [sflag:$0x4], $0x10, $0x38;
	[tilespmem:$0xFD00] =	vst v63  }
0x268: {  	_ =	swait.ge [sflag:s28], $0x2000  }
0x269: {  	s29 =	rddreg [dreg:$0x1a]  }
0x26a: {  	s31 =	rddreg [dreg:$0x15];
	s2 =	sadd.s32 $0x1, s29  }
0x26b: {  	p0 =	sne.s32 s2, s31  }
.Ltmp3:
0x26c: {  	_ = 	snop;
	(pc) =	sbr.rel @p0 .LBB2_1-.Ltmp3, $3  }
0x26d: {  	_ =	sdelay $0x1  }
0x26e: {  	[sflag:s28] =	ssyncset.done $0x0  }
0x26f: {  	s10 =	simm.s32 $0x0;
	[sflag:s28] =	ssyncadd.s32 $0xFFFFE000  }
0x270: {  	_ =	sfence.sel $0x180000  }
0x271: {  	[bflag:$0x0] =	sbarrier.arrive $0xFFFF  }
0x272: {  	_ =	strace $0x90000047  }
0x273: {  	s0 =	stileid.u32;
	[bflag:$0x2] =	sbarrier.arrive $0xFFFF  }
0x274: {  	p0 =	sne.s32 s0, $0x0;
	s0 =	rddreg [dreg:$0x3]  }
0x275: {  	s0 =	sadd.s32 @!p0 $0x100000, s0  }
0x276: {  	[sflag:s0] =	ssyncadd.tile.s32 @!p0 $0x1;
	_ =	shalt  }
.Lfunc_end2:
_tile_overlayer_lowered:
.L_overlay_start_2:
0x277: {  	(tag) =	ssettag $0x2  }
0x278: {  	s0 =	rddreg [dreg:$0x0];
	s2 =	stileid.u32  }
0x279: {  	s1 =	rddreg [dreg:$0x1];
	p0 =	sne.s32 s2, $0x0  }
0x27a: {  	s3 =	rddreg [dreg:$0x2];
	[bflag:$0x3] =	sbarrier.arrive $0xFFFF;
	s2 =	simm.s32 @!p0 $0x1C05  }
0x27b: {  	[timem:s3], [sflag:s2] =	dma.local @!p0 [hbm:s0], s1  }
0x27c: {  	s0 =	simm.s32 @!p0 $0x5  }
0x27d: {  	_ =	swait.ge @!p0 [sflag:s0], s1  }
0x27e: {  	s1 =	ssub.s32 @!p0 $0x0, s1;
	[sflag:s0] =	ssyncset.done @!p0 $0x0  }
0x27f: {  	[sflag:s0] =	ssyncadd.s32 @!p0 s1  }
0x280: {  	[bflag:$0x3] =	sbarrier.arrive $0xFFFF  }
0x281: {  	_ =	shalt  }

// kernel: sparse-core-data-format-call.cloned.1.call-start
scs
called_computation_lowered:
.L_overlay_start_0:
0x0: {  	s2 =	sld [smem:$0x3FD9]  }
0x1: {  	s3 =	sld [smem:$0x3FFE];
	_ =	sdelay $0x1  }
0x2: {  	s1 =	srdreg.scid  }
0x3: {  	s0 =	sand.u32 $0x1, s1  }
0x4: {  	s18 =	sshll.u32 s0, $0xA;
	s2 =	sadd.s32 s3, s2  }
0x5: {  	s2 =	sadd.s32 s2, s18  }
0x6: {  	[smem:$0x3FC7] =	sst s2  }
0x7: {  	_ = 	snop  }
0x8: {  	s2 =	sld [smem:$0x3FD0];
	(tm) =	ssettm $0x1  }
0x9: {  	s19 =	sld [smem:$0x3FFB];
	_ =	sdelay $0x3  }
0xa: {  	_ =	strace s19  }
0xb: {  	s3 =	sld [smem:$0x3FFC];
	_ =	sdelay $0x3  }
0xc: {  	_ =	strace s3  }
0xd: {  	s3 =	sld [smem:$0x3FFD];
	_ =	sdelay $0x3  }
0xe: {  	_ =	strace s3  }
0xf: {  	_ =	strace $0x8FFFFFFF  }
0x10: {  	s20 =	sld [smem:$0x3FDB];
	_ =	sdelay $0x1  }
0x11: {  	s4 =	simm.s32 $_scs_section_size  }
0x12: {  	s5 =	simm.s32 $_size__tile_overlayer_lowered;
	s6 =	simm.s32 $_tile_overlayer_lowered  }
0x13: {  	s23 =	simm.s32 $0x1BFF;
	s22 =	sshll.u32 s6, $0x1;
	s3 =	sadd.s32 s4, s20  }
0x14: {  	s7 =	simm.s32 $0x0;
	s21 =	sshll.u32 s5, $0x1;
	s5 =	sadd.s32 s22, s3  }
0x15: {  	[timem:s7], [sflag:s23] =	dma.local [hbm:s5], s21  }
0x16: {  	_ =	swait.ge [sflag:s23], s21  }
0x17: {  	s4 =	ssub.s32 $0x0, s21;
	[sflag:s23] =	ssyncset.done $0x0  }
0x18: {  	[sflag:s23] =	ssyncadd.s32 s4;
	_ =	sdelay $0x1  }
0x19: {  	s24 =	simm.s32 $0x1B8B  }
0x1a: {  	_ =	swait.ge [sflag:s24], $0x1  }
0x1b: {  	[sflag:s24] =	ssyncset.done $0x0  }
0x1c: {  	s26 =	simm.s32 $0x1B8E;
	s25 =	sld [smem:$0x3FFE];
	[sflag:s24] =	ssyncadd.s32 $0xFFFFFFFF  }
0x1d: {  	s27 =	simm.s32 $execute0_lowered;
	[smem:$0x3FD2] =	sst s26  }
0x1e: {  	s5 =	sshll.u32 s27, $0x1;
	_ =	strace $0x80000049;
	[dreg:$0x1] =	wrdreg $0xFFFFFFFF  }
0x1f: {  	s28 =	simm.s32 $_size_execute0_lowered;
	s3 =	sadd.s32 s3, s5;
	[dreg:$0x0] =	wrdreg $0x0  }
0x20: {  	s5 =	sshll.u32 s28, $0x1;
	[dreg:$0x2] =	wrdreg s3  }
0x21: {  	[dreg:$0x3] =	wrdreg s5  }
0x22: {  	[dreg:$0x4] =	wrdreg $0xC0  }
0x23: {  	_ =	task [dreg:s7], $0x5FFFF  }
0x24: {  	[dreg:$0x1] =	wrdreg $0xFFFFFFFF  }
0x25: {  	[dreg:$0x0] =	wrdreg $0x60  }
0x26: {  	[dreg:$0x2] =	wrdreg s25  }
0x27: {  	[dreg:$0x3] =	wrdreg s2  }
0x28: {  	[dreg:$0x4] =	wrdreg $0x9  }
0x29: {  	_ =	task.clear_ibuf [dreg:s7], $0x5FFFF;
	_ =	strace $0x90000049  }
0x2a: {  	s29 =	simm.s32 $0x9;
	_ =	strace $0x8000004B  }
0x2b: {  	_ =	swait.ge [sflag:s29], $0x1  }
0x2c: {  	[sflag:s29] =	ssyncadd.s32 $0xFFFFFFFF  }
0x2d: {  	_ =	strace $0x9000004B  }
0x2e: {  	_ =	sfence  }
0x2f: {  	s30 =	sld [smem:$0x0];
	_ =	sdelay $0x2  }
0x30: {  	s31 =	sshll.u32 s1, $0xD;
	s1 =	sshrl.u32 s1, $0x2  }
0x31: {  	s3 =	sand.u32 $0x4000, s31;
	s1 =	sadd.s32 s1, s30  }
0x32: {  	s0 =	sor.u32 s3, s0;
	s1 =	sshll.u32 s1, $0x11  }
0x33: {  	s0 =	sor.u32 s1, s0  }
0x34: {  	s0 =	sadd.s32 $0x8F2B, s0  }
0x35: {  	[sflag:s0] =	ssyncadd.remote.s32 $0x1  }
0x36: {  	_ =	sfence.sel $0xFFFF  }
0x37: {  	[dreg:$0x0] =	wrdreg $0xFFFFFFFF;
	(pc) =	sbr.abs _section_cstart, $3  }
0x38: {  	[dreg:$0x1] =	wrdreg $0xFFFFFFFF  }
0x39: {  	_ =	task.clear_ibuf [dreg:s7], $0x2FFFF;
	_ =	strace $0x9FFFFFFF  }
0x3a: {  	(tm) =	ssettm $0x7FFFFFFF  }
0x3b: {  	_ =	shalt  }
tec
execute0_lowered:
.L_overlay_start_1:
0x0: {  	(tag) =	ssettag $0x1  }
0x1: {  	s0 =	srdreg.scid;
	s5 =	rddreg [dreg:$0x0]  }
0x2: {  	s3 =	rddreg [dreg:$0x1];
	s1 =	sshll.u32 s0, $0x4  }
0x3: {  	s7 =	simm.s32 $0x1;
	s0 =	stileid.u32;
	s1 =	sand.u32 $0x10, s1  }
0x4: {  	s8 =	simm.s32 $0x2;
	s15 =	simm.s32 $0x0;
	s1 =	sor.u32 s0, s1  }
0x5: {  	s14 =	simm.s32 $0x0;
	s9 =	simm.s32 $0x0;
	s2 =	sshll.u32 s1, $0x7  }
0x6: {  	s10 =	simm.s32 $0x0;
	s11 =	simm.s32 $0x0;
	s6 =	ssub.s32 $0x4000, s2  }
0x7: {  	s13 =	simm.s32 $0x0;
	s5 =	sadd.s32 $0x800, s5;
	s4 =	sand.u32 $0xF80, s6  }
.Ltmp0:
0x8: {  	s1 =	rddreg [dreg:$0x2];
	p0 =	sne.s32 s4, $0x0;
	(pc) =	sbr.rel .LBB1_1-.Ltmp0, $4  }
0x9: {  	_ =	strace $0x8000004A;
	s6 =	sshrl.u32 s6, $0xC;
	s7 =	simm.s32 @!p0 $0x0  }
0xa: {  	s12 =	smov.u32 s2;
	s4 =	simm.s32 $0x1;
	s6 =	sadd.s32 s7, s6  }
0xb: {  	[sflag:s4] =	ssyncpa.u1 $0x0;
	p0 =	por $0x0, $0x0;
	s6 =	sshll.u32 s6, $0x3  }
0xc: {  	[sflag:s8] =	ssyncpa.u1 $0x0;
	s8 =	simm.s32 $0x20000;
	s7 =	sor.u32 $0x1, s6  }
.LBB1_4:
0xd: {  	s20 =	sshra.s32 s20, $0x2  }
0xe: {  	s28 =	sand.u32 $0x78, s10;
	s21 =	sshll.u32 s9, $0xE;
	s22 =	sshll.u32 s10, $0x3  }
0xf: {  	s24 =	sshll.u32 s9, $0x7;
	p1 =	sgt.s32 s9, $0x368;
	s30 =	sshra.s32 s9, $0x1F  }
0x10: {  	s26 =	sshra.s32 s10, $0x1F;
	s19 =	sadd.s32 s20, s19;
	s21 =	sand.u32 $0xFFFE0000, s21  }
0x11: {  	v5 =	vld [tilespmem:s17+$0xFFFFFFD0];
	[tilespmem:s18+$0x2040 ss:$0x81] =	vst.msk $0xffff, v4;
	s23 =	sand.u32 $0xFFFFFC00, s22;
	s29 =	sand.u32 $0x380, s24;
	s22 =	sand.u32 $0x3C00, s22  }
0x12: {  	v58 =	vld [tilespmem:s17+$0xFFFFFFE0];
	[tilespmem:s18+$0x2850 ss:$0x81] =	vst.msk $0xffff, v3;
	s21 =	sadd.s32 s23, s21;
	s20 =	sor.u32 s28, s22;
	s22 =	smov.u32 s9  }
0x13: {  	v59 =	vld [tilespmem:s17+$0xFFFFFFF0];
	[tilespmem:s18+$0x3060 ss:$0x81] =	vst.msk $0xffff, v2;
	s24 =	sand.u32 s30, s9;
	s21 =	sshrl.u32 s21, $0xE;
	s22 =	simm.s32 @!p1 $0x368  }
0x14: {  	v60 =	vld [tilespmem:s17+$0x0];
	[tilespmem:s18+$0x0 ss:$0x81] =	vst.msk $0xffff, v1;
	p1 =	sgt.s32 s10, $0x3F80;
	s31 =	ssub.s32 s22, s24;
	s22 =	smov.u32 s10  }
0x15: {  	v61 =	vld [tilespmem:s17+$0x10];
	[tilespmem:s19+$0x3870 ss:$0x81] =	vst.msk $0xffff, v0;
	s25 =	smulhi.u32 $0x418938, s21;
	s24 =	sand.u32 s26, s10;
	s22 =	simm.s32 @!p1 $0x3F80  }
0x16: {  	v62 =	vld [tilespmem:s17+$0x20];
	s20 =	sor.u32 s29, s20;
	[tilespmem:s19+$0x810 ss:$0x81] =	vst.msk $0xffff, v5;
	s27 =	sadd.s32 $0xFFFFFC98, s31;
	s22 =	ssub.s32 s22, s24  }
0x17: {  	v63 =	vld [tilespmem:s17+$0xFFFFFFC0];
	[tilespmem:s19+$0x1020 ss:$0x81] =	vst.msk $0xffff, v58;
	s18 =	ssub.s32 $0x3E8, s31;
	s28 =	smul.u32 $0x3E8, s25;
	s29 =	sadd.s32 $0xFFFFC080, s22  }
0x18: {  	[tilespmem:s19+$0x1830 ss:$0x81] =	vst.msk $0xffff, v59;
	p1 =	sgt.s32 s27, $0x7F;
	s22 =	ssub.s32 $0x4000, s22;
	p2 =	sgt.s32 s29, $0x7F  }
0x19: {  	s30 =	sand.u32 $0x7, s10;
	[tilespmem:s19+$0x2040 ss:$0x81] =	vst.msk $0xffff, v60;
	s18 =	simm.s32 @p1 $0x0;
	s22 =	simm.s32 @p2 $0x0  }
0x1a: {  	s20 =	sshrl.u32 s20, $0x3;
	[tilespmem:s19+$0x2850 ss:$0x81] =	vst.msk $0xffff, v61;
	s17 =	ssub.s32 s21, s28;
	s18 =	smul.u32 s22, s18  }
0x1b: {  	[tilespmem:s19+$0x3060 ss:$0x81] =	vst.msk $0xffff, v62;
	s20 =	sadd.s32 s3, s20;
	s21 =	sshll.u32 s30, $0x12;
	s17 =	sshll.u32 s17, $0xB  }
0x1c: {  	[tilespmem:s19+$0x0 ss:$0x81] =	vst.msk $0xffff, v63;
	s31 =	sor.u32 $0x400, s21;
	s17 =	sadd.s32 s17, s20;
	s18 =	sand.u32 $0x3FFFFFFF, s18  }
0x1d: {  	[hbm4b:s17+s31] =	stream.strided.scatter [tilespmem:s16], [sflag:$0x2], s18, s8, s31, $0x20;
	[tilespmem:$0x10100] =	vst v63  }
.LBB1_5:
0x1e: {  	p1 =	slt.u32 s13, $0x2  }
0x1f: {  	s17 =	smov.u32 s15;
	p2 =	sgt.s32 @!p1 s15, $0x368;
	s16 =	sshra.s32 @!p1 s15, $0x1F  }
0x20: {  	p3 =	sgt.s32 @!p1 s14, $0x3F80;
	s18 =	sshra.s32 @!p1 s14, $0x1F;
	p2 =	por !p2, p1  }
0x21: {  	s15 =	sand.u32 @!p1 s16, s15;
	p3 =	por !p3, p1;
	s16 =	smov.u32 s14  }
0x22: {  	s14 =	sand.u32 @!p1 s18, s14;
	s17 =	simm.s32 @p2 $0x368;
	s16 =	simm.s32 @p3 $0x3F80  }
0x23: {  	s15 =	ssub.s32 @!p1 s17, s15;
	s14 =	ssub.s32 @!p1 s16, s14  }
0x24: {  	s18 =	smov.u32 s12;
	s16 =	sadd.s32 @!p1 $0xFFFFFC98, s15;
	s17 =	sadd.s32 @!p1 $0xFFFFC080, s14  }
0x25: {  	s15 =	ssub.s32 @!p1 $0x3E8, s15;
	p2 =	sgt.s32 @!p1 s16, $0x7F;
	p3 =	sgt.s32 @!p1 s17, $0x7F  }
0x26: {  	s14 =	ssub.s32 @!p1 $0x4000, s14;
	p2 =	por !p2, p1;
	p3 =	por !p3, p1  }
0x27: {  	s16 =	sadd.s32 $0x80, s11;
	s15 =	simm.s32 @!p2 $0x0;
	s14 =	simm.s32 @!p3 $0x0  }
0x28: {  	p2 =	sgt.s32 s16, $0x3E7;
	s14 =	smul.u32 @!p1 s14, s15;
	s15 =	sadd.s32 $0x1000, s12  }
0x29: {  	s18 =	smov.u32 @p2 s15  }
0x2a: {  	s16 =	simm.s32 @p2 $0x0;
	p2 =	sgt.s32 s18, $0x3FFF  }
0x2b: {  	s18 =	smov.u32 @p2 s2;
	p2 =	sne.s32 s13, s7  }
.Ltmp1:
0x2c: {  	p0 =	por !p0, !p0;
	s17 =	simm.s32 @!p1 $0x2;
	(pc) =	sbr.rel @!p2 .LBB1_6-.Ltmp1, $4  }
0x2d: {  	s15 =	smov.u32 s9;
	s9 =	smov.u32 s11;
	s14 =	sand.u32 @!p1 $0x3FFFFFFF, s14  }
0x2e: {  	s11 =	smov.u32 s16;
	_ =	swait.ge @!p1 [sflag:s17], s14;
	s19 =	ssub.s32 @!p1 $0x0, s14  }
0x2f: {  	s14 =	smov.u32 s10;
	s13 =	sadd.s32 $0x1, s13;
	[sflag:s17] =	ssyncset.done @!p1 $0x0  }
0x30: {  	s10 =	smov.u32 s12;
	s12 =	smov.u32 s18;
	[sflag:s17] =	ssyncadd.s32 @!p1 s19  }
.LBB1_1:
0x31: {  	p1 =	sge.u32 s13, s6  }
0x32: {  	s31 =	sadd.s32 $0xFFFFFFFF, s13;
	s16 =	sshll.u32 @!p1 s12, $0xA  }
0x33: {  	s17 =	sshll.u32 @!p1 s11, $0x3;
	s18 =	sshll.u32 @!p1 s12, $0x7;
	s16 =	sand.u32 @!p1 $0xFFE000, s16  }
0x34: {  	s19 =	sand.u32 @!p1 $0x78, s11;
	s16 =	sadd.s32 @!p1 s16, s17;
	s17 =	sand.u32 @!p1 $0x380, s18  }
0x35: {  	s18 =	sxor.u32 @!p1 $0xFFFFFFFF, s13;
	s16 =	sand.u32 @!p1 $0xFFFC00, s16;
	s17 =	sor.u32 @!p1 s17, s19  }
0x36: {  	s18 =	sshll.u32 @!p1 s18, $0xE;
	s16 =	sor.u32 @!p1 s16, s17;
	s17 =	sand.u32 @!p1 $0x7, s11  }
0x37: {  	s19 =	simm.s32 @!p1 $0x2000;
	s16 =	sshrl.u32 @!p1 s16, $0x3;
	s17 =	sshll.u32 @!p1 s17, $0x12  }
0x38: {  	s18 =	sand.u32 @!p1 $0x4000, s18;
	s16 =	sadd.s32 @!p1 s5, s16;
	s17 =	sor.u32 @!p1 $0x400, s17  }
0x39: {  	[tilespmem:s18], [sflag:$0x1] =	stream.strided.gather @!p1 [hbm4b:s16+s17], $0x4000, s19, s17, $0x38;
	[tilespmem:$0x10100] =	vst v63  }
0x3a: {  	p1 =	sge.u32 s31, s6  }
.Ltmp2:
0x3b: {  	_ = 	snop;
	(pc) =	sbr.rel @p1 .LBB1_5-.Ltmp2, $1  }
0x3c: {  	_ =	sdelay $0x3  }
0x3d: {  	s16 =	simm.s32 $0x1  }
0x3e: {  	_ =	swait.ge [sflag:s4], $0x4000;
	s16 =	simm.s32 @!p0 $0x0  }
0x3f: {  	[sflag:s4] =	ssyncset.done $0x0;
	s17 =	sshll.u32 s16, $0xE  }
0x40: {  	[sflag:s4] =	ssyncadd.s32 $0xFFFFC000;
	s17 =	sor.u32 $0x40, s17  }
0x41: {  	s16 =	smul.u32 $0x10200, s16;
	v0 =	vld [tilespmem:s17+$0x30]  }
0x42: {  	v1 =	vld [tilespmem:s17+$0xFFFFFFD0]  }
0x43: {  	s16 =	sshrl.u32 s16, $0x2;
	v5 =	vld [tilespmem:s17+$0xFFFFFFE0]  }
0x44: {  	v6 =	vld [tilespmem:s17+$0xFFFFFFF0];
	s19 =	sor.u32 $0x8000, s16  }
0x45: {  	s31 =	sand.u32 $0x1, s13;
	v4 =	vld [tilespmem:s17+$0x0];
	s18 =	sadd.s32 $0x0, s19  }
0x46: {  	v3 =	vld [tilespmem:s17+$0x10];
	s16 =	smul.u32 $0x10200, s31;
	[tilespmem:s18+$0x3870 ss:$0x81] =	vst.msk $0xffff, v0  }
0x47: {  	v2 =	vld [tilespmem:s17+$0x20];
	[tilespmem:s18+$0x810 ss:$0x81] =	vst.msk $0xffff, v1  }
0x48: {  	s16 =	sshrl.u32 s16, $0x2;
	v1 =	vld [tilespmem:s17+$0xFFFFFFC0];
	[tilespmem:s18+$0x1020 ss:$0x81] =	vst.msk $0xffff, v5;
	s17 =	sadd.s32 $0x80, s17  }
0x49: {  	s20 =	simm.s32 $0x4;
	s21 =	simm.s32 $0x8;
	s16 =	sor.u32 $0x8000, s16;
	[tilespmem:s18+$0x1830 ss:$0x81] =	vst.msk $0xffff, v6;
	v0 =	vld [tilespmem:s17+$0x30]  }
.LBB1_3:
0x4a: {  	p1 =	sne.s32 s21, $0x1FC;
	v5 =	vld [tilespmem:s17+$0xFFFFFFD0];
	[tilespmem:s18+$0x2040 ss:$0x81] =	vst.msk $0xffff, v4  }
0x4b: {  	v6 =	vld [tilespmem:s17+$0xFFFFFFE0];
	[tilespmem:s18+$0x2850 ss:$0x81] =	vst.msk $0xffff, v3  }
0x4c: {  	s22 =	sshra.s32 s20, $0x2;
	s20 =	smov.u32 s21;
	v7 =	vld [tilespmem:s17+$0xFFFFFFF0];
	[tilespmem:s18+$0x3060 ss:$0x81] =	vst.msk $0xffff, v2  }
.Ltmp3:
0x4d: {  	v4 =	vld [tilespmem:s17+$0x0];
	[tilespmem:s18+$0x0 ss:$0x81] =	vst.msk $0xffff, v1;
	s18 =	sadd.s32 s22, s19;
	(pc) =	sbr.rel @p1 .LBB1_3-.Ltmp3, $4  }
0x4e: {  	v3 =	vld [tilespmem:s17+$0x10];
	[tilespmem:s18+$0x3870 ss:$0x81] =	vst.msk $0xffff, v0  }
0x4f: {  	[tilespmem:s18+$0x810 ss:$0x81] =	vst.msk $0xffff, v5;
	v2 =	vld [tilespmem:s17+$0x20]  }
0x50: {  	v1 =	vld [tilespmem:s17+$0xFFFFFFC0];
	[tilespmem:s18+$0x1020 ss:$0x81] =	vst.msk $0xffff, v6;
	s17 =	sadd.s32 $0x80, s17  }
0x51: {  	s21 =	sadd.s32 $0x4, s21;
	v0 =	vld [tilespmem:s17+$0x30];
	[tilespmem:s18+$0x1830 ss:$0x81] =	vst.msk $0xffff, v7  }
.Ltmp4:
0x52: {  	_ = 	snop;
	(pc) =	sbr.rel .LBB1_4-.Ltmp4, $1  }
0x53: {  	_ =	sdelay $0x3  }
.LBB1_6:
0x54: {  	_ =	sfence.sel $0x180000  }
0x55: {  	s2 =	simm.s32 $0x1;
	[bflag:$0x0] =	sbarrier.arrive $0xFFFF  }
0x56: {  	s31 =	simm.s32 $0x2;
	[sflag:s2] =	ssyncpa.u1 $0x1  }
0x57: {  	[sflag:s31] =	ssyncpa.u1 $0x1  }
0x58: {  	p0 =	sne.s32 s0, $0x0;
	_ =	strace $0x9000004A  }
0x59: {  	s0 =	sadd.s32 @!p0 $0x100000, s1;
	[bflag:$0x2] =	sbarrier.arrive $0xFFFF  }
0x5a: {  	[sflag:s0] =	ssyncadd.tile.s32 @!p0 $0x1;
	_ =	shalt  }
.Lfunc_end1:
_tile_overlayer_lowered:
.L_overlay_start_2:
0x5b: {  	(tag) =	ssettag $0x2  }
0x5c: {  	s0 =	rddreg [dreg:$0x0];
	s2 =	stileid.u32  }
0x5d: {  	s1 =	rddreg [dreg:$0x1];
	p0 =	sne.s32 s2, $0x0  }
0x5e: {  	s3 =	rddreg [dreg:$0x2];
	[bflag:$0x3] =	sbarrier.arrive $0xFFFF;
	s2 =	simm.s32 @!p0 $0x1C01  }
0x5f: {  	[timem:s3], [sflag:s2] =	dma.local @!p0 [hbm:s0], s1  }
0x60: {  	s0 =	simm.s32 @!p0 $0x1  }
0x61: {  	_ =	swait.ge @!p0 [sflag:s0], s1  }
0x62: {  	s1 =	ssub.s32 @!p0 $0x0, s1;
	[sflag:s0] =	ssyncset.done @!p0 $0x0  }
0x63: {  	[sflag:s0] =	ssyncadd.s32 @!p0 s1  }
0x64: {  	[bflag:$0x3] =	sbarrier.arrive $0xFFFF  }
0x65: {  	_ =	shalt  }

</sc_bundles>
